<compile_context>
chip_gen: v7x
topology: tpu7x:2x2x1
jax: 0.10.2.dev20260603
libtpu: 0.0.44.dev20260713+nightly
codegen_flags: <defaults>
</compile_context>

<pallas_src>
import functools

import jax
import jax.numpy as jnp
from jax import lax
from jax.experimental import pallas as pl
from jax.experimental.pallas import tpu as pltpu
from jax.experimental.pallas import tpu_sc as plsc

N_NODES = 10000
N_EDGES = 320000
D_FEAT = 128
D_EDGE = 16

NC = 2
NS = 16
NW = NC * NS
EW = N_EDGES // NW
BL = 128
NBL = EW // BL
TAIL = EW - NBL * BL
NPAIR = NBL // 2
NP = 10240
SROW = NP // NS
IDXR = (EW + BL - 1) // BL + 1


def _mesh():
    return plsc.VectorSubcoreMesh(core_axis_name="c", subcore_axis_name="s",
                                  num_cores=NC, num_subcores=NS)


def _wid():
    return lax.axis_index("s") * NC + lax.axis_index("c")


def _sc_gather(x, src_r):
    @functools.partial(
        pl.kernel,
        out_type=jax.ShapeDtypeStruct((N_EDGES, D_FEAT), jnp.float32),
        mesh=_mesh(),
        scratch_types=[
            pltpu.VMEM((IDXR, BL), jnp.int32),
            pltpu.VMEM((BL, D_FEAT), jnp.float32),
            pltpu.VMEM((BL, D_FEAT), jnp.float32),
            pltpu.SemaphoreType.DMA,
            pltpu.SemaphoreType.DMA,
            pltpu.SemaphoreType.DMA,
            pltpu.SemaphoreType.DMA,
        ],
    )
    def k(x_hbm, src_hbm, xs_hbm, idx_v, rows0, rows1, g0, g1, w0, w1):
        wid = _wid()
        base = wid * EW
        pltpu.sync_copy(src_hbm.at[wid], idx_v)

        def gat(j, buf, sem):
            pltpu.async_copy(x_hbm.at[idx_v.at[j]], buf, sem)

        def wait_g(buf, sem):
            pltpu.make_async_copy(xs_hbm.at[pl.ds(0, BL)], buf, sem).wait()

        def wr(j, buf, sem):
            pltpu.async_copy(buf, xs_hbm.at[pl.ds(base + j * BL, BL)], sem)

        def wait_w(buf, sem):
            pltpu.make_async_copy(buf, xs_hbm.at[pl.ds(0, BL)], sem).wait()

        gat(0, rows0, g0)

        def body(jj, carry):
            j0 = 2 * jj
            gat(j0 + 1, rows1, g1)
            wait_g(rows0, g0)
            wr(j0, rows0, w0)

            @pl.when(jj < NPAIR - 1)
            def _():
                wait_w(rows0, w0)
                gat(j0 + 2, rows0, g0)

            wait_g(rows1, g1)
            wr(j0 + 1, rows1, w1)
            wait_w(rows1, w1)
            return carry

        lax.fori_loop(0, NPAIR, body, 0)
        wait_w(rows0, w0)
        tg = pltpu.async_copy(
            x_hbm.at[idx_v.at[NBL, pl.ds(0, TAIL)]],
            rows0.at[pl.ds(0, TAIL)], g0)
        tg.wait()
        pltpu.sync_copy(rows0.at[pl.ds(0, TAIL)],
                        xs_hbm.at[pl.ds(base + NBL * BL, TAIL)])

    return k(x, src_r)


def _tc_edge(xs, edge_attr, W1, b1, W2, b2, att_vec):
    BE = 1280
    grid = (N_EDGES // BE,)

    def body(xs_ref, ea_ref, w1_ref, b1_ref, w2_ref, b2_ref, att_ref,
             wmsg_ref, e_ref):
        ones_bc = jnp.ones((D_EDGE, D_FEAT), jnp.float32)
        ea = ea_ref[...]
        n2bc = jnp.dot(ea * ea, ones_bc, preferred_element_type=jnp.float32)
        rinv = 1.0 / (jnp.sqrt(n2bc) + 1e-8)
        g = jnp.dot(ea, w1_ref[...], preferred_element_type=jnp.float32)
        h = jnp.tanh(g * rinv + b1_ref[...])
        filt = (jnp.dot(h.astype(jnp.bfloat16),
                        w2_ref[...].astype(jnp.bfloat16),
                        preferred_element_type=jnp.float32)
                + b2_ref[...])
        msg = xs_ref[...] * filt
        s = jnp.dot(msg, att_ref[...], preferred_element_type=jnp.float32)
        e = jnp.exp(s)
        ebc = jnp.dot(e, jnp.ones((1, D_FEAT), jnp.float32),
                      preferred_element_type=jnp.float32)
        wmsg_ref[...] = msg * ebc
        e_ref[...] = e[:, 0][None, None, :]

    wmsg, e = pl.pallas_call(
        body,
        grid=grid,
        in_specs=[
            pl.BlockSpec((BE, D_FEAT), lambda i: (i, 0)),
            pl.BlockSpec((BE, D_EDGE), lambda i: (i, 0)),
            pl.BlockSpec((D_EDGE, D_FEAT), lambda i: (0, 0)),
            pl.BlockSpec((D_FEAT,), lambda i: (0,)),
            pl.BlockSpec((D_FEAT, D_FEAT), lambda i: (0, 0)),
            pl.BlockSpec((D_FEAT,), lambda i: (0,)),
            pl.BlockSpec((D_FEAT, 1), lambda i: (0, 0)),
        ],
        out_specs=[
            pl.BlockSpec((BE, D_FEAT), lambda i: (i, 0)),
            pl.BlockSpec((1, 1, BE), lambda i: (i, 0, 0)),
        ],
        out_shape=[
            jax.ShapeDtypeStruct((N_EDGES, D_FEAT), jnp.float32),
            jax.ShapeDtypeStruct((N_EDGES // BE, 1, BE), jnp.float32),
        ],
    )(xs, edge_attr, W1, b1, W2, b2, att_vec)
    return wmsg, e.reshape(N_EDGES)


def _sc_scatter(wmsg, e, tgt_r):
    @functools.partial(
        pl.kernel,
        out_type=[
            jax.ShapeDtypeStruct((NC, NP, D_FEAT), jnp.float32),
            jax.ShapeDtypeStruct((NC, NP), jnp.float32),
        ],
        mesh=_mesh(),
        scratch_types=[
            pltpu.VMEM((IDXR, BL), jnp.int32),
            pltpu.VMEM((BL, D_FEAT), jnp.float32),
            pltpu.VMEM((BL, D_FEAT), jnp.float32),
            pltpu.VMEM((BL,), jnp.float32),
            pltpu.VMEM((BL,), jnp.float32),
            pltpu.VMEM((32, D_FEAT), jnp.float32),
            pltpu.VMEM((SROW,), jnp.float32),
            pltpu.VMEM_SHARED((NP, D_FEAT), jnp.float32),
            pltpu.VMEM_SHARED((NP,), jnp.float32),
            pltpu.SemaphoreType.DMA,
            pltpu.SemaphoreType.DMA,
        ],
    )
    def k(wmsg_hbm, e_hbm, tgt_hbm, a2_hbm, z2_hbm,
          idx_v, m0, m1, e0, e1, zb_v, zb1_v, a_sh, z_sh, r0, r1):
        c = lax.axis_index("c")
        s = lax.axis_index("s")
        wid = s * NC + c
        base = wid * EW

        zeros16 = jnp.zeros((16,), jnp.float32)

        def z0(i, carry):
            def z1(kk, carry2):
                zb_v[i, pl.ds(kk * 16, 16)] = zeros16
                return carry2
            return lax.fori_loop(0, 8, z1, carry)

        lax.fori_loop(0, 32, z0, 0)

        def z2(i, carry):
            zb1_v[pl.ds(i * 16, 16)] = zeros16
            return carry

        lax.fori_loop(0, SROW // 16, z2, 0)

        def za(t, carry):
            pltpu.sync_copy(zb_v, a_sh.at[pl.ds(s * SROW + t * 32, 32)])
            return carry

        lax.fori_loop(0, SROW // 32, za, 0)
        pltpu.sync_copy(zb1_v, z_sh.at[pl.ds(s * SROW, SROW)])

        pltpu.sync_copy(tgt_hbm.at[wid], idx_v)
        plsc.subcore_barrier()

        def rd(j, mb, eb, sem):
            pltpu.async_copy(wmsg_hbm.at[pl.ds(base + j * BL, BL)], mb, sem)
            pltpu.async_copy(e_hbm.at[pl.ds(base + j * BL, BL)], eb, sem)

        def wait_rd(mb, eb, sem):
            pltpu.make_async_copy(wmsg_hbm.at[pl.ds(0, BL)], mb, sem).wait()
            pltpu.make_async_copy(e_hbm.at[pl.ds(0, BL)], eb, sem).wait()

        def scat(j, mb, eb):
            pltpu.sync_copy(mb, a_sh.at[idx_v.at[j]], add=True)
            pltpu.sync_copy(eb, z_sh.at[idx_v.at[j]], add=True)

        rd(0, m0, e0, r0)

        def body(jj, carry):
            j0 = 2 * jj
            rd(j0 + 1, m1, e1, r1)
            wait_rd(m0, e0, r0)
            scat(j0, m0, e0)

            @pl.when(jj < NPAIR - 1)
            def _():
                rd(j0 + 2, m0, e0, r0)

            wait_rd(m1, e1, r1)
            scat(j0 + 1, m1, e1)
            return carry

        lax.fori_loop(0, NPAIR, body, 0)
        pltpu.sync_copy(wmsg_hbm.at[pl.ds(base + NBL * BL, TAIL)],
                        m0.at[pl.ds(0, TAIL)])
        pltpu.sync_copy(e_hbm.at[pl.ds(base + NBL * BL, TAIL)],
                        e0.at[pl.ds(0, TAIL)])
        pltpu.sync_copy(m0.at[pl.ds(0, TAIL)],
                        a_sh.at[idx_v.at[NBL, pl.ds(0, TAIL)]], add=True)
        pltpu.sync_copy(e0.at[pl.ds(0, TAIL)],
                        z_sh.at[idx_v.at[NBL, pl.ds(0, TAIL)]], add=True)

        plsc.subcore_barrier()
        pltpu.sync_copy(a_sh.at[pl.ds(s * SROW, SROW)],
                        a2_hbm.at[c, pl.ds(s * SROW, SROW)])
        pltpu.sync_copy(z_sh.at[pl.ds(s * SROW, SROW)],
                        z2_hbm.at[c, pl.ds(s * SROW, SROW)])

    return k(wmsg, e, tgt_r)


def _tc_finalize(a2, z2):
    BN = 1024
    grid = (NP // BN,)

    def body(a_ref, z_ref, out_ref, zc_ref):
        a = a_ref[0] + a_ref[1]
        z = z_ref[0] + z_ref[1]
        zc_ref[...] = z
        out_ref[...] = a / (z[:, None] + 1e-16)

    outp, zc = pl.pallas_call(
        body,
        grid=grid,
        in_specs=[
            pl.BlockSpec((NC, BN, D_FEAT), lambda i: (0, i, 0)),
            pl.BlockSpec((NC, BN), lambda i: (0, i)),
        ],
        out_specs=[
            pl.BlockSpec((BN, D_FEAT), lambda i: (i, 0)),
            pl.BlockSpec((BN,), lambda i: (i,)),
        ],
        out_shape=[
            jax.ShapeDtypeStruct((NP, D_FEAT), jnp.float32),
            jax.ShapeDtypeStruct((NP,), jnp.float32),
        ],
    )(a2, z2)
    return outp, zc


def _sc_weights(e, zc, tgt_r):
    @functools.partial(
        pl.kernel,
        out_type=jax.ShapeDtypeStruct((N_EDGES,), jnp.float32),
        mesh=_mesh(),
        scratch_types=[
            pltpu.VMEM((IDXR, BL), jnp.int32),
            pltpu.VMEM((BL,), jnp.float32),
            pltpu.VMEM((BL,), jnp.float32),
            pltpu.VMEM((BL,), jnp.float32),
            pltpu.VMEM((BL,), jnp.float32),
            pltpu.VMEM((BL,), jnp.float32),
            pltpu.VMEM((BL,), jnp.float32),
            pltpu.SemaphoreType.DMA,
            pltpu.SemaphoreType.DMA,
            pltpu.SemaphoreType.DMA,
            pltpu.SemaphoreType.DMA,
        ],
    )
    def k(e_hbm, zc_hbm, tgt_hbm, w_hbm,
          idx_v, ev0, ev1, zv0, zv1, wv0, wv1, r0, r1, w0, w1):
        wid = _wid()
        base = wid * EW
        pltpu.sync_copy(tgt_hbm.at[wid], idx_v)

        def rd(j, eb, zb, sem):
            pltpu.async_copy(e_hbm.at[pl.ds(base + j * BL, BL)], eb, sem)
            pltpu.async_copy(zc_hbm.at[idx_v.at[j]], zb, sem)

        def wait_rd(eb, zb, sem):
            pltpu.make_async_copy(e_hbm.at[pl.ds(0, BL)], eb, sem).wait()
            pltpu.make_async_copy(e_hbm.at[pl.ds(0, BL)], zb, sem).wait()

        def comp(eb, zb, wb):
            for kk in range(BL // 16):
                sl = pl.ds(kk * 16, 16)
                wb[sl] = eb[sl] / (zb[sl] + 1e-16)

        def wr(j, wb, sem):
            pltpu.async_copy(wb, w_hbm.at[pl.ds(base + j * BL, BL)], sem)

        def wait_w(wb, sem):
            pltpu.make_async_copy(wb, w_hbm.at[pl.ds(0, BL)], sem).wait()

        rd(0, ev0, zv0, r0)

        def body(jj, carry):
            j0 = 2 * jj
            rd(j0 + 1, ev1, zv1, r1)
            wait_rd(ev0, zv0, r0)

            @pl.when(jj > 0)
            def _():
                wait_w(wv0, w0)

            comp(ev0, zv0, wv0)
            wr(j0, wv0, w0)

            @pl.when(jj < NPAIR - 1)
            def _():
                rd(j0 + 2, ev0, zv0, r0)

            wait_rd(ev1, zv1, r1)

            @pl.when(jj > 0)
            def _():
                wait_w(wv1, w1)

            comp(ev1, zv1, wv1)
            wr(j0 + 1, wv1, w1)
            return carry

        lax.fori_loop(0, NPAIR, body, 0)
        wait_w(wv0, w0)
        wait_w(wv1, w1)
        pltpu.sync_copy(e_hbm.at[pl.ds(base + NBL * BL, TAIL)],
                        ev0.at[pl.ds(0, TAIL)])
        pltpu.async_copy(zc_hbm.at[idx_v.at[NBL, pl.ds(0, TAIL)]],
                         zv0.at[pl.ds(0, TAIL)], r0).wait()
        wv0[pl.ds(0, 16)] = ev0[pl.ds(0, 16)] / (zv0[pl.ds(0, 16)] + 1e-16)
        pltpu.sync_copy(wv0.at[pl.ds(0, TAIL)],
                        w_hbm.at[pl.ds(base + NBL * BL, TAIL)])

    return k(e, zc, tgt_r)


def kernel(x, edge_index, edge_attr, W1, b1, W2, b2, att_vec):
    src = edge_index[0].astype(jnp.int32)
    tgt = edge_index[1].astype(jnp.int32)
    src_r = jnp.pad(src.reshape(NW, EW), ((0, 0), (0, IDXR * BL - EW))
                    ).reshape(NW, IDXR, BL)
    tgt_r = jnp.pad(tgt.reshape(NW, EW), ((0, 0), (0, IDXR * BL - EW))
                    ).reshape(NW, IDXR, BL)

    xs = _sc_gather(x, src_r)
    wmsg, e = _tc_edge(xs, edge_attr, W1, b1, W2, b2, att_vec)
    a2, z2 = _sc_scatter(wmsg, e, tgt_r)
    outp, zc = _tc_finalize(a2, z2)
    w = _sc_weights(e, zc, tgt_r)
    return outp[:N_NODES], w

# --- scband reference (transcript-rebuilt; emitter-appended) ---
"""Pipeline reference for scband-reference-cfconv-38328288150131 (READ-ONLY COPY).

The authoritative reference and input builder live on the scoring server;
editing this copy changes nothing except your own understanding.
"""

import jax, jax.numpy as jnp
import numpy as np

N_NODES = 10000
N_EDGES = 320000
D_FEAT = 128
D_EDGE = 16
D_HID = 128


def setup_inputs(seed: int = 0) -> dict:
    key = jax.random.key(seed)
    k1, k2, k3, k4, k5, k6 = [jax.random.fold_in(key, i) for i in range(6)]
    x = jax.random.normal(k1, (N_NODES, D_FEAT), dtype=jnp.float32)
    edge_index = jax.random.randint(k2, (2, N_EDGES), 0, N_NODES)
    edge_attr = jax.random.normal(k3, (N_EDGES, D_EDGE), dtype=jnp.float32)
    # filter network params (Linear(edge_channels, hidden) -> tanh -> Linear(hidden, out))
    W1 = jax.random.normal(k4, (D_EDGE, D_HID), dtype=jnp.float32) * (1.0 / np.sqrt(D_EDGE))
    b1 = jnp.zeros((D_HID,), dtype=jnp.float32)
    W2 = jax.random.normal(k5, (D_HID, D_FEAT), dtype=jnp.float32) * (1.0 / np.sqrt(D_HID))
    b2 = jnp.zeros((D_FEAT,), dtype=jnp.float32)
    # attention vector, xavier_uniform with gain=1.414
    bound = 1.414 * np.sqrt(6.0 / (D_FEAT + 1))
    att_vec = jax.random.uniform(k6, (D_FEAT, 1), dtype=jnp.float32, minval=-bound, maxval=bound)
    return {"x": x, "edge_index": edge_index, "edge_attr": edge_attr,
            "W1": W1, "b1": b1, "W2": W2, "b2": b2, "att_vec": att_vec}


def reference(x, edge_index, edge_attr, W1, b1, W2, b2, att_vec):
    source = edge_index[0]
    target = edge_index[1]
    N = x.shape[0]
    source_features = jnp.take(x, source, axis=0)
    norm = jnp.linalg.norm(edge_attr, axis=-1, keepdims=True)
    edge_attr_norm = edge_attr / (norm + 1e-08)
    h = jnp.tanh(edge_attr_norm @ W1 + b1)
    edge_filters = h @ W2 + b2
    messages = source_features * edge_filters
    # segment softmax over target (torch_geometric.utils.softmax semantics)
    attention_scores = jnp.squeeze(messages @ att_vec, axis=-1)
    seg_max = jax.ops.segment_max(attention_scores, target, num_segments=N)
    shifted = attention_scores - jnp.take(seg_max, target, axis=0)
    exp = jnp.exp(shifted)
    seg_sum = jax.ops.segment_sum(exp, target, num_segments=N)
    attention_weights = exp / (jnp.take(seg_sum, target, axis=0) + 1e-16)
    messages = messages * attention_weights[:, None]
    # scatter-add aggregation over destination nodes (replaces python loop)
    output = jax.ops.segment_sum(messages, target, num_segments=N)
    return (output, attention_weights)

if __name__ == "__main__":
    import jax
    _d = setup_inputs()
    print(jax.jit(kernel)(*tuple(_d.values())))

</pallas_src>

<mosaic_0001>
#map = affine_map<(d0, d1) -> (0, 0)>
#map1 = affine_map<(d0, d1) -> (0)>
#map2 = affine_map<(d0, d1) -> (0, 0, 0)>
module attributes {stable_mosaic.version = 14 : i64} {
  func.func @k(%arg0: i32, %arg1: i32, %arg2: memref<320000x128xf32, #tpu.memory_space<hbm>>, %arg3: memref<320000xf32, #tpu.memory_space<hbm>>, %arg4: memref<32x80x128xi32, #tpu.memory_space<hbm>>, %arg5: memref<2x10240x128xf32, #tpu.memory_space<hbm>>, %arg6: memref<2x10240xf32, #tpu.memory_space<hbm>>, %arg7: memref<80x128xi32, #tpu.memory_space<vmem>>, %arg8: memref<128x128xf32, #tpu.memory_space<vmem>>, %arg9: memref<128x128xf32, #tpu.memory_space<vmem>>, %arg10: memref<128xf32, #tpu.memory_space<vmem>>, %arg11: memref<128xf32, #tpu.memory_space<vmem>>, %arg12: memref<32x128xf32, #tpu.memory_space<vmem>>, %arg13: memref<640xf32, #tpu.memory_space<vmem>>, %arg14: memref<10240x128xf32, #tpu.memory_space<vmem_shared>>, %arg15: memref<10240xf32, #tpu.memory_space<vmem_shared>>, %arg16: memref<!tpu.dma_semaphore, #tpu.memory_space<semaphore_mem>>, %arg17: memref<!tpu.dma_semaphore, #tpu.memory_space<semaphore_mem>>) attributes {dimension_semantics = [#tpu.dimension_semantics<core_parallel>, #tpu.dimension_semantics<subcore_parallel>], iteration_bounds = array<i64: 2, 16>, scalar_prefetch = 0 : i64, scratch_operands = 11 : i64, tpu.core_type = #tpu.core_type<sc_vector_subcore>, window_params = [{transform_indices = #map}, {transform_indices = #map1}, {transform_indices = #map2}, {transform_indices = #map2}, {transform_indices = #map}]} {
    %mul3A = arith.constant 2 : i32
    %mul3A_0 = arith.muli %arg1, %mul3A : i32
    %add3A = arith.addi %mul3A_0, %arg0 : i32
    %mul3A_1 = arith.constant 10000 : i32
    %mul3A_2 = arith.muli %add3A, %mul3A_1 : i32
    %broadcast_in_dim3A = arith.constant 0.000000e+00 : f32
    %broadcast_in_dim3A_3 = vector.broadcast %broadcast_in_dim3A : f32 to vector<16xf32>
    %scan3A = arith.constant 0 : i32
    %scan3A_4 = arith.constant 0 : i32
    %scan3A_5 = arith.constant 32 : i32
    %scan3A_6 = arith.addi %scan3A_4, %scan3A_5 : i32
    %scan3A_7 = arith.constant 1 : i32
    scf.for %scan3A_52 = %scan3A_4 to %scan3A_6 step %scan3A_7  : i32 {
      %scan3A_53 = arith.constant 0 : i32
      %scan3A_54 = arith.constant 8 : i32
      %scan3A_55 = arith.addi %scan3A_53, %scan3A_54 : i32
      %scan3A_56 = arith.constant 1 : i32
      scf.for %scan3A_58 = %scan3A_53 to %scan3A_55 step %scan3A_56  : i32 {
        %mul3A_59 = arith.constant 16 : i32
        %mul3A_60 = arith.muli %scan3A_58, %mul3A_59 : i32
        %swap3A = arith.index_cast %scan3A_52 : i32 to index
        %swap3A_61 = arith.index_cast %mul3A_60 : i32 to index
        %swap3A_62 = tpu.vector_load %arg12[%swap3A, %swap3A_61] {strides = array<i32>} : memref<32x128xf32, #tpu.memory_space<vmem>>, vector<1x16xf32>,
        %swap3A_63 = vector.shape_cast %swap3A_62 : vector<1x16xf32> to vector<16xf32>
        %swap3A_64 = vector.shape_cast %broadcast_in_dim3A_3 : vector<16xf32> to vector<1x16xf32>
        tpu.vector_store %arg12[%swap3A, %swap3A_61], %swap3A_64 {strides = array<i32>} : memref<32x128xf32, #tpu.memory_space<vmem>>, vector<1x16xf32>,
      }
      %scan3A_57 = arith.constant 8 : i32
    }
    %scan3A_8 = arith.constant 32 : i32
    %scan3A_9 = arith.constant 0 : i32
    %scan3A_10 = arith.constant 0 : i32
    %scan3A_11 = arith.constant 40 : i32
    %scan3A_12 = arith.addi %scan3A_10, %scan3A_11 : i32
    %scan3A_13 = arith.constant 1 : i32
    scf.for %scan3A_52 = %scan3A_10 to %scan3A_12 step %scan3A_13  : i32 {
      %mul3A_53 = arith.constant 16 : i32
      %mul3A_54 = arith.muli %scan3A_52, %mul3A_53 : i32
      %swap3A = arith.index_cast %mul3A_54 : i32 to index
      %swap3A_55 = tpu.vector_load %arg13[%swap3A] {strides = array<i32>} : memref<640xf32, #tpu.memory_space<vmem>>, vector<16xf32>,
      %swap3A_56 = vector.shape_cast %swap3A_55 : vector<16xf32> to vector<16xf32>
      %swap3A_57 = vector.shape_cast %broadcast_in_dim3A_3 : vector<16xf32> to vector<16xf32>
      tpu.vector_store %arg13[%swap3A], %swap3A_57 {strides = array<i32>} : memref<640xf32, #tpu.memory_space<vmem>>, vector<16xf32>,
    }
    %scan3A_14 = arith.constant 40 : i32
    %scan3A_15 = arith.constant 0 : i32
    %scan3A_16 = arith.constant 0 : i32
    %scan3A_17 = arith.constant 20 : i32
    %scan3A_18 = arith.addi %scan3A_16, %scan3A_17 : i32
    %scan3A_19 = arith.constant 1 : i32
    scf.for %scan3A_52 = %scan3A_16 to %scan3A_18 step %scan3A_19  : i32 {
      %mul3A_53 = arith.constant 640 : i32
      %mul3A_54 = arith.muli %arg1, %mul3A_53 : i32
      %mul3A_55 = arith.constant 32 : i32
      %mul3A_56 = arith.muli %scan3A_52, %mul3A_55 : i32
      %add3A_57 = arith.addi %mul3A_54, %mul3A_56 : i32
      "tpu.region"() ({
        %run_scoped3A_58 = tpu.sem_alloc : memref<!tpu.dma_semaphore, #tpu.memory_space<semaphore_mem>>
        %dma_start3A_59 = arith.constant 0 : i32
        %dma_start3A_60 = tpu.memref_slice %arg14[%add3A_57, %dma_start3A_59] : memref<10240x128xf32, #tpu.memory_space<vmem_shared>> -> memref<32x128xf32, #tpu.memory_space<vmem_shared>>
        %dma_start3A_61 = arith.constant 0 : i32
        %dma_start3A_62 = tpu.memref_slice %arg14[%add3A_57, %dma_start3A_61] : memref<10240x128xf32, #tpu.memory_space<vmem_shared>> -> memref<32x128xf32, #tpu.memory_space<vmem_shared>>
        tpu.enqueue_dma source(%arg12 : memref<32x128xf32, #tpu.memory_space<vmem>>) target(%dma_start3A_62 : memref<32x128xf32, #tpu.memory_space<vmem_shared>>) target_semaphore(%run_scoped3A_58 : memref<!tpu.dma_semaphore, #tpu.memory_space<semaphore_mem>>)
        %dma_wait3A = arith.constant 0 : i32
        %dma_wait3A_63 = tpu.memref_slice %arg14[%add3A_57, %dma_wait3A] : memref<10240x128xf32, #tpu.memory_space<vmem_shared>> -> memref<32x128xf32, #tpu.memory_space<vmem_shared>>
        %dma_wait3A_64 = arith.constant 0 : i32
        %dma_wait3A_65 = tpu.memref_slice %arg14[%add3A_57, %dma_wait3A_64] : memref<10240x128xf32, #tpu.memory_space<vmem_shared>> -> memref<32x128xf32, #tpu.memory_space<vmem_shared>>
        tpu.wait_dma2 semaphore(%run_scoped3A_58 : memref<!tpu.dma_semaphore, #tpu.memory_space<semaphore_mem>>) src(%arg12 : memref<32x128xf32, #tpu.memory_space<vmem>>) dst(%dma_wait3A_65 : memref<32x128xf32, #tpu.memory_space<vmem_shared>>)
        tpu.yield
      }) : () -> ()
    }
    %scan3A_20 = arith.constant 20 : i32
    %mul3A_21 = arith.constant 640 : i32
    %mul3A_22 = arith.muli %arg1, %mul3A_21 : i32
    "tpu.region"() ({
      %run_scoped3A_52 = tpu.sem_alloc : memref<!tpu.dma_semaphore, #tpu.memory_space<semaphore_mem>>
      %dma_start3A_53 = tpu.memref_slice %arg15[%mul3A_22] : memref<10240xf32, #tpu.memory_space<vmem_shared>> -> memref<640xf32, #tpu.memory_space<vmem_shared>>
      %dma_start3A_54 = tpu.memref_slice %arg15[%mul3A_22] : memref<10240xf32, #tpu.memory_space<vmem_shared>> -> memref<640xf32, #tpu.memory_space<vmem_shared>>
      tpu.enqueue_dma source(%arg13 : memref<640xf32, #tpu.memory_space<vmem>>) target(%dma_start3A_54 : memref<640xf32, #tpu.memory_space<vmem_shared>>) target_semaphore(%run_scoped3A_52 : memref<!tpu.dma_semaphore, #tpu.memory_space<semaphore_mem>>)
      %dma_wait3A = tpu.memref_slice %arg15[%mul3A_22] : memref<10240xf32, #tpu.memory_space<vmem_shared>> -> memref<640xf32, #tpu.memory_space<vmem_shared>>
      %dma_wait3A_55 = tpu.memref_slice %arg15[%mul3A_22] : memref<10240xf32, #tpu.memory_space<vmem_shared>> -> memref<640xf32, #tpu.memory_space<vmem_shared>>
      tpu.wait_dma2 semaphore(%run_scoped3A_52 : memref<!tpu.dma_semaphore, #tpu.memory_space<semaphore_mem>>) src(%arg13 : memref<640xf32, #tpu.memory_space<vmem>>) dst(%dma_wait3A_55 : memref<640xf32, #tpu.memory_space<vmem_shared>>)
      tpu.yield
    }) : () -> ()
    "tpu.region"() ({
      %run_scoped3A_52 = tpu.sem_alloc : memref<!tpu.dma_semaphore, #tpu.memory_space<semaphore_mem>>
      %dma_start3A_53 = arith.constant 0 : i32
      %dma_start3A_54 = arith.constant 0 : i32
      %dma_start3A_55 = tpu.memref_slice %arg4[%add3A, %dma_start3A_53, %dma_start3A_54] : memref<32x80x128xi32, #tpu.memory_space<hbm>> -> memref<1x80x128xi32, #tpu.memory_space<hbm>>
      %dma_start3A_56 = tpu.memref_squeeze %dma_start3A_55 : memref<1x80x128xi32, #tpu.memory_space<hbm>> -> memref<80x128xi32, #tpu.memory_space<hbm>>
      %dma_start3A_57 = arith.constant 0 : i32
      %dma_start3A_58 = arith.constant 0 : i32
      %dma_start3A_59 = tpu.memref_slice %arg4[%add3A, %dma_start3A_57, %dma_start3A_58] : memref<32x80x128xi32, #tpu.memory_space<hbm>> -> memref<1x80x128xi32, #tpu.memory_space<hbm>>
      %dma_start3A_60 = tpu.memref_squeeze %dma_start3A_59 : memref<1x80x128xi32, #tpu.memory_space<hbm>> -> memref<80x128xi32, #tpu.memory_space<hbm>>
      tpu.enqueue_dma source(%dma_start3A_60 : memref<80x128xi32, #tpu.memory_space<hbm>>) target(%arg7 : memref<80x128xi32, #tpu.memory_space<vmem>>) target_semaphore(%run_scoped3A_52 : memref<!tpu.dma_semaphore, #tpu.memory_space<semaphore_mem>>)
      %dma_wait3A = arith.constant 0 : i32
      %dma_wait3A_61 = arith.constant 0 : i32
      %dma_wait3A_62 = tpu.memref_slice %arg4[%add3A, %dma_wait3A, %dma_wait3A_61] : memref<32x80x128xi32, #tpu.memory_space<hbm>> -> memref<1x80x128xi32, #tpu.memory_space<hbm>>
      %dma_wait3A_63 = tpu.memref_squeeze %dma_wait3A_62 : memref<1x80x128xi32, #tpu.memory_space<hbm>> -> memref<80x128xi32, #tpu.memory_space<hbm>>
      %dma_wait3A_64 = arith.constant 0 : i32
      %dma_wait3A_65 = arith.constant 0 : i32
      %dma_wait3A_66 = tpu.memref_slice %arg4[%add3A, %dma_wait3A_64, %dma_wait3A_65] : memref<32x80x128xi32, #tpu.memory_space<hbm>> -> memref<1x80x128xi32, #tpu.memory_space<hbm>>
      %dma_wait3A_67 = tpu.memref_squeeze %dma_wait3A_66 : memref<1x80x128xi32, #tpu.memory_space<hbm>> -> memref<80x128xi32, #tpu.memory_space<hbm>>
      tpu.wait_dma2 semaphore(%run_scoped3A_52 : memref<!tpu.dma_semaphore, #tpu.memory_space<semaphore_mem>>) src(%dma_wait3A_67 : memref<80x128xi32, #tpu.memory_space<hbm>>) dst(%arg7 : memref<80x128xi32, #tpu.memory_space<vmem>>)
      tpu.yield
    }) : () -> ()
    %barrier3A = arith.constant 0 : index
    tpu.barrier barrier_id(%barrier3A)
    %add3A_23 = arith.constant 0 : i32
    %add3A_24 = arith.addi %mul3A_2, %add3A_23 : i32
    %dma_start3A = arith.constant 0 : i32
    %dma_start3A_25 = tpu.memref_slice %arg2[%add3A_24, %dma_start3A] : memref<320000x128xf32, #tpu.memory_space<hbm>> -> memref<128x128xf32, #tpu.memory_space<hbm>>
    %dma_start3A_26 = arith.constant 0 : i32
    %dma_start3A_27 = tpu.memref_slice %arg2[%add3A_24, %dma_start3A_26] : memref<320000x128xf32, #tpu.memory_space<hbm>> -> memref<128x128xf32, #tpu.memory_space<hbm>>
    tpu.enqueue_dma source(%dma_start3A_27 : memref<128x128xf32, #tpu.memory_space<hbm>>) target(%arg8 : memref<128x128xf32, #tpu.memory_space<vmem>>) target_semaphore(%arg16 : memref<!tpu.dma_semaphore, #tpu.memory_space<semaphore_mem>>)
    %add3A_28 = arith.constant 0 : i32
    %add3A_29 = arith.addi %mul3A_2, %add3A_28 : i32
    %dma_start3A_30 = tpu.memref_slice %arg3[%add3A_29] : memref<320000xf32, #tpu.memory_space<hbm>> -> memref<128xf32, #tpu.memory_space<hbm>>
    %dma_start3A_31 = tpu.memref_slice %arg3[%add3A_29] : memref<320000xf32, #tpu.memory_space<hbm>> -> memref<128xf32, #tpu.memory_space<hbm>>
    tpu.enqueue_dma source(%dma_start3A_31 : memref<128xf32, #tpu.memory_space<hbm>>) target(%arg10 : memref<128xf32, #tpu.memory_space<vmem>>) target_semaphore(%arg16 : memref<!tpu.dma_semaphore, #tpu.memory_space<semaphore_mem>>)
    %scan3A_32 = arith.constant 0 : i32
    %scan3A_33 = arith.constant 0 : i32
    %scan3A_34 = arith.constant 39 : i32
    %scan3A_35 = arith.addi %scan3A_33, %scan3A_34 : i32
    %scan3A_36 = arith.constant 1 : i32
    scf.for %scan3A_52 = %scan3A_33 to %scan3A_35 step %scan3A_36  : i32 {
      %mul3A_53 = arith.constant 2 : i32
      %mul3A_54 = arith.muli %mul3A_53, %scan3A_52 : i32
      %add3A_55 = arith.constant 1 : i32
      %add3A_56 = arith.addi %mul3A_54, %add3A_55 : i32
      %mul3A_57 = arith.constant 128 : i32
      %mul3A_58 = arith.muli %add3A_56, %mul3A_57 : i32
      %add3A_59 = arith.addi %mul3A_2, %mul3A_58 : i32
      %dma_start3A_60 = arith.constant 0 : i32
      %dma_start3A_61 = tpu.memref_slice %arg2[%add3A_59, %dma_start3A_60] : memref<320000x128xf32, #tpu.memory_space<hbm>> -> memref<128x128xf32, #tpu.memory_space<hbm>>
      %dma_start3A_62 = arith.constant 0 : i32
      %dma_start3A_63 = tpu.memref_slice %arg2[%add3A_59, %dma_start3A_62] : memref<320000x128xf32, #tpu.memory_space<hbm>> -> memref<128x128xf32, #tpu.memory_space<hbm>>
      tpu.enqueue_dma source(%dma_start3A_63 : memref<128x128xf32, #tpu.memory_space<hbm>>) target(%arg9 : memref<128x128xf32, #tpu.memory_space<vmem>>) target_semaphore(%arg17 : memref<!tpu.dma_semaphore, #tpu.memory_space<semaphore_mem>>)
      %mul3A_64 = arith.constant 128 : i32
      %mul3A_65 = arith.muli %add3A_56, %mul3A_64 : i32
      %add3A_66 = arith.addi %mul3A_2, %mul3A_65 : i32
      %dma_start3A_67 = tpu.memref_slice %arg3[%add3A_66] : memref<320000xf32, #tpu.memory_space<hbm>> -> memref<128xf32, #tpu.memory_space<hbm>>
      %dma_start3A_68 = tpu.memref_slice %arg3[%add3A_66] : memref<320000xf32, #tpu.memory_space<hbm>> -> memref<128xf32, #tpu.memory_space<hbm>>
      tpu.enqueue_dma source(%dma_start3A_68 : memref<128xf32, #tpu.memory_space<hbm>>) target(%arg11 : memref<128xf32, #tpu.memory_space<vmem>>) target_semaphore(%arg17 : memref<!tpu.dma_semaphore, #tpu.memory_space<semaphore_mem>>)
      %dma_wait3A = arith.constant 0 : i32
      %dma_wait3A_69 = arith.constant 0 : i32
      %dma_wait3A_70 = tpu.memref_slice %arg2[%dma_wait3A, %dma_wait3A_69] : memref<320000x128xf32, #tpu.memory_space<hbm>> -> memref<128x128xf32, #tpu.memory_space<hbm>>
      %dma_wait3A_71 = arith.constant 0 : i32
      %dma_wait3A_72 = arith.constant 0 : i32
      %dma_wait3A_73 = tpu.memref_slice %arg2[%dma_wait3A_71, %dma_wait3A_72] : memref<320000x128xf32, #tpu.memory_space<hbm>> -> memref<128x128xf32, #tpu.memory_space<hbm>>
      tpu.wait_dma2 semaphore(%arg16 : memref<!tpu.dma_semaphore, #tpu.memory_space<semaphore_mem>>) src(%dma_wait3A_73 : memref<128x128xf32, #tpu.memory_space<hbm>>) dst(%arg8 : memref<128x128xf32, #tpu.memory_space<vmem>>)
      %dma_wait3A_74 = arith.constant 0 : i32
      %dma_wait3A_75 = tpu.memref_slice %arg3[%dma_wait3A_74] : memref<320000xf32, #tpu.memory_space<hbm>> -> memref<128xf32, #tpu.memory_space<hbm>>
      %dma_wait3A_76 = arith.constant 0 : i32
      %dma_wait3A_77 = tpu.memref_slice %arg3[%dma_wait3A_76] : memref<320000xf32, #tpu.memory_space<hbm>> -> memref<128xf32, #tpu.memory_space<hbm>>
      tpu.wait_dma2 semaphore(%arg16 : memref<!tpu.dma_semaphore, #tpu.memory_space<semaphore_mem>>) src(%dma_wait3A_77 : memref<128xf32, #tpu.memory_space<hbm>>) dst(%arg10 : memref<128xf32, #tpu.memory_space<vmem>>)
      "tpu.region"() ({
        %run_scoped3A_92 = tpu.sem_alloc : memref<!tpu.dma_semaphore, #tpu.memory_space<semaphore_mem>>
        %dma_start3A_93 = arith.constant 0 : i32
        %dma_start3A_94 = tpu.memref_slice %arg7[%mul3A_54, %dma_start3A_93] : memref<80x128xi32, #tpu.memory_space<vmem>> -> memref<1x128xi32, #tpu.memory_space<vmem>>
        %dma_start3A_95 = tpu.memref_squeeze %dma_start3A_94 : memref<1x128xi32, #tpu.memory_space<vmem>> -> memref<128xi32, #tpu.memory_space<vmem>>
        %dma_start3A_96 = arith.constant 0 : i32
        %dma_start3A_97 = arith.constant 0 : i32
        %dma_start3A_98 = tpu.memref_slice %arg14[%dma_start3A_96, %dma_start3A_97] : memref<10240x128xf32, #tpu.memory_space<vmem_shared>> -> memref<10240x128xf32, #tpu.memory_space<vmem_shared>>
        tpu.enqueue_indirect_dma source(%arg8 : memref<128x128xf32, #tpu.memory_space<vmem>>) target(%dma_start3A_98 : memref<10240x128xf32, #tpu.memory_space<vmem_shared>>) offsets(%dma_start3A_95 : memref<128xi32, #tpu.memory_space<vmem>>) semaphore(%run_scoped3A_92 : memref<!tpu.dma_semaphore, #tpu.memory_space<semaphore_mem>>) {add = true}
        %dma_wait3A_99 = arith.constant 0 : i32
        %dma_wait3A_100 = tpu.memref_slice %arg7[%mul3A_54, %dma_wait3A_99] : memref<80x128xi32, #tpu.memory_space<vmem>> -> memref<1x128xi32, #tpu.memory_space<vmem>>
        %dma_wait3A_101 = tpu.memref_squeeze %dma_wait3A_100 : memref<1x128xi32, #tpu.memory_space<vmem>> -> memref<128xi32, #tpu.memory_space<vmem>>
        %dma_wait3A_102 = arith.constant 0 : i32
        %dma_wait3A_103 = arith.constant 0 : i32
        %dma_wait3A_104 = tpu.memref_slice %arg14[%dma_wait3A_102, %dma_wait3A_103] : memref<10240x128xf32, #tpu.memory_space<vmem_shared>> -> memref<10240x128xf32, #tpu.memory_space<vmem_shared>>
        tpu.wait_indirect_dma semaphore(%run_scoped3A_92 : memref<!tpu.dma_semaphore, #tpu.memory_space<semaphore_mem>>) src(%arg8 : memref<128x128xf32, #tpu.memory_space<vmem>>) dst(%dma_wait3A_104 : memref<10240x128xf32, #tpu.memory_space<vmem_shared>>)
        tpu.yield
      }) : () -> ()
      "tpu.region"() ({
        %run_scoped3A_92 = tpu.sem_alloc : memref<!tpu.dma_semaphore, #tpu.memory_space<semaphore_mem>>
        %dma_start3A_93 = arith.constant 0 : i32
        %dma_start3A_94 = tpu.memref_slice %arg7[%mul3A_54, %dma_start3A_93] : memref<80x128xi32, #tpu.memory_space<vmem>> -> memref<1x128xi32, #tpu.memory_space<vmem>>
        %dma_start3A_95 = tpu.memref_squeeze %dma_start3A_94 : memref<1x128xi32, #tpu.memory_space<vmem>> -> memref<128xi32, #tpu.memory_space<vmem>>
        %dma_start3A_96 = arith.constant 0 : i32
        %dma_start3A_97 = tpu.memref_slice %arg15[%dma_start3A_96] : memref<10240xf32, #tpu.memory_space<vmem_shared>> -> memref<10240xf32, #tpu.memory_space<vmem_shared>>
        tpu.enqueue_indirect_dma source(%arg10 : memref<128xf32, #tpu.memory_space<vmem>>) target(%dma_start3A_97 : memref<10240xf32, #tpu.memory_space<vmem_shared>>) offsets(%dma_start3A_95 : memref<128xi32, #tpu.memory_space<vmem>>) semaphore(%run_scoped3A_92 : memref<!tpu.dma_semaphore, #tpu.memory_space<semaphore_mem>>) {add = true}
        %dma_wait3A_98 = arith.constant 0 : i32
        %dma_wait3A_99 = tpu.memref_slice %arg7[%mul3A_54, %dma_wait3A_98] : memref<80x128xi32, #tpu.memory_space<vmem>> -> memref<1x128xi32, #tpu.memory_space<vmem>>
        %dma_wait3A_100 = tpu.memref_squeeze %dma_wait3A_99 : memref<1x128xi32, #tpu.memory_space<vmem>> -> memref<128xi32, #tpu.memory_space<vmem>>
        %dma_wait3A_101 = arith.constant 0 : i32
        %dma_wait3A_102 = tpu.memref_slice %arg15[%dma_wait3A_101] : memref<10240xf32, #tpu.memory_space<vmem_shared>> -> memref<10240xf32, #tpu.memory_space<vmem_shared>>
        tpu.wait_indirect_dma semaphore(%run_scoped3A_92 : memref<!tpu.dma_semaphore, #tpu.memory_space<semaphore_mem>>) src(%arg10 : memref<128xf32, #tpu.memory_space<vmem>>) dst(%dma_wait3A_102 : memref<10240xf32, #tpu.memory_space<vmem_shared>>)
        tpu.yield
      }) : () -> ()
      %lt3A = arith.constant 38 : i32
      %lt3A_78 = arith.cmpi slt, %scan3A_52, %lt3A : i32
      %convert_element_type3A = arith.extui %lt3A_78 : i1 to i32
      %cond3A = arith.constant 0 : i32
      %cond3A_79 = arith.cmpi ne, %convert_element_type3A, %cond3A : i32
      scf.if %cond3A_79 {
        %add3A_92 = arith.constant 2 : i32
        %add3A_93 = arith.addi %mul3A_54, %add3A_92 : i32
        %mul3A_94 = arith.constant 128 : i32
        %mul3A_95 = arith.muli %add3A_93, %mul3A_94 : i32
        %add3A_96 = arith.addi %mul3A_2, %mul3A_95 : i32
        %dma_start3A_97 = arith.constant 0 : i32
        %dma_start3A_98 = tpu.memref_slice %arg2[%add3A_96, %dma_start3A_97] : memref<320000x128xf32, #tpu.memory_space<hbm>> -> memref<128x128xf32, #tpu.memory_space<hbm>>
        %dma_start3A_99 = arith.constant 0 : i32
        %dma_start3A_100 = tpu.memref_slice %arg2[%add3A_96, %dma_start3A_99] : memref<320000x128xf32, #tpu.memory_space<hbm>> -> memref<128x128xf32, #tpu.memory_space<hbm>>
        tpu.enqueue_dma source(%dma_start3A_100 : memref<128x128xf32, #tpu.memory_space<hbm>>) target(%arg8 : memref<128x128xf32, #tpu.memory_space<vmem>>) target_semaphore(%arg16 : memref<!tpu.dma_semaphore, #tpu.memory_space<semaphore_mem>>)
        %mul3A_101 = arith.constant 128 : i32
        %mul3A_102 = arith.muli %add3A_93, %mul3A_101 : i32
        %add3A_103 = arith.addi %mul3A_2, %mul3A_102 : i32
        %dma_start3A_104 = tpu.memref_slice %arg3[%add3A_103] : memref<320000xf32, #tpu.memory_space<hbm>> -> memref<128xf32, #tpu.memory_space<hbm>>
        %dma_start3A_105 = tpu.memref_slice %arg3[%add3A_103] : memref<320000xf32, #tpu.memory_space<hbm>> -> memref<128xf32, #tpu.memory_space<hbm>>
        tpu.enqueue_dma source(%dma_start3A_105 : memref<128xf32, #tpu.memory_space<hbm>>) target(%arg10 : memref<128xf32, #tpu.memory_space<vmem>>) target_semaphore(%arg16 : memref<!tpu.dma_semaphore, #tpu.memory_space<semaphore_mem>>)
      } else {
      }
      %dma_wait3A_80 = arith.constant 0 : i32
      %dma_wait3A_81 = arith.constant 0 : i32
      %dma_wait3A_82 = tpu.memref_slice %arg2[%dma_wait3A_80, %dma_wait3A_81] : memref<320000x128xf32, #tpu.memory_space<hbm>> -> memref<128x128xf32, #tpu.memory_space<hbm>>
      %dma_wait3A_83 = arith.constant 0 : i32
      %dma_wait3A_84 = arith.constant 0 : i32
      %dma_wait3A_85 = tpu.memref_slice %arg2[%dma_wait3A_83, %dma_wait3A_84] : memref<320000x128xf32, #tpu.memory_space<hbm>> -> memref<128x128xf32, #tpu.memory_space<hbm>>
      tpu.wait_dma2 semaphore(%arg17 : memref<!tpu.dma_semaphore, #tpu.memory_space<semaphore_mem>>) src(%dma_wait3A_85 : memref<128x128xf32, #tpu.memory_space<hbm>>) dst(%arg9 : memref<128x128xf32, #tpu.memory_space<vmem>>)
      %dma_wait3A_86 = arith.constant 0 : i32
      %dma_wait3A_87 = tpu.memref_slice %arg3[%dma_wait3A_86] : memref<320000xf32, #tpu.memory_space<hbm>> -> memref<128xf32, #tpu.memory_space<hbm>>
      %dma_wait3A_88 = arith.constant 0 : i32
      %dma_wait3A_89 = tpu.memref_slice %arg3[%dma_wait3A_88] : memref<320000xf32, #tpu.memory_space<hbm>> -> memref<128xf32, #tpu.memory_space<hbm>>
      tpu.wait_dma2 semaphore(%arg17 : memref<!tpu.dma_semaphore, #tpu.memory_space<semaphore_mem>>) src(%dma_wait3A_89 : memref<128xf32, #tpu.memory_space<hbm>>) dst(%arg11 : memref<128xf32, #tpu.memory_space<vmem>>)
      %add3A_90 = arith.constant 1 : i32
      %add3A_91 = arith.addi %mul3A_54, %add3A_90 : i32
      "tpu.region"() ({
        %run_scoped3A_92 = tpu.sem_alloc : memref<!tpu.dma_semaphore, #tpu.memory_space<semaphore_mem>>
        %dma_start3A_93 = arith.constant 0 : i32
        %dma_start3A_94 = tpu.memref_slice %arg7[%add3A_91, %dma_start3A_93] : memref<80x128xi32, #tpu.memory_space<vmem>> -> memref<1x128xi32, #tpu.memory_space<vmem>>
        %dma_start3A_95 = tpu.memref_squeeze %dma_start3A_94 : memref<1x128xi32, #tpu.memory_space<vmem>> -> memref<128xi32, #tpu.memory_space<vmem>>
        %dma_start3A_96 = arith.constant 0 : i32
        %dma_start3A_97 = arith.constant 0 : i32
        %dma_start3A_98 = tpu.memref_slice %arg14[%dma_start3A_96, %dma_start3A_97] : memref<10240x128xf32, #tpu.memory_space<vmem_shared>> -> memref<10240x128xf32, #tpu.memory_space<vmem_shared>>
        tpu.enqueue_indirect_dma source(%arg9 : memref<128x128xf32, #tpu.memory_space<vmem>>) target(%dma_start3A_98 : memref<10240x128xf32, #tpu.memory_space<vmem_shared>>) offsets(%dma_start3A_95 : memref<128xi32, #tpu.memory_space<vmem>>) semaphore(%run_scoped3A_92 : memref<!tpu.dma_semaphore, #tpu.memory_space<semaphore_mem>>) {add = true}
        %dma_wait3A_99 = arith.constant 0 : i32
        %dma_wait3A_100 = tpu.memref_slice %arg7[%add3A_91, %dma_wait3A_99] : memref<80x128xi32, #tpu.memory_space<vmem>> -> memref<1x128xi32, #tpu.memory_space<vmem>>
        %dma_wait3A_101 = tpu.memref_squeeze %dma_wait3A_100 : memref<1x128xi32, #tpu.memory_space<vmem>> -> memref<128xi32, #tpu.memory_space<vmem>>
        %dma_wait3A_102 = arith.constant 0 : i32
        %dma_wait3A_103 = arith.constant 0 : i32
        %dma_wait3A_104 = tpu.memref_slice %arg14[%dma_wait3A_102, %dma_wait3A_103] : memref<10240x128xf32, #tpu.memory_space<vmem_shared>> -> memref<10240x128xf32, #tpu.memory_space<vmem_shared>>
        tpu.wait_indirect_dma semaphore(%run_scoped3A_92 : memref<!tpu.dma_semaphore, #tpu.memory_space<semaphore_mem>>) src(%arg9 : memref<128x128xf32, #tpu.memory_space<vmem>>) dst(%dma_wait3A_104 : memref<10240x128xf32, #tpu.memory_space<vmem_shared>>)
        tpu.yield
      }) : () -> ()
      "tpu.region"() ({
        %run_scoped3A_92 = tpu.sem_alloc : memref<!tpu.dma_semaphore, #tpu.memory_space<semaphore_mem>>
        %dma_start3A_93 = arith.constant 0 : i32
        %dma_start3A_94 = tpu.memref_slice %arg7[%add3A_91, %dma_start3A_93] : memref<80x128xi32, #tpu.memory_space<vmem>> -> memref<1x128xi32, #tpu.memory_space<vmem>>
        %dma_start3A_95 = tpu.memref_squeeze %dma_start3A_94 : memref<1x128xi32, #tpu.memory_space<vmem>> -> memref<128xi32, #tpu.memory_space<vmem>>
        %dma_start3A_96 = arith.constant 0 : i32
        %dma_start3A_97 = tpu.memref_slice %arg15[%dma_start3A_96] : memref<10240xf32, #tpu.memory_space<vmem_shared>> -> memref<10240xf32, #tpu.memory_space<vmem_shared>>
        tpu.enqueue_indirect_dma source(%arg11 : memref<128xf32, #tpu.memory_space<vmem>>) target(%dma_start3A_97 : memref<10240xf32, #tpu.memory_space<vmem_shared>>) offsets(%dma_start3A_95 : memref<128xi32, #tpu.memory_space<vmem>>) semaphore(%run_scoped3A_92 : memref<!tpu.dma_semaphore, #tpu.memory_space<semaphore_mem>>) {add = true}
        %dma_wait3A_98 = arith.constant 0 : i32
        %dma_wait3A_99 = tpu.memref_slice %arg7[%add3A_91, %dma_wait3A_98] : memref<80x128xi32, #tpu.memory_space<vmem>> -> memref<1x128xi32, #tpu.memory_space<vmem>>
        %dma_wait3A_100 = tpu.memref_squeeze %dma_wait3A_99 : memref<1x128xi32, #tpu.memory_space<vmem>> -> memref<128xi32, #tpu.memory_space<vmem>>
        %dma_wait3A_101 = arith.constant 0 : i32
        %dma_wait3A_102 = tpu.memref_slice %arg15[%dma_wait3A_101] : memref<10240xf32, #tpu.memory_space<vmem_shared>> -> memref<10240xf32, #tpu.memory_space<vmem_shared>>
        tpu.wait_indirect_dma semaphore(%run_scoped3A_92 : memref<!tpu.dma_semaphore, #tpu.memory_space<semaphore_mem>>) src(%arg11 : memref<128xf32, #tpu.memory_space<vmem>>) dst(%dma_wait3A_102 : memref<10240xf32, #tpu.memory_space<vmem_shared>>)
        tpu.yield
      }) : () -> ()
    }
    %scan3A_37 = arith.constant 39 : i32
    %add3A_38 = arith.constant 9984 : i32
    %add3A_39 = arith.addi %mul3A_2, %add3A_38 : i32
    "tpu.region"() ({
      %run_scoped3A_52 = tpu.sem_alloc : memref<!tpu.dma_semaphore, #tpu.memory_space<semaphore_mem>>
      %dma_start3A_53 = arith.constant 0 : i32
      %dma_start3A_54 = arith.constant 0 : i32
      %dma_start3A_55 = tpu.memref_slice %arg8[%dma_start3A_53, %dma_start3A_54] : memref<128x128xf32, #tpu.memory_space<vmem>> -> memref<16x128xf32, #tpu.memory_space<vmem>>
      %dma_start3A_56 = arith.constant 0 : i32
      %dma_start3A_57 = tpu.memref_slice %arg2[%add3A_39, %dma_start3A_56] : memref<320000x128xf32, #tpu.memory_space<hbm>> -> memref<16x128xf32, #tpu.memory_space<hbm>>
      %dma_start3A_58 = arith.constant 0 : i32
      %dma_start3A_59 = arith.constant 0 : i32
      %dma_start3A_60 = tpu.memref_slice %arg8[%dma_start3A_58, %dma_start3A_59] : memref<128x128xf32, #tpu.memory_space<vmem>> -> memref<16x128xf32, #tpu.memory_space<vmem>>
      %dma_start3A_61 = arith.constant 0 : i32
      %dma_start3A_62 = tpu.memref_slice %arg2[%add3A_39, %dma_start3A_61] : memref<320000x128xf32, #tpu.memory_space<hbm>> -> memref<16x128xf32, #tpu.memory_space<hbm>>
      tpu.enqueue_dma source(%dma_start3A_62 : memref<16x128xf32, #tpu.memory_space<hbm>>) target(%dma_start3A_60 : memref<16x128xf32, #tpu.memory_space<vmem>>) target_semaphore(%run_scoped3A_52 : memref<!tpu.dma_semaphore, #tpu.memory_space<semaphore_mem>>)
      %dma_wait3A = arith.constant 0 : i32
      %dma_wait3A_63 = arith.constant 0 : i32
      %dma_wait3A_64 = tpu.memref_slice %arg8[%dma_wait3A, %dma_wait3A_63] : memref<128x128xf32, #tpu.memory_space<vmem>> -> memref<16x128xf32, #tpu.memory_space<vmem>>
      %dma_wait3A_65 = arith.constant 0 : i32
      %dma_wait3A_66 = tpu.memref_slice %arg2[%add3A_39, %dma_wait3A_65] : memref<320000x128xf32, #tpu.memory_space<hbm>> -> memref<16x128xf32, #tpu.memory_space<hbm>>
      %dma_wait3A_67 = arith.constant 0 : i32
      %dma_wait3A_68 = arith.constant 0 : i32
      %dma_wait3A_69 = tpu.memref_slice %arg8[%dma_wait3A_67, %dma_wait3A_68] : memref<128x128xf32, #tpu.memory_space<vmem>> -> memref<16x128xf32, #tpu.memory_space<vmem>>
      %dma_wait3A_70 = arith.constant 0 : i32
      %dma_wait3A_71 = tpu.memref_slice %arg2[%add3A_39, %dma_wait3A_70] : memref<320000x128xf32, #tpu.memory_space<hbm>> -> memref<16x128xf32, #tpu.memory_space<hbm>>
      tpu.wait_dma2 semaphore(%run_scoped3A_52 : memref<!tpu.dma_semaphore, #tpu.memory_space<semaphore_mem>>) src(%dma_wait3A_71 : memref<16x128xf32, #tpu.memory_space<hbm>>) dst(%dma_wait3A_69 : memref<16x128xf32, #tpu.memory_space<vmem>>)
      tpu.yield
    }) : () -> ()
    %add3A_40 = arith.constant 9984 : i32
    %add3A_41 = arith.addi %mul3A_2, %add3A_40 : i32
    "tpu.region"() ({
      %run_scoped3A_52 = tpu.sem_alloc : memref<!tpu.dma_semaphore, #tpu.memory_space<semaphore_mem>>
      %dma_start3A_53 = arith.constant 0 : i32
      %dma_start3A_54 = tpu.memref_slice %arg10[%dma_start3A_53] : memref<128xf32, #tpu.memory_space<vmem>> -> memref<16xf32, #tpu.memory_space<vmem>>
      %dma_start3A_55 = tpu.memref_slice %arg3[%add3A_41] : memref<320000xf32, #tpu.memory_space<hbm>> -> memref<16xf32, #tpu.memory_space<hbm>>
      %dma_start3A_56 = arith.constant 0 : i32
      %dma_start3A_57 = tpu.memref_slice %arg10[%dma_start3A_56] : memref<128xf32, #tpu.memory_space<vmem>> -> memref<16xf32, #tpu.memory_space<vmem>>
      %dma_start3A_58 = tpu.memref_slice %arg3[%add3A_41] : memref<320000xf32, #tpu.memory_space<hbm>> -> memref<16xf32, #tpu.memory_space<hbm>>
      tpu.enqueue_dma source(%dma_start3A_58 : memref<16xf32, #tpu.memory_space<hbm>>) target(%dma_start3A_57 : memref<16xf32, #tpu.memory_space<vmem>>) target_semaphore(%run_scoped3A_52 : memref<!tpu.dma_semaphore, #tpu.memory_space<semaphore_mem>>)
      %dma_wait3A = arith.constant 0 : i32
      %dma_wait3A_59 = tpu.memref_slice %arg10[%dma_wait3A] : memref<128xf32, #tpu.memory_space<vmem>> -> memref<16xf32, #tpu.memory_space<vmem>>
      %dma_wait3A_60 = tpu.memref_slice %arg3[%add3A_41] : memref<320000xf32, #tpu.memory_space<hbm>> -> memref<16xf32, #tpu.memory_space<hbm>>
      %dma_wait3A_61 = arith.constant 0 : i32
      %dma_wait3A_62 = tpu.memref_slice %arg10[%dma_wait3A_61] : memref<128xf32, #tpu.memory_space<vmem>> -> memref<16xf32, #tpu.memory_space<vmem>>
      %dma_wait3A_63 = tpu.memref_slice %arg3[%add3A_41] : memref<320000xf32, #tpu.memory_space<hbm>> -> memref<16xf32, #tpu.memory_space<hbm>>
      tpu.wait_dma2 semaphore(%run_scoped3A_52 : memref<!tpu.dma_semaphore, #tpu.memory_space<semaphore_mem>>) src(%dma_wait3A_63 : memref<16xf32, #tpu.memory_space<hbm>>) dst(%dma_wait3A_62 : memref<16xf32, #tpu.memory_space<vmem>>)
      tpu.yield
    }) : () -> ()
    %run_scoped3A = arith.constant 78 : i32
    "tpu.region"() ({
      %run_scoped3A_52 = tpu.sem_alloc : memref<!tpu.dma_semaphore, #tpu.memory_space<semaphore_mem>>
      %dma_start3A_53 = arith.constant 0 : i32
      %dma_start3A_54 = arith.constant 0 : i32
      %dma_start3A_55 = tpu.memref_slice %arg8[%dma_start3A_53, %dma_start3A_54] : memref<128x128xf32, #tpu.memory_space<vmem>> -> memref<16x128xf32, #tpu.memory_space<vmem>>
      %dma_start3A_56 = arith.constant 0 : i32
      %dma_start3A_57 = tpu.memref_slice %arg7[%run_scoped3A, %dma_start3A_56] : memref<80x128xi32, #tpu.memory_space<vmem>> -> memref<1x16xi32, #tpu.memory_space<vmem>>
      %dma_start3A_58 = tpu.memref_squeeze %dma_start3A_57 : memref<1x16xi32, #tpu.memory_space<vmem>> -> memref<16xi32, #tpu.memory_space<vmem>>
      %dma_start3A_59 = arith.constant 0 : i32
      %dma_start3A_60 = arith.constant 0 : i32
      %dma_start3A_61 = tpu.memref_slice %arg14[%dma_start3A_59, %dma_start3A_60] : memref<10240x128xf32, #tpu.memory_space<vmem_shared>> -> memref<10240x128xf32, #tpu.memory_space<vmem_shared>>
      tpu.enqueue_indirect_dma source(%dma_start3A_55 : memref<16x128xf32, #tpu.memory_space<vmem>>) target(%dma_start3A_61 : memref<10240x128xf32, #tpu.memory_space<vmem_shared>>) offsets(%dma_start3A_58 : memref<16xi32, #tpu.memory_space<vmem>>) semaphore(%run_scoped3A_52 : memref<!tpu.dma_semaphore, #tpu.memory_space<semaphore_mem>>) {add = true}
      %dma_wait3A = arith.constant 0 : i32
      %dma_wait3A_62 = arith.constant 0 : i32
      %dma_wait3A_63 = tpu.memref_slice %arg8[%dma_wait3A, %dma_wait3A_62] : memref<128x128xf32, #tpu.memory_space<vmem>> -> memref<16x128xf32, #tpu.memory_space<vmem>>
      %dma_wait3A_64 = arith.constant 0 : i32
      %dma_wait3A_65 = tpu.memref_slice %arg7[%run_scoped3A, %dma_wait3A_64] : memref<80x128xi32, #tpu.memory_space<vmem>> -> memref<1x16xi32, #tpu.memory_space<vmem>>
      %dma_wait3A_66 = tpu.memref_squeeze %dma_wait3A_65 : memref<1x16xi32, #tpu.memory_space<vmem>> -> memref<16xi32, #tpu.memory_space<vmem>>
      %dma_wait3A_67 = arith.constant 0 : i32
      %dma_wait3A_68 = arith.constant 0 : i32
      %dma_wait3A_69 = tpu.memref_slice %arg14[%dma_wait3A_67, %dma_wait3A_68] : memref<10240x128xf32, #tpu.memory_space<vmem_shared>> -> memref<10240x128xf32, #tpu.memory_space<vmem_shared>>
      tpu.wait_indirect_dma semaphore(%run_scoped3A_52 : memref<!tpu.dma_semaphore, #tpu.memory_space<semaphore_mem>>) src(%dma_wait3A_63 : memref<16x128xf32, #tpu.memory_space<vmem>>) dst(%dma_wait3A_69 : memref<10240x128xf32, #tpu.memory_space<vmem_shared>>)
      tpu.yield
    }) : () -> ()
    %run_scoped3A_42 = arith.constant 78 : i32
    "tpu.region"() ({
      %run_scoped3A_52 = tpu.sem_alloc : memref<!tpu.dma_semaphore, #tpu.memory_space<semaphore_mem>>
      %dma_start3A_53 = arith.constant 0 : i32
      %dma_start3A_54 = tpu.memref_slice %arg10[%dma_start3A_53] : memref<128xf32, #tpu.memory_space<vmem>> -> memref<16xf32, #tpu.memory_space<vmem>>
      %dma_start3A_55 = arith.constant 0 : i32
      %dma_start3A_56 = tpu.memref_slice %arg7[%run_scoped3A_42, %dma_start3A_55] : memref<80x128xi32, #tpu.memory_space<vmem>> -> memref<1x16xi32, #tpu.memory_space<vmem>>
      %dma_start3A_57 = tpu.memref_squeeze %dma_start3A_56 : memref<1x16xi32, #tpu.memory_space<vmem>> -> memref<16xi32, #tpu.memory_space<vmem>>
      %dma_start3A_58 = arith.constant 0 : i32
      %dma_start3A_59 = tpu.memref_slice %arg15[%dma_start3A_58] : memref<10240xf32, #tpu.memory_space<vmem_shared>> -> memref<10240xf32, #tpu.memory_space<vmem_shared>>
      tpu.enqueue_indirect_dma source(%dma_start3A_54 : memref<16xf32, #tpu.memory_space<vmem>>) target(%dma_start3A_59 : memref<10240xf32, #tpu.memory_space<vmem_shared>>) offsets(%dma_start3A_57 : memref<16xi32, #tpu.memory_space<vmem>>) semaphore(%run_scoped3A_52 : memref<!tpu.dma_semaphore, #tpu.memory_space<semaphore_mem>>) {add = true}
      %dma_wait3A = arith.constant 0 : i32
      %dma_wait3A_60 = tpu.memref_slice %arg10[%dma_wait3A] : memref<128xf32, #tpu.memory_space<vmem>> -> memref<16xf32, #tpu.memory_space<vmem>>
      %dma_wait3A_61 = arith.constant 0 : i32
      %dma_wait3A_62 = tpu.memref_slice %arg7[%run_scoped3A_42, %dma_wait3A_61] : memref<80x128xi32, #tpu.memory_space<vmem>> -> memref<1x16xi32, #tpu.memory_space<vmem>>
      %dma_wait3A_63 = tpu.memref_squeeze %dma_wait3A_62 : memref<1x16xi32, #tpu.memory_space<vmem>> -> memref<16xi32, #tpu.memory_space<vmem>>
      %dma_wait3A_64 = arith.constant 0 : i32
      %dma_wait3A_65 = tpu.memref_slice %arg15[%dma_wait3A_64] : memref<10240xf32, #tpu.memory_space<vmem_shared>> -> memref<10240xf32, #tpu.memory_space<vmem_shared>>
      tpu.wait_indirect_dma semaphore(%run_scoped3A_52 : memref<!tpu.dma_semaphore, #tpu.memory_space<semaphore_mem>>) src(%dma_wait3A_60 : memref<16xf32, #tpu.memory_space<vmem>>) dst(%dma_wait3A_65 : memref<10240xf32, #tpu.memory_space<vmem_shared>>)
      tpu.yield
    }) : () -> ()
    %barrier3A_43 = arith.constant 0 : index
    tpu.barrier barrier_id(%barrier3A_43)
    %mul3A_44 = arith.constant 640 : i32
    %mul3A_45 = arith.muli %arg1, %mul3A_44 : i32
    %mul3A_46 = arith.constant 640 : i32
    %mul3A_47 = arith.muli %arg1, %mul3A_46 : i32
    "tpu.region"() ({
      %run_scoped3A_52 = tpu.sem_alloc : memref<!tpu.dma_semaphore, #tpu.memory_space<semaphore_mem>>
      %dma_start3A_53 = arith.constant 0 : i32
      %dma_start3A_54 = tpu.memref_slice %arg5[%arg0, %mul3A_47, %dma_start3A_53] : memref<2x10240x128xf32, #tpu.memory_space<hbm>> -> memref<1x640x128xf32, #tpu.memory_space<hbm>>
      %dma_start3A_55 = tpu.memref_squeeze %dma_start3A_54 : memref<1x640x128xf32, #tpu.memory_space<hbm>> -> memref<640x128xf32, #tpu.memory_space<hbm>>
      %dma_start3A_56 = arith.constant 0 : i32
      %dma_start3A_57 = tpu.memref_slice %arg14[%mul3A_45, %dma_start3A_56] : memref<10240x128xf32, #tpu.memory_space<vmem_shared>> -> memref<640x128xf32, #tpu.memory_space<vmem_shared>>
      tpu.enqueue_dma source(%dma_start3A_57 : memref<640x128xf32, #tpu.memory_space<vmem_shared>>) target(%dma_start3A_55 : memref<640x128xf32, #tpu.memory_space<hbm>>) target_semaphore(%run_scoped3A_52 : memref<!tpu.dma_semaphore, #tpu.memory_space<semaphore_mem>>)
      %dma_wait3A = arith.constant 0 : i32
      %dma_wait3A_58 = tpu.memref_slice %arg5[%arg0, %mul3A_47, %dma_wait3A] : memref<2x10240x128xf32, #tpu.memory_space<hbm>> -> memref<1x640x128xf32, #tpu.memory_space<hbm>>
      %dma_wait3A_59 = tpu.memref_squeeze %dma_wait3A_58 : memref<1x640x128xf32, #tpu.memory_space<hbm>> -> memref<640x128xf32, #tpu.memory_space<hbm>>
      %dma_wait3A_60 = arith.constant 0 : i32
      %dma_wait3A_61 = tpu.memref_slice %arg14[%mul3A_45, %dma_wait3A_60] : memref<10240x128xf32, #tpu.memory_space<vmem_shared>> -> memref<640x128xf32, #tpu.memory_space<vmem_shared>>
      tpu.wait_dma2 semaphore(%run_scoped3A_52 : memref<!tpu.dma_semaphore, #tpu.memory_space<semaphore_mem>>) src(%dma_wait3A_61 : memref<640x128xf32, #tpu.memory_space<vmem_shared>>) dst(%dma_wait3A_59 : memref<640x128xf32, #tpu.memory_space<hbm>>)
      tpu.yield
    }) : () -> ()
    %mul3A_48 = arith.constant 640 : i32
    %mul3A_49 = arith.muli %arg1, %mul3A_48 : i32
    %mul3A_50 = arith.constant 640 : i32
    %mul3A_51 = arith.muli %arg1, %mul3A_50 : i32
    "tpu.region"() ({
      %run_scoped3A_52 = tpu.sem_alloc : memref<!tpu.dma_semaphore, #tpu.memory_space<semaphore_mem>>
      %dma_start3A_53 = tpu.memref_slice %arg6[%arg0, %mul3A_51] : memref<2x10240xf32, #tpu.memory_space<hbm>> -> memref<1x640xf32, #tpu.memory_space<hbm>>
      %dma_start3A_54 = tpu.memref_squeeze %dma_start3A_53 : memref<1x640xf32, #tpu.memory_space<hbm>> -> memref<640xf32, #tpu.memory_space<hbm>>
      %dma_start3A_55 = tpu.memref_slice %arg15[%mul3A_49] : memref<10240xf32, #tpu.memory_space<vmem_shared>> -> memref<640xf32, #tpu.memory_space<vmem_shared>>
      tpu.enqueue_dma source(%dma_start3A_55 : memref<640xf32, #tpu.memory_space<vmem_shared>>) target(%dma_start3A_54 : memref<640xf32, #tpu.memory_space<hbm>>) target_semaphore(%run_scoped3A_52 : memref<!tpu.dma_semaphore, #tpu.memory_space<semaphore_mem>>)
      %dma_wait3A = tpu.memref_slice %arg6[%arg0, %mul3A_51] : memref<2x10240xf32, #tpu.memory_space<hbm>> -> memref<1x640xf32, #tpu.memory_space<hbm>>
      %dma_wait3A_56 = tpu.memref_squeeze %dma_wait3A : memref<1x640xf32, #tpu.memory_space<hbm>> -> memref<640xf32, #tpu.memory_space<hbm>>
      %dma_wait3A_57 = tpu.memref_slice %arg15[%mul3A_49] : memref<10240xf32, #tpu.memory_space<vmem_shared>> -> memref<640xf32, #tpu.memory_space<vmem_shared>>
      tpu.wait_dma2 semaphore(%run_scoped3A_52 : memref<!tpu.dma_semaphore, #tpu.memory_space<semaphore_mem>>) src(%dma_wait3A_57 : memref<640xf32, #tpu.memory_space<vmem_shared>>) dst(%dma_wait3A_56 : memref<640xf32, #tpu.memory_space<hbm>>)
      tpu.yield
    }) : () -> ()
    return
  }
}

#map = affine_map<(d0, d1) -> (0, 0)>
#map1 = affine_map<(d0, d1) -> (0, 0, 0)>
module attributes {stable_mosaic.version = 14 : i64} {
  func.func @k(%arg0: i32, %arg1: i32, %arg2: memref<10000x128xf32, #tpu.memory_space<hbm>>, %arg3: memref<32x80x128xi32, #tpu.memory_space<hbm>>, %arg4: memref<320000x128xf32, #tpu.memory_space<hbm>>, %arg5: memref<80x128xi32, #tpu.memory_space<vmem>>, %arg6: memref<128x128xf32, #tpu.memory_space<vmem>>, %arg7: memref<128x128xf32, #tpu.memory_space<vmem>>, %arg8: memref<!tpu.dma_semaphore, #tpu.memory_space<semaphore_mem>>, %arg9: memref<!tpu.dma_semaphore, #tpu.memory_space<semaphore_mem>>, %arg10: memref<!tpu.dma_semaphore, #tpu.memory_space<semaphore_mem>>, %arg11: memref<!tpu.dma_semaphore, #tpu.memory_space<semaphore_mem>>) attributes {dimension_semantics = [#tpu.dimension_semantics<core_parallel>, #tpu.dimension_semantics<subcore_parallel>], iteration_bounds = array<i64: 2, 16>, scalar_prefetch = 0 : i64, scratch_operands = 7 : i64, tpu.core_type = #tpu.core_type<sc_vector_subcore>, window_params = [{transform_indices = #map}, {transform_indices = #map1}, {transform_indices = #map}]} {
    %mul3A = arith.constant 2 : i32
    %mul3A_0 = arith.muli %arg1, %mul3A : i32
    %add3A = arith.addi %mul3A_0, %arg0 : i32
    %mul3A_1 = arith.constant 10000 : i32
    %mul3A_2 = arith.muli %add3A, %mul3A_1 : i32
    "tpu.region"() ({
      %run_scoped3A = tpu.sem_alloc : memref<!tpu.dma_semaphore, #tpu.memory_space<semaphore_mem>>
      %dma_start3A_41 = arith.constant 0 : i32
      %dma_start3A_42 = arith.constant 0 : i32
      %dma_start3A_43 = tpu.memref_slice %arg3[%add3A, %dma_start3A_41, %dma_start3A_42] : memref<32x80x128xi32, #tpu.memory_space<hbm>> -> memref<1x80x128xi32, #tpu.memory_space<hbm>>
      %dma_start3A_44 = tpu.memref_squeeze %dma_start3A_43 : memref<1x80x128xi32, #tpu.memory_space<hbm>> -> memref<80x128xi32, #tpu.memory_space<hbm>>
      %dma_start3A_45 = arith.constant 0 : i32
      %dma_start3A_46 = arith.constant 0 : i32
      %dma_start3A_47 = tpu.memref_slice %arg3[%add3A, %dma_start3A_45, %dma_start3A_46] : memref<32x80x128xi32, #tpu.memory_space<hbm>> -> memref<1x80x128xi32, #tpu.memory_space<hbm>>
      %dma_start3A_48 = tpu.memref_squeeze %dma_start3A_47 : memref<1x80x128xi32, #tpu.memory_space<hbm>> -> memref<80x128xi32, #tpu.memory_space<hbm>>
      tpu.enqueue_dma source(%dma_start3A_48 : memref<80x128xi32, #tpu.memory_space<hbm>>) target(%arg5 : memref<80x128xi32, #tpu.memory_space<vmem>>) target_semaphore(%run_scoped3A : memref<!tpu.dma_semaphore, #tpu.memory_space<semaphore_mem>>)
      %dma_wait3A_49 = arith.constant 0 : i32
      %dma_wait3A_50 = arith.constant 0 : i32
      %dma_wait3A_51 = tpu.memref_slice %arg3[%add3A, %dma_wait3A_49, %dma_wait3A_50] : memref<32x80x128xi32, #tpu.memory_space<hbm>> -> memref<1x80x128xi32, #tpu.memory_space<hbm>>
      %dma_wait3A_52 = tpu.memref_squeeze %dma_wait3A_51 : memref<1x80x128xi32, #tpu.memory_space<hbm>> -> memref<80x128xi32, #tpu.memory_space<hbm>>
      %dma_wait3A_53 = arith.constant 0 : i32
      %dma_wait3A_54 = arith.constant 0 : i32
      %dma_wait3A_55 = tpu.memref_slice %arg3[%add3A, %dma_wait3A_53, %dma_wait3A_54] : memref<32x80x128xi32, #tpu.memory_space<hbm>> -> memref<1x80x128xi32, #tpu.memory_space<hbm>>
      %dma_wait3A_56 = tpu.memref_squeeze %dma_wait3A_55 : memref<1x80x128xi32, #tpu.memory_space<hbm>> -> memref<80x128xi32, #tpu.memory_space<hbm>>
      tpu.wait_dma2 semaphore(%run_scoped3A : memref<!tpu.dma_semaphore, #tpu.memory_space<semaphore_mem>>) src(%dma_wait3A_56 : memref<80x128xi32, #tpu.memory_space<hbm>>) dst(%arg5 : memref<80x128xi32, #tpu.memory_space<vmem>>)
      tpu.yield
    }) : () -> ()
    %dma_start3A = arith.constant 0 : i32
    %dma_start3A_3 = arith.constant 0 : i32
    %dma_start3A_4 = tpu.memref_slice %arg5[%dma_start3A, %dma_start3A_3] : memref<80x128xi32, #tpu.memory_space<vmem>> -> memref<1x128xi32, #tpu.memory_space<vmem>>
    %dma_start3A_5 = tpu.memref_squeeze %dma_start3A_4 : memref<1x128xi32, #tpu.memory_space<vmem>> -> memref<128xi32, #tpu.memory_space<vmem>>
    %dma_start3A_6 = arith.constant 0 : i32
    %dma_start3A_7 = arith.constant 0 : i32
    %dma_start3A_8 = tpu.memref_slice %arg2[%dma_start3A_6, %dma_start3A_7] : memref<10000x128xf32, #tpu.memory_space<hbm>> -> memref<10000x128xf32, #tpu.memory_space<hbm>>
    tpu.enqueue_indirect_dma source(%dma_start3A_8 : memref<10000x128xf32, #tpu.memory_space<hbm>>) target(%arg6 : memref<128x128xf32, #tpu.memory_space<vmem>>) offsets(%dma_start3A_5 : memref<128xi32, #tpu.memory_space<vmem>>) semaphore(%arg8 : memref<!tpu.dma_semaphore, #tpu.memory_space<semaphore_mem>>)
    %scan3A = arith.constant 0 : i32
    %scan3A_9 = arith.constant 0 : i32
    %scan3A_10 = arith.constant 39 : i32
    %scan3A_11 = arith.addi %scan3A_9, %scan3A_10 : i32
    %scan3A_12 = arith.constant 1 : i32
    scf.for %scan3A_41 = %scan3A_9 to %scan3A_11 step %scan3A_12  : i32 {
      %mul3A_42 = arith.constant 2 : i32
      %mul3A_43 = arith.muli %mul3A_42, %scan3A_41 : i32
      %add3A_44 = arith.constant 1 : i32
      %add3A_45 = arith.addi %mul3A_43, %add3A_44 : i32
      %dma_start3A_46 = arith.constant 0 : i32
      %dma_start3A_47 = tpu.memref_slice %arg5[%add3A_45, %dma_start3A_46] : memref<80x128xi32, #tpu.memory_space<vmem>> -> memref<1x128xi32, #tpu.memory_space<vmem>>
      %dma_start3A_48 = tpu.memref_squeeze %dma_start3A_47 : memref<1x128xi32, #tpu.memory_space<vmem>> -> memref<128xi32, #tpu.memory_space<vmem>>
      %dma_start3A_49 = arith.constant 0 : i32
      %dma_start3A_50 = arith.constant 0 : i32
      %dma_start3A_51 = tpu.memref_slice %arg2[%dma_start3A_49, %dma_start3A_50] : memref<10000x128xf32, #tpu.memory_space<hbm>> -> memref<10000x128xf32, #tpu.memory_space<hbm>>
      tpu.enqueue_indirect_dma source(%dma_start3A_51 : memref<10000x128xf32, #tpu.memory_space<hbm>>) target(%arg7 : memref<128x128xf32, #tpu.memory_space<vmem>>) offsets(%dma_start3A_48 : memref<128xi32, #tpu.memory_space<vmem>>) semaphore(%arg9 : memref<!tpu.dma_semaphore, #tpu.memory_space<semaphore_mem>>)
      %dma_wait3A_52 = arith.constant 0 : i32
      %dma_wait3A_53 = arith.constant 0 : i32
      %dma_wait3A_54 = tpu.memref_slice %arg4[%dma_wait3A_52, %dma_wait3A_53] : memref<320000x128xf32, #tpu.memory_space<hbm>> -> memref<128x128xf32, #tpu.memory_space<hbm>>
      %dma_wait3A_55 = arith.constant 0 : i32
      %dma_wait3A_56 = arith.constant 0 : i32
      %dma_wait3A_57 = tpu.memref_slice %arg4[%dma_wait3A_55, %dma_wait3A_56] : memref<320000x128xf32, #tpu.memory_space<hbm>> -> memref<128x128xf32, #tpu.memory_space<hbm>>
      tpu.wait_dma2 semaphore(%arg8 : memref<!tpu.dma_semaphore, #tpu.memory_space<semaphore_mem>>) src(%dma_wait3A_57 : memref<128x128xf32, #tpu.memory_space<hbm>>) dst(%arg6 : memref<128x128xf32, #tpu.memory_space<vmem>>)
      %mul3A_58 = arith.constant 128 : i32
      %mul3A_59 = arith.muli %mul3A_43, %mul3A_58 : i32
      %add3A_60 = arith.addi %mul3A_2, %mul3A_59 : i32
      %dma_start3A_61 = arith.constant 0 : i32
      %dma_start3A_62 = tpu.memref_slice %arg4[%add3A_60, %dma_start3A_61] : memref<320000x128xf32, #tpu.memory_space<hbm>> -> memref<128x128xf32, #tpu.memory_space<hbm>>
      %dma_start3A_63 = arith.constant 0 : i32
      %dma_start3A_64 = tpu.memref_slice %arg4[%add3A_60, %dma_start3A_63] : memref<320000x128xf32, #tpu.memory_space<hbm>> -> memref<128x128xf32, #tpu.memory_space<hbm>>
      tpu.enqueue_dma source(%arg6 : memref<128x128xf32, #tpu.memory_space<vmem>>) target(%dma_start3A_64 : memref<128x128xf32, #tpu.memory_space<hbm>>) target_semaphore(%arg10 : memref<!tpu.dma_semaphore, #tpu.memory_space<semaphore_mem>>)
      %lt3A = arith.constant 38 : i32
      %lt3A_65 = arith.cmpi slt, %scan3A_41, %lt3A : i32
      %convert_element_type3A = arith.extui %lt3A_65 : i1 to i32
      %cond3A = arith.constant 0 : i32
      %cond3A_66 = arith.cmpi ne, %convert_element_type3A, %cond3A : i32
      scf.if %cond3A_66 {
        %dma_wait3A_88 = arith.constant 0 : i32
        %dma_wait3A_89 = arith.constant 0 : i32
        %dma_wait3A_90 = tpu.memref_slice %arg4[%dma_wait3A_88, %dma_wait3A_89] : memref<320000x128xf32, #tpu.memory_space<hbm>> -> memref<128x128xf32, #tpu.memory_space<hbm>>
        %dma_wait3A_91 = arith.constant 0 : i32
        %dma_wait3A_92 = arith.constant 0 : i32
        %dma_wait3A_93 = tpu.memref_slice %arg4[%dma_wait3A_91, %dma_wait3A_92] : memref<320000x128xf32, #tpu.memory_space<hbm>> -> memref<128x128xf32, #tpu.memory_space<hbm>>
        tpu.wait_dma2 semaphore(%arg10 : memref<!tpu.dma_semaphore, #tpu.memory_space<semaphore_mem>>) src(%arg6 : memref<128x128xf32, #tpu.memory_space<vmem>>) dst(%dma_wait3A_93 : memref<128x128xf32, #tpu.memory_space<hbm>>)
        %add3A_94 = arith.constant 2 : i32
        %add3A_95 = arith.addi %mul3A_43, %add3A_94 : i32
        %dma_start3A_96 = arith.constant 0 : i32
        %dma_start3A_97 = tpu.memref_slice %arg5[%add3A_95, %dma_start3A_96] : memref<80x128xi32, #tpu.memory_space<vmem>> -> memref<1x128xi32, #tpu.memory_space<vmem>>
        %dma_start3A_98 = tpu.memref_squeeze %dma_start3A_97 : memref<1x128xi32, #tpu.memory_space<vmem>> -> memref<128xi32, #tpu.memory_space<vmem>>
        %dma_start3A_99 = arith.constant 0 : i32
        %dma_start3A_100 = arith.constant 0 : i32
        %dma_start3A_101 = tpu.memref_slice %arg2[%dma_start3A_99, %dma_start3A_100] : memref<10000x128xf32, #tpu.memory_space<hbm>> -> memref<10000x128xf32, #tpu.memory_space<hbm>>
        tpu.enqueue_indirect_dma source(%dma_start3A_101 : memref<10000x128xf32, #tpu.memory_space<hbm>>) target(%arg6 : memref<128x128xf32, #tpu.memory_space<vmem>>) offsets(%dma_start3A_98 : memref<128xi32, #tpu.memory_space<vmem>>) semaphore(%arg8 : memref<!tpu.dma_semaphore, #tpu.memory_space<semaphore_mem>>)
      } else {
      }
      %dma_wait3A_67 = arith.constant 0 : i32
      %dma_wait3A_68 = arith.constant 0 : i32
      %dma_wait3A_69 = tpu.memref_slice %arg4[%dma_wait3A_67, %dma_wait3A_68] : memref<320000x128xf32, #tpu.memory_space<hbm>> -> memref<128x128xf32, #tpu.memory_space<hbm>>
      %dma_wait3A_70 = arith.constant 0 : i32
      %dma_wait3A_71 = arith.constant 0 : i32
      %dma_wait3A_72 = tpu.memref_slice %arg4[%dma_wait3A_70, %dma_wait3A_71] : memref<320000x128xf32, #tpu.memory_space<hbm>> -> memref<128x128xf32, #tpu.memory_space<hbm>>
      tpu.wait_dma2 semaphore(%arg9 : memref<!tpu.dma_semaphore, #tpu.memory_space<semaphore_mem>>) src(%dma_wait3A_72 : memref<128x128xf32, #tpu.memory_space<hbm>>) dst(%arg7 : memref<128x128xf32, #tpu.memory_space<vmem>>)
      %add3A_73 = arith.constant 1 : i32
      %add3A_74 = arith.addi %mul3A_43, %add3A_73 : i32
      %mul3A_75 = arith.constant 128 : i32
      %mul3A_76 = arith.muli %add3A_74, %mul3A_75 : i32
      %add3A_77 = arith.addi %mul3A_2, %mul3A_76 : i32
      %dma_start3A_78 = arith.constant 0 : i32
      %dma_start3A_79 = tpu.memref_slice %arg4[%add3A_77, %dma_start3A_78] : memref<320000x128xf32, #tpu.memory_space<hbm>> -> memref<128x128xf32, #tpu.memory_space<hbm>>
      %dma_start3A_80 = arith.constant 0 : i32
      %dma_start3A_81 = tpu.memref_slice %arg4[%add3A_77, %dma_start3A_80] : memref<320000x128xf32, #tpu.memory_space<hbm>> -> memref<128x128xf32, #tpu.memory_space<hbm>>
      tpu.enqueue_dma source(%arg7 : memref<128x128xf32, #tpu.memory_space<vmem>>) target(%dma_start3A_81 : memref<128x128xf32, #tpu.memory_space<hbm>>) target_semaphore(%arg11 : memref<!tpu.dma_semaphore, #tpu.memory_space<semaphore_mem>>)
      %dma_wait3A_82 = arith.constant 0 : i32
      %dma_wait3A_83 = arith.constant 0 : i32
      %dma_wait3A_84 = tpu.memref_slice %arg4[%dma_wait3A_82, %dma_wait3A_83] : memref<320000x128xf32, #tpu.memory_space<hbm>> -> memref<128x128xf32, #tpu.memory_space<hbm>>
      %dma_wait3A_85 = arith.constant 0 : i32
      %dma_wait3A_86 = arith.constant 0 : i32
      %dma_wait3A_87 = tpu.memref_slice %arg4[%dma_wait3A_85, %dma_wait3A_86] : memref<320000x128xf32, #tpu.memory_space<hbm>> -> memref<128x128xf32, #tpu.memory_space<hbm>>
      tpu.wait_dma2 semaphore(%arg11 : memref<!tpu.dma_semaphore, #tpu.memory_space<semaphore_mem>>) src(%arg7 : memref<128x128xf32, #tpu.memory_space<vmem>>) dst(%dma_wait3A_87 : memref<128x128xf32, #tpu.memory_space<hbm>>)
    }
    %scan3A_13 = arith.constant 39 : i32
    %dma_wait3A = arith.constant 0 : i32
    %dma_wait3A_14 = arith.constant 0 : i32
    %dma_wait3A_15 = tpu.memref_slice %arg4[%dma_wait3A, %dma_wait3A_14] : memref<320000x128xf32, #tpu.memory_space<hbm>> -> memref<128x128xf32, #tpu.memory_space<hbm>>
    %dma_wait3A_16 = arith.constant 0 : i32
    %dma_wait3A_17 = arith.constant 0 : i32
    %dma_wait3A_18 = tpu.memref_slice %arg4[%dma_wait3A_16, %dma_wait3A_17] : memref<320000x128xf32, #tpu.memory_space<hbm>> -> memref<128x128xf32, #tpu.memory_space<hbm>>
    tpu.wait_dma2 semaphore(%arg10 : memref<!tpu.dma_semaphore, #tpu.memory_space<semaphore_mem>>) src(%arg6 : memref<128x128xf32, #tpu.memory_space<vmem>>) dst(%dma_wait3A_18 : memref<128x128xf32, #tpu.memory_space<hbm>>)
    %dma_start3A_19 = arith.constant 78 : i32
    %dma_start3A_20 = arith.constant 0 : i32
    %dma_start3A_21 = arith.constant 0 : i32
    %dma_start3A_22 = tpu.memref_slice %arg6[%dma_start3A_20, %dma_start3A_21] : memref<128x128xf32, #tpu.memory_space<vmem>> -> memref<16x128xf32, #tpu.memory_space<vmem>>
    %dma_start3A_23 = arith.constant 0 : i32
    %dma_start3A_24 = tpu.memref_slice %arg5[%dma_start3A_19, %dma_start3A_23] : memref<80x128xi32, #tpu.memory_space<vmem>> -> memref<1x16xi32, #tpu.memory_space<vmem>>
    %dma_start3A_25 = tpu.memref_squeeze %dma_start3A_24 : memref<1x16xi32, #tpu.memory_space<vmem>> -> memref<16xi32, #tpu.memory_space<vmem>>
    %dma_start3A_26 = arith.constant 0 : i32
    %dma_start3A_27 = arith.constant 0 : i32
    %dma_start3A_28 = tpu.memref_slice %arg2[%dma_start3A_26, %dma_start3A_27] : memref<10000x128xf32, #tpu.memory_space<hbm>> -> memref<10000x128xf32, #tpu.memory_space<hbm>>
    tpu.enqueue_indirect_dma source(%dma_start3A_28 : memref<10000x128xf32, #tpu.memory_space<hbm>>) target(%dma_start3A_22 : memref<16x128xf32, #tpu.memory_space<vmem>>) offsets(%dma_start3A_25 : memref<16xi32, #tpu.memory_space<vmem>>) semaphore(%arg8 : memref<!tpu.dma_semaphore, #tpu.memory_space<semaphore_mem>>)
    %dma_wait3A_29 = arith.constant 78 : i32
    %dma_wait3A_30 = arith.constant 0 : i32
    %dma_wait3A_31 = arith.constant 0 : i32
    %dma_wait3A_32 = tpu.memref_slice %arg6[%dma_wait3A_30, %dma_wait3A_31] : memref<128x128xf32, #tpu.memory_space<vmem>> -> memref<16x128xf32, #tpu.memory_space<vmem>>
    %dma_wait3A_33 = arith.constant 0 : i32
    %dma_wait3A_34 = tpu.memref_slice %arg5[%dma_wait3A_29, %dma_wait3A_33] : memref<80x128xi32, #tpu.memory_space<vmem>> -> memref<1x16xi32, #tpu.memory_space<vmem>>
    %dma_wait3A_35 = tpu.memref_squeeze %dma_wait3A_34 : memref<1x16xi32, #tpu.memory_space<vmem>> -> memref<16xi32, #tpu.memory_space<vmem>>
    %dma_wait3A_36 = arith.constant 0 : i32
    %dma_wait3A_37 = arith.constant 0 : i32
    %dma_wait3A_38 = tpu.memref_slice %arg2[%dma_wait3A_36, %dma_wait3A_37] : memref<10000x128xf32, #tpu.memory_space<hbm>> -> memref<10000x128xf32, #tpu.memory_space<hbm>>
    tpu.wait_indirect_dma semaphore(%arg8 : memref<!tpu.dma_semaphore, #tpu.memory_space<semaphore_mem>>) src(%dma_wait3A_38 : memref<10000x128xf32, #tpu.memory_space<hbm>>) dst(%dma_wait3A_32 : memref<16x128xf32, #tpu.memory_space<vmem>>)
    %add3A_39 = arith.constant 9984 : i32
    %add3A_40 = arith.addi %mul3A_2, %add3A_39 : i32
    "tpu.region"() ({
      %run_scoped3A = tpu.sem_alloc : memref<!tpu.dma_semaphore, #tpu.memory_space<semaphore_mem>>
      %dma_start3A_41 = arith.constant 0 : i32
      %dma_start3A_42 = arith.constant 0 : i32
      %dma_start3A_43 = tpu.memref_slice %arg6[%dma_start3A_41, %dma_start3A_42] : memref<128x128xf32, #tpu.memory_space<vmem>> -> memref<16x128xf32, #tpu.memory_space<vmem>>
      %dma_start3A_44 = arith.constant 0 : i32
      %dma_start3A_45 = tpu.memref_slice %arg4[%add3A_40, %dma_start3A_44] : memref<320000x128xf32, #tpu.memory_space<hbm>> -> memref<16x128xf32, #tpu.memory_space<hbm>>
      %dma_start3A_46 = arith.constant 0 : i32
      %dma_start3A_47 = tpu.memref_slice %arg4[%add3A_40, %dma_start3A_46] : memref<320000x128xf32, #tpu.memory_space<hbm>> -> memref<16x128xf32, #tpu.memory_space<hbm>>
      %dma_start3A_48 = arith.constant 0 : i32
      %dma_start3A_49 = arith.constant 0 : i32
      %dma_start3A_50 = tpu.memref_slice %arg6[%dma_start3A_48, %dma_start3A_49] : memref<128x128xf32, #tpu.memory_space<vmem>> -> memref<16x128xf32, #tpu.memory_space<vmem>>
      tpu.enqueue_dma source(%dma_start3A_50 : memref<16x128xf32, #tpu.memory_space<vmem>>) target(%dma_start3A_47 : memref<16x128xf32, #tpu.memory_space<hbm>>) target_semaphore(%run_scoped3A : memref<!tpu.dma_semaphore, #tpu.memory_space<semaphore_mem>>)
      %dma_wait3A_51 = arith.constant 0 : i32
      %dma_wait3A_52 = arith.constant 0 : i32
      %dma_wait3A_53 = tpu.memref_slice %arg6[%dma_wait3A_51, %dma_wait3A_52] : memref<128x128xf32, #tpu.memory_space<vmem>> -> memref<16x128xf32, #tpu.memory_space<vmem>>
      %dma_wait3A_54 = arith.constant 0 : i32
      %dma_wait3A_55 = tpu.memref_slice %arg4[%add3A_40, %dma_wait3A_54] : memref<320000x128xf32, #tpu.memory_space<hbm>> -> memref<16x128xf32, #tpu.memory_space<hbm>>
      %dma_wait3A_56 = arith.constant 0 : i32
      %dma_wait3A_57 = tpu.memref_slice %arg4[%add3A_40, %dma_wait3A_56] : memref<320000x128xf32, #tpu.memory_space<hbm>> -> memref<16x128xf32, #tpu.memory_space<hbm>>
      %dma_wait3A_58 = arith.constant 0 : i32
      %dma_wait3A_59 = arith.constant 0 : i32
      %dma_wait3A_60 = tpu.memref_slice %arg6[%dma_wait3A_58, %dma_wait3A_59] : memref<128x128xf32, #tpu.memory_space<vmem>> -> memref<16x128xf32, #tpu.memory_space<vmem>>
      tpu.wait_dma2 semaphore(%run_scoped3A : memref<!tpu.dma_semaphore, #tpu.memory_space<semaphore_mem>>) src(%dma_wait3A_60 : memref<16x128xf32, #tpu.memory_space<vmem>>) dst(%dma_wait3A_57 : memref<16x128xf32, #tpu.memory_space<hbm>>)
      tpu.yield
    }) : () -> ()
    return
  }
}

#map = affine_map<(d0, d1) -> (0)>
#map1 = affine_map<(d0, d1) -> (0, 0, 0)>
module attributes {stable_mosaic.version = 14 : i64} {
  func.func @k(%arg0: i32, %arg1: i32, %arg2: memref<320000xf32, #tpu.memory_space<hbm>>, %arg3: memref<10240xf32, #tpu.memory_space<hbm>>, %arg4: memref<32x80x128xi32, #tpu.memory_space<hbm>>, %arg5: memref<320000xf32, #tpu.memory_space<hbm>>, %arg6: memref<80x128xi32, #tpu.memory_space<vmem>>, %arg7: memref<128xf32, #tpu.memory_space<vmem>>, %arg8: memref<128xf32, #tpu.memory_space<vmem>>, %arg9: memref<128xf32, #tpu.memory_space<vmem>>, %arg10: memref<128xf32, #tpu.memory_space<vmem>>, %arg11: memref<128xf32, #tpu.memory_space<vmem>>, %arg12: memref<128xf32, #tpu.memory_space<vmem>>, %arg13: memref<!tpu.dma_semaphore, #tpu.memory_space<semaphore_mem>>, %arg14: memref<!tpu.dma_semaphore, #tpu.memory_space<semaphore_mem>>, %arg15: memref<!tpu.dma_semaphore, #tpu.memory_space<semaphore_mem>>, %arg16: memref<!tpu.dma_semaphore, #tpu.memory_space<semaphore_mem>>) attributes {dimension_semantics = [#tpu.dimension_semantics<core_parallel>, #tpu.dimension_semantics<subcore_parallel>], iteration_bounds = array<i64: 2, 16>, scalar_prefetch = 0 : i64, scratch_operands = 11 : i64, tpu.core_type = #tpu.core_type<sc_vector_subcore>, window_params = [{transform_indices = #map}, {transform_indices = #map}, {transform_indices = #map1}, {transform_indices = #map}]} {
    %mul3A = arith.constant 2 : i32
    %mul3A_0 = arith.muli %arg1, %mul3A : i32
    %add3A = arith.addi %mul3A_0, %arg0 : i32
    %mul3A_1 = arith.constant 10000 : i32
    %mul3A_2 = arith.muli %add3A, %mul3A_1 : i32
    "tpu.region"() ({
      %run_scoped3A = tpu.sem_alloc : memref<!tpu.dma_semaphore, #tpu.memory_space<semaphore_mem>>
      %dma_start3A_55 = arith.constant 0 : i32
      %dma_start3A_56 = arith.constant 0 : i32
      %dma_start3A_57 = tpu.memref_slice %arg4[%add3A, %dma_start3A_55, %dma_start3A_56] : memref<32x80x128xi32, #tpu.memory_space<hbm>> -> memref<1x80x128xi32, #tpu.memory_space<hbm>>
      %dma_start3A_58 = tpu.memref_squeeze %dma_start3A_57 : memref<1x80x128xi32, #tpu.memory_space<hbm>> -> memref<80x128xi32, #tpu.memory_space<hbm>>
      %dma_start3A_59 = arith.constant 0 : i32
      %dma_start3A_60 = arith.constant 0 : i32
      %dma_start3A_61 = tpu.memref_slice %arg4[%add3A, %dma_start3A_59, %dma_start3A_60] : memref<32x80x128xi32, #tpu.memory_space<hbm>> -> memref<1x80x128xi32, #tpu.memory_space<hbm>>
      %dma_start3A_62 = tpu.memref_squeeze %dma_start3A_61 : memref<1x80x128xi32, #tpu.memory_space<hbm>> -> memref<80x128xi32, #tpu.memory_space<hbm>>
      tpu.enqueue_dma source(%dma_start3A_62 : memref<80x128xi32, #tpu.memory_space<hbm>>) target(%arg6 : memref<80x128xi32, #tpu.memory_space<vmem>>) target_semaphore(%run_scoped3A : memref<!tpu.dma_semaphore, #tpu.memory_space<semaphore_mem>>)
      %dma_wait3A_63 = arith.constant 0 : i32
      %dma_wait3A_64 = arith.constant 0 : i32
      %dma_wait3A_65 = tpu.memref_slice %arg4[%add3A, %dma_wait3A_63, %dma_wait3A_64] : memref<32x80x128xi32, #tpu.memory_space<hbm>> -> memref<1x80x128xi32, #tpu.memory_space<hbm>>
      %dma_wait3A_66 = tpu.memref_squeeze %dma_wait3A_65 : memref<1x80x128xi32, #tpu.memory_space<hbm>> -> memref<80x128xi32, #tpu.memory_space<hbm>>
      %dma_wait3A_67 = arith.constant 0 : i32
      %dma_wait3A_68 = arith.constant 0 : i32
      %dma_wait3A_69 = tpu.memref_slice %arg4[%add3A, %dma_wait3A_67, %dma_wait3A_68] : memref<32x80x128xi32, #tpu.memory_space<hbm>> -> memref<1x80x128xi32, #tpu.memory_space<hbm>>
      %dma_wait3A_70 = tpu.memref_squeeze %dma_wait3A_69 : memref<1x80x128xi32, #tpu.memory_space<hbm>> -> memref<80x128xi32, #tpu.memory_space<hbm>>
      tpu.wait_dma2 semaphore(%run_scoped3A : memref<!tpu.dma_semaphore, #tpu.memory_space<semaphore_mem>>) src(%dma_wait3A_70 : memref<80x128xi32, #tpu.memory_space<hbm>>) dst(%arg6 : memref<80x128xi32, #tpu.memory_space<vmem>>)
      tpu.yield
    }) : () -> ()
    %add3A_3 = arith.constant 0 : i32
    %add3A_4 = arith.addi %mul3A_2, %add3A_3 : i32
    %dma_start3A = tpu.memref_slice %arg2[%add3A_4] : memref<320000xf32, #tpu.memory_space<hbm>> -> memref<128xf32, #tpu.memory_space<hbm>>
    %dma_start3A_5 = tpu.memref_slice %arg2[%add3A_4] : memref<320000xf32, #tpu.memory_space<hbm>> -> memref<128xf32, #tpu.memory_space<hbm>>
    tpu.enqueue_dma source(%dma_start3A_5 : memref<128xf32, #tpu.memory_space<hbm>>) target(%arg7 : memref<128xf32, #tpu.memory_space<vmem>>) target_semaphore(%arg13 : memref<!tpu.dma_semaphore, #tpu.memory_space<semaphore_mem>>)
    %dma_start3A_6 = arith.constant 0 : i32
    %dma_start3A_7 = arith.constant 0 : i32
    %dma_start3A_8 = tpu.memref_slice %arg6[%dma_start3A_6, %dma_start3A_7] : memref<80x128xi32, #tpu.memory_space<vmem>> -> memref<1x128xi32, #tpu.memory_space<vmem>>
    %dma_start3A_9 = tpu.memref_squeeze %dma_start3A_8 : memref<1x128xi32, #tpu.memory_space<vmem>> -> memref<128xi32, #tpu.memory_space<vmem>>
    %dma_start3A_10 = arith.constant 0 : i32
    %dma_start3A_11 = tpu.memref_slice %arg3[%dma_start3A_10] : memref<10240xf32, #tpu.memory_space<hbm>> -> memref<10240xf32, #tpu.memory_space<hbm>>
    tpu.enqueue_indirect_dma source(%dma_start3A_11 : memref<10240xf32, #tpu.memory_space<hbm>>) target(%arg9 : memref<128xf32, #tpu.memory_space<vmem>>) offsets(%dma_start3A_9 : memref<128xi32, #tpu.memory_space<vmem>>) semaphore(%arg13 : memref<!tpu.dma_semaphore, #tpu.memory_space<semaphore_mem>>)
    %scan3A = arith.constant 0 : i32
    %scan3A_12 = arith.constant 0 : i32
    %scan3A_13 = arith.constant 39 : i32
    %scan3A_14 = arith.addi %scan3A_12, %scan3A_13 : i32
    %scan3A_15 = arith.constant 1 : i32
    scf.for %scan3A_55 = %scan3A_12 to %scan3A_14 step %scan3A_15  : i32 {
      %mul3A_56 = arith.constant 2 : i32
      %mul3A_57 = arith.muli %mul3A_56, %scan3A_55 : i32
      %add3A_58 = arith.constant 1 : i32
      %add3A_59 = arith.addi %mul3A_57, %add3A_58 : i32
      %mul3A_60 = arith.constant 128 : i32
      %mul3A_61 = arith.muli %add3A_59, %mul3A_60 : i32
      %add3A_62 = arith.addi %mul3A_2, %mul3A_61 : i32
      %dma_start3A_63 = tpu.memref_slice %arg2[%add3A_62] : memref<320000xf32, #tpu.memory_space<hbm>> -> memref<128xf32, #tpu.memory_space<hbm>>
      %dma_start3A_64 = tpu.memref_slice %arg2[%add3A_62] : memref<320000xf32, #tpu.memory_space<hbm>> -> memref<128xf32, #tpu.memory_space<hbm>>
      tpu.enqueue_dma source(%dma_start3A_64 : memref<128xf32, #tpu.memory_space<hbm>>) target(%arg8 : memref<128xf32, #tpu.memory_space<vmem>>) target_semaphore(%arg14 : memref<!tpu.dma_semaphore, #tpu.memory_space<semaphore_mem>>)
      %dma_start3A_65 = arith.constant 0 : i32
      %dma_start3A_66 = tpu.memref_slice %arg6[%add3A_59, %dma_start3A_65] : memref<80x128xi32, #tpu.memory_space<vmem>> -> memref<1x128xi32, #tpu.memory_space<vmem>>
      %dma_start3A_67 = tpu.memref_squeeze %dma_start3A_66 : memref<1x128xi32, #tpu.memory_space<vmem>> -> memref<128xi32, #tpu.memory_space<vmem>>
      %dma_start3A_68 = arith.constant 0 : i32
      %dma_start3A_69 = tpu.memref_slice %arg3[%dma_start3A_68] : memref<10240xf32, #tpu.memory_space<hbm>> -> memref<10240xf32, #tpu.memory_space<hbm>>
      tpu.enqueue_indirect_dma source(%dma_start3A_69 : memref<10240xf32, #tpu.memory_space<hbm>>) target(%arg10 : memref<128xf32, #tpu.memory_space<vmem>>) offsets(%dma_start3A_67 : memref<128xi32, #tpu.memory_space<vmem>>) semaphore(%arg14 : memref<!tpu.dma_semaphore, #tpu.memory_space<semaphore_mem>>)
      %dma_wait3A_70 = arith.constant 0 : i32
      %dma_wait3A_71 = tpu.memref_slice %arg2[%dma_wait3A_70] : memref<320000xf32, #tpu.memory_space<hbm>> -> memref<128xf32, #tpu.memory_space<hbm>>
      %dma_wait3A_72 = arith.constant 0 : i32
      %dma_wait3A_73 = tpu.memref_slice %arg2[%dma_wait3A_72] : memref<320000xf32, #tpu.memory_space<hbm>> -> memref<128xf32, #tpu.memory_space<hbm>>
      tpu.wait_dma2 semaphore(%arg13 : memref<!tpu.dma_semaphore, #tpu.memory_space<semaphore_mem>>) src(%dma_wait3A_73 : memref<128xf32, #tpu.memory_space<hbm>>) dst(%arg7 : memref<128xf32, #tpu.memory_space<vmem>>)
      %dma_wait3A_74 = arith.constant 0 : i32
      %dma_wait3A_75 = tpu.memref_slice %arg2[%dma_wait3A_74] : memref<320000xf32, #tpu.memory_space<hbm>> -> memref<128xf32, #tpu.memory_space<hbm>>
      %dma_wait3A_76 = arith.constant 0 : i32
      %dma_wait3A_77 = tpu.memref_slice %arg2[%dma_wait3A_76] : memref<320000xf32, #tpu.memory_space<hbm>> -> memref<128xf32, #tpu.memory_space<hbm>>
      tpu.wait_dma2 semaphore(%arg13 : memref<!tpu.dma_semaphore, #tpu.memory_space<semaphore_mem>>) src(%dma_wait3A_77 : memref<128xf32, #tpu.memory_space<hbm>>) dst(%arg9 : memref<128xf32, #tpu.memory_space<vmem>>)
      %gt3A = arith.constant 0 : i32
      %gt3A_78 = arith.cmpi sgt, %scan3A_55, %gt3A : i32
      %convert_element_type3A = arith.extui %gt3A_78 : i1 to i32
      %cond3A = arith.constant 0 : i32
      %cond3A_79 = arith.cmpi ne, %convert_element_type3A, %cond3A : i32
      scf.if %cond3A_79 {
        %dma_wait3A_333 = arith.constant 0 : i32
        %dma_wait3A_334 = tpu.memref_slice %arg5[%dma_wait3A_333] : memref<320000xf32, #tpu.memory_space<hbm>> -> memref<128xf32, #tpu.memory_space<hbm>>
        %dma_wait3A_335 = arith.constant 0 : i32
        %dma_wait3A_336 = tpu.memref_slice %arg5[%dma_wait3A_335] : memref<320000xf32, #tpu.memory_space<hbm>> -> memref<128xf32, #tpu.memory_space<hbm>>
        tpu.wait_dma2 semaphore(%arg15 : memref<!tpu.dma_semaphore, #tpu.memory_space<semaphore_mem>>) src(%arg11 : memref<128xf32, #tpu.memory_space<vmem>>) dst(%dma_wait3A_336 : memref<128xf32, #tpu.memory_space<hbm>>)
      } else {
      }
      %get3A_80 = arith.constant 0 : index
      %get3A_81 = tpu.vector_load %arg7[%get3A_80] {strides = array<i32>} : memref<128xf32, #tpu.memory_space<vmem>>, vector<16xf32>,
      %get3A_82 = vector.shape_cast %get3A_81 : vector<16xf32> to vector<16xf32>
      %get3A_83 = arith.constant 0 : index
      %get3A_84 = tpu.vector_load %arg9[%get3A_83] {strides = array<i32>} : memref<128xf32, #tpu.memory_space<vmem>>, vector<16xf32>,
      %get3A_85 = vector.shape_cast %get3A_84 : vector<16xf32> to vector<16xf32>
      %add3A_86 = arith.constant 1.000000e-16 : f32
      %add3A_87 = vector.broadcast %add3A_86 : f32 to vector<16xf32>
      %add3A_88 = arith.addf %get3A_85, %add3A_87 : vector<16xf32>
      %div3A_89 = arith.divf %get3A_82, %add3A_88 : vector<16xf32>
      %swap3A_90 = arith.constant 0 : index
      %swap3A_91 = tpu.vector_load %arg11[%swap3A_90] {strides = array<i32>} : memref<128xf32, #tpu.memory_space<vmem>>, vector<16xf32>,
      %swap3A_92 = vector.shape_cast %swap3A_91 : vector<16xf32> to vector<16xf32>
      %swap3A_93 = vector.shape_cast %div3A_89 : vector<16xf32> to vector<16xf32>
      tpu.vector_store %arg11[%swap3A_90], %swap3A_93 {strides = array<i32>} : memref<128xf32, #tpu.memory_space<vmem>>, vector<16xf32>,
      %get3A_94 = arith.constant 16 : index
      %get3A_95 = tpu.vector_load %arg7[%get3A_94] {strides = array<i32>} : memref<128xf32, #tpu.memory_space<vmem>>, vector<16xf32>,
      %get3A_96 = vector.shape_cast %get3A_95 : vector<16xf32> to vector<16xf32>
      %get3A_97 = arith.constant 16 : index
      %get3A_98 = tpu.vector_load %arg9[%get3A_97] {strides = array<i32>} : memref<128xf32, #tpu.memory_space<vmem>>, vector<16xf32>,
      %get3A_99 = vector.shape_cast %get3A_98 : vector<16xf32> to vector<16xf32>
      %add3A_100 = arith.constant 1.000000e-16 : f32
      %add3A_101 = vector.broadcast %add3A_100 : f32 to vector<16xf32>
      %add3A_102 = arith.addf %get3A_99, %add3A_101 : vector<16xf32>
      %div3A_103 = arith.divf %get3A_96, %add3A_102 : vector<16xf32>
      %swap3A_104 = arith.constant 16 : index
      %swap3A_105 = tpu.vector_load %arg11[%swap3A_104] {strides = array<i32>} : memref<128xf32, #tpu.memory_space<vmem>>, vector<16xf32>,
      %swap3A_106 = vector.shape_cast %swap3A_105 : vector<16xf32> to vector<16xf32>
      %swap3A_107 = vector.shape_cast %div3A_103 : vector<16xf32> to vector<16xf32>
      tpu.vector_store %arg11[%swap3A_104], %swap3A_107 {strides = array<i32>} : memref<128xf32, #tpu.memory_space<vmem>>, vector<16xf32>,
      %get3A_108 = arith.constant 32 : index
      %get3A_109 = tpu.vector_load %arg7[%get3A_108] {strides = array<i32>} : memref<128xf32, #tpu.memory_space<vmem>>, vector<16xf32>,
      %get3A_110 = vector.shape_cast %get3A_109 : vector<16xf32> to vector<16xf32>
      %get3A_111 = arith.constant 32 : index
      %get3A_112 = tpu.vector_load %arg9[%get3A_111] {strides = array<i32>} : memref<128xf32, #tpu.memory_space<vmem>>, vector<16xf32>,
      %get3A_113 = vector.shape_cast %get3A_112 : vector<16xf32> to vector<16xf32>
      %add3A_114 = arith.constant 1.000000e-16 : f32
      %add3A_115 = vector.broadcast %add3A_114 : f32 to vector<16xf32>
      %add3A_116 = arith.addf %get3A_113, %add3A_115 : vector<16xf32>
      %div3A_117 = arith.divf %get3A_110, %add3A_116 : vector<16xf32>
      %swap3A_118 = arith.constant 32 : index
      %swap3A_119 = tpu.vector_load %arg11[%swap3A_118] {strides = array<i32>} : memref<128xf32, #tpu.memory_space<vmem>>, vector<16xf32>,
      %swap3A_120 = vector.shape_cast %swap3A_119 : vector<16xf32> to vector<16xf32>
      %swap3A_121 = vector.shape_cast %div3A_117 : vector<16xf32> to vector<16xf32>
      tpu.vector_store %arg11[%swap3A_118], %swap3A_121 {strides = array<i32>} : memref<128xf32, #tpu.memory_space<vmem>>, vector<16xf32>,
      %get3A_122 = arith.constant 48 : index
      %get3A_123 = tpu.vector_load %arg7[%get3A_122] {strides = array<i32>} : memref<128xf32, #tpu.memory_space<vmem>>, vector<16xf32>,
      %get3A_124 = vector.shape_cast %get3A_123 : vector<16xf32> to vector<16xf32>
      %get3A_125 = arith.constant 48 : index
      %get3A_126 = tpu.vector_load %arg9[%get3A_125] {strides = array<i32>} : memref<128xf32, #tpu.memory_space<vmem>>, vector<16xf32>,
      %get3A_127 = vector.shape_cast %get3A_126 : vector<16xf32> to vector<16xf32>
      %add3A_128 = arith.constant 1.000000e-16 : f32
      %add3A_129 = vector.broadcast %add3A_128 : f32 to vector<16xf32>
      %add3A_130 = arith.addf %get3A_127, %add3A_129 : vector<16xf32>
      %div3A_131 = arith.divf %get3A_124, %add3A_130 : vector<16xf32>
      %swap3A_132 = arith.constant 48 : index
      %swap3A_133 = tpu.vector_load %arg11[%swap3A_132] {strides = array<i32>} : memref<128xf32, #tpu.memory_space<vmem>>, vector<16xf32>,
      %swap3A_134 = vector.shape_cast %swap3A_133 : vector<16xf32> to vector<16xf32>
      %swap3A_135 = vector.shape_cast %div3A_131 : vector<16xf32> to vector<16xf32>
      tpu.vector_store %arg11[%swap3A_132], %swap3A_135 {strides = array<i32>} : memref<128xf32, #tpu.memory_space<vmem>>, vector<16xf32>,
      %get3A_136 = arith.constant 64 : index
      %get3A_137 = tpu.vector_load %arg7[%get3A_136] {strides = array<i32>} : memref<128xf32, #tpu.memory_space<vmem>>, vector<16xf32>,
      %get3A_138 = vector.shape_cast %get3A_137 : vector<16xf32> to vector<16xf32>
      %get3A_139 = arith.constant 64 : index
      %get3A_140 = tpu.vector_load %arg9[%get3A_139] {strides = array<i32>} : memref<128xf32, #tpu.memory_space<vmem>>, vector<16xf32>,
      %get3A_141 = vector.shape_cast %get3A_140 : vector<16xf32> to vector<16xf32>
      %add3A_142 = arith.constant 1.000000e-16 : f32
      %add3A_143 = vector.broadcast %add3A_142 : f32 to vector<16xf32>
      %add3A_144 = arith.addf %get3A_141, %add3A_143 : vector<16xf32>
      %div3A_145 = arith.divf %get3A_138, %add3A_144 : vector<16xf32>
      %swap3A_146 = arith.constant 64 : index
      %swap3A_147 = tpu.vector_load %arg11[%swap3A_146] {strides = array<i32>} : memref<128xf32, #tpu.memory_space<vmem>>, vector<16xf32>,
      %swap3A_148 = vector.shape_cast %swap3A_147 : vector<16xf32> to vector<16xf32>
      %swap3A_149 = vector.shape_cast %div3A_145 : vector<16xf32> to vector<16xf32>
      tpu.vector_store %arg11[%swap3A_146], %swap3A_149 {strides = array<i32>} : memref<128xf32, #tpu.memory_space<vmem>>, vector<16xf32>,
      %get3A_150 = arith.constant 80 : index
      %get3A_151 = tpu.vector_load %arg7[%get3A_150] {strides = array<i32>} : memref<128xf32, #tpu.memory_space<vmem>>, vector<16xf32>,
      %get3A_152 = vector.shape_cast %get3A_151 : vector<16xf32> to vector<16xf32>
      %get3A_153 = arith.constant 80 : index
      %get3A_154 = tpu.vector_load %arg9[%get3A_153] {strides = array<i32>} : memref<128xf32, #tpu.memory_space<vmem>>, vector<16xf32>,
      %get3A_155 = vector.shape_cast %get3A_154 : vector<16xf32> to vector<16xf32>
      %add3A_156 = arith.constant 1.000000e-16 : f32
      %add3A_157 = vector.broadcast %add3A_156 : f32 to vector<16xf32>
      %add3A_158 = arith.addf %get3A_155, %add3A_157 : vector<16xf32>
      %div3A_159 = arith.divf %get3A_152, %add3A_158 : vector<16xf32>
      %swap3A_160 = arith.constant 80 : index
      %swap3A_161 = tpu.vector_load %arg11[%swap3A_160] {strides = array<i32>} : memref<128xf32, #tpu.memory_space<vmem>>, vector<16xf32>,
      %swap3A_162 = vector.shape_cast %swap3A_161 : vector<16xf32> to vector<16xf32>
      %swap3A_163 = vector.shape_cast %div3A_159 : vector<16xf32> to vector<16xf32>
      tpu.vector_store %arg11[%swap3A_160], %swap3A_163 {strides = array<i32>} : memref<128xf32, #tpu.memory_space<vmem>>, vector<16xf32>,
      %get3A_164 = arith.constant 96 : index
      %get3A_165 = tpu.vector_load %arg7[%get3A_164] {strides = array<i32>} : memref<128xf32, #tpu.memory_space<vmem>>, vector<16xf32>,
      %get3A_166 = vector.shape_cast %get3A_165 : vector<16xf32> to vector<16xf32>
      %get3A_167 = arith.constant 96 : index
      %get3A_168 = tpu.vector_load %arg9[%get3A_167] {strides = array<i32>} : memref<128xf32, #tpu.memory_space<vmem>>, vector<16xf32>,
      %get3A_169 = vector.shape_cast %get3A_168 : vector<16xf32> to vector<16xf32>
      %add3A_170 = arith.constant 1.000000e-16 : f32
      %add3A_171 = vector.broadcast %add3A_170 : f32 to vector<16xf32>
      %add3A_172 = arith.addf %get3A_169, %add3A_171 : vector<16xf32>
      %div3A_173 = arith.divf %get3A_166, %add3A_172 : vector<16xf32>
      %swap3A_174 = arith.constant 96 : index
      %swap3A_175 = tpu.vector_load %arg11[%swap3A_174] {strides = array<i32>} : memref<128xf32, #tpu.memory_space<vmem>>, vector<16xf32>,
      %swap3A_176 = vector.shape_cast %swap3A_175 : vector<16xf32> to vector<16xf32>
      %swap3A_177 = vector.shape_cast %div3A_173 : vector<16xf32> to vector<16xf32>
      tpu.vector_store %arg11[%swap3A_174], %swap3A_177 {strides = array<i32>} : memref<128xf32, #tpu.memory_space<vmem>>, vector<16xf32>,
      %get3A_178 = arith.constant 112 : index
      %get3A_179 = tpu.vector_load %arg7[%get3A_178] {strides = array<i32>} : memref<128xf32, #tpu.memory_space<vmem>>, vector<16xf32>,
      %get3A_180 = vector.shape_cast %get3A_179 : vector<16xf32> to vector<16xf32>
      %get3A_181 = arith.constant 112 : index
      %get3A_182 = tpu.vector_load %arg9[%get3A_181] {strides = array<i32>} : memref<128xf32, #tpu.memory_space<vmem>>, vector<16xf32>,
      %get3A_183 = vector.shape_cast %get3A_182 : vector<16xf32> to vector<16xf32>
      %add3A_184 = arith.constant 1.000000e-16 : f32
      %add3A_185 = vector.broadcast %add3A_184 : f32 to vector<16xf32>
      %add3A_186 = arith.addf %get3A_183, %add3A_185 : vector<16xf32>
      %div3A_187 = arith.divf %get3A_180, %add3A_186 : vector<16xf32>
      %swap3A_188 = arith.constant 112 : index
      %swap3A_189 = tpu.vector_load %arg11[%swap3A_188] {strides = array<i32>} : memref<128xf32, #tpu.memory_space<vmem>>, vector<16xf32>,
      %swap3A_190 = vector.shape_cast %swap3A_189 : vector<16xf32> to vector<16xf32>
      %swap3A_191 = vector.shape_cast %div3A_187 : vector<16xf32> to vector<16xf32>
      tpu.vector_store %arg11[%swap3A_188], %swap3A_191 {strides = array<i32>} : memref<128xf32, #tpu.memory_space<vmem>>, vector<16xf32>,
      %mul3A_192 = arith.constant 128 : i32
      %mul3A_193 = arith.muli %mul3A_57, %mul3A_192 : i32
      %add3A_194 = arith.addi %mul3A_2, %mul3A_193 : i32
      %dma_start3A_195 = tpu.memref_slice %arg5[%add3A_194] : memref<320000xf32, #tpu.memory_space<hbm>> -> memref<128xf32, #tpu.memory_space<hbm>>
      %dma_start3A_196 = tpu.memref_slice %arg5[%add3A_194] : memref<320000xf32, #tpu.memory_space<hbm>> -> memref<128xf32, #tpu.memory_space<hbm>>
      tpu.enqueue_dma source(%arg11 : memref<128xf32, #tpu.memory_space<vmem>>) target(%dma_start3A_196 : memref<128xf32, #tpu.memory_space<hbm>>) target_semaphore(%arg15 : memref<!tpu.dma_semaphore, #tpu.memory_space<semaphore_mem>>)
      %lt3A = arith.constant 38 : i32
      %lt3A_197 = arith.cmpi slt, %scan3A_55, %lt3A : i32
      %convert_element_type3A_198 = arith.extui %lt3A_197 : i1 to i32
      %cond3A_199 = arith.constant 0 : i32
      %cond3A_200 = arith.cmpi ne, %convert_element_type3A_198, %cond3A_199 : i32
      scf.if %cond3A_200 {
        %add3A_333 = arith.constant 2 : i32
        %add3A_334 = arith.addi %mul3A_57, %add3A_333 : i32
        %mul3A_335 = arith.constant 128 : i32
        %mul3A_336 = arith.muli %add3A_334, %mul3A_335 : i32
        %add3A_337 = arith.addi %mul3A_2, %mul3A_336 : i32
        %dma_start3A_338 = tpu.memref_slice %arg2[%add3A_337] : memref<320000xf32, #tpu.memory_space<hbm>> -> memref<128xf32, #tpu.memory_space<hbm>>
        %dma_start3A_339 = tpu.memref_slice %arg2[%add3A_337] : memref<320000xf32, #tpu.memory_space<hbm>> -> memref<128xf32, #tpu.memory_space<hbm>>
        tpu.enqueue_dma source(%dma_start3A_339 : memref<128xf32, #tpu.memory_space<hbm>>) target(%arg7 : memref<128xf32, #tpu.memory_space<vmem>>) target_semaphore(%arg13 : memref<!tpu.dma_semaphore, #tpu.memory_space<semaphore_mem>>)
        %dma_start3A_340 = arith.constant 0 : i32
        %dma_start3A_341 = tpu.memref_slice %arg6[%add3A_334, %dma_start3A_340] : memref<80x128xi32, #tpu.memory_space<vmem>> -> memref<1x128xi32, #tpu.memory_space<vmem>>
        %dma_start3A_342 = tpu.memref_squeeze %dma_start3A_341 : memref<1x128xi32, #tpu.memory_space<vmem>> -> memref<128xi32, #tpu.memory_space<vmem>>
        %dma_start3A_343 = arith.constant 0 : i32
        %dma_start3A_344 = tpu.memref_slice %arg3[%dma_start3A_343] : memref<10240xf32, #tpu.memory_space<hbm>> -> memref<10240xf32, #tpu.memory_space<hbm>>
        tpu.enqueue_indirect_dma source(%dma_start3A_344 : memref<10240xf32, #tpu.memory_space<hbm>>) target(%arg9 : memref<128xf32, #tpu.memory_space<vmem>>) offsets(%dma_start3A_342 : memref<128xi32, #tpu.memory_space<vmem>>) semaphore(%arg13 : memref<!tpu.dma_semaphore, #tpu.memory_space<semaphore_mem>>)
      } else {
      }
      %dma_wait3A_201 = arith.constant 0 : i32
      %dma_wait3A_202 = tpu.memref_slice %arg2[%dma_wait3A_201] : memref<320000xf32, #tpu.memory_space<hbm>> -> memref<128xf32, #tpu.memory_space<hbm>>
      %dma_wait3A_203 = arith.constant 0 : i32
      %dma_wait3A_204 = tpu.memref_slice %arg2[%dma_wait3A_203] : memref<320000xf32, #tpu.memory_space<hbm>> -> memref<128xf32, #tpu.memory_space<hbm>>
      tpu.wait_dma2 semaphore(%arg14 : memref<!tpu.dma_semaphore, #tpu.memory_space<semaphore_mem>>) src(%dma_wait3A_204 : memref<128xf32, #tpu.memory_space<hbm>>) dst(%arg8 : memref<128xf32, #tpu.memory_space<vmem>>)
      %dma_wait3A_205 = arith.constant 0 : i32
      %dma_wait3A_206 = tpu.memref_slice %arg2[%dma_wait3A_205] : memref<320000xf32, #tpu.memory_space<hbm>> -> memref<128xf32, #tpu.memory_space<hbm>>
      %dma_wait3A_207 = arith.constant 0 : i32
      %dma_wait3A_208 = tpu.memref_slice %arg2[%dma_wait3A_207] : memref<320000xf32, #tpu.memory_space<hbm>> -> memref<128xf32, #tpu.memory_space<hbm>>
      tpu.wait_dma2 semaphore(%arg14 : memref<!tpu.dma_semaphore, #tpu.memory_space<semaphore_mem>>) src(%dma_wait3A_208 : memref<128xf32, #tpu.memory_space<hbm>>) dst(%arg10 : memref<128xf32, #tpu.memory_space<vmem>>)
      %gt3A_209 = arith.constant 0 : i32
      %gt3A_210 = arith.cmpi sgt, %scan3A_55, %gt3A_209 : i32
      %convert_element_type3A_211 = arith.extui %gt3A_210 : i1 to i32
      %cond3A_212 = arith.constant 0 : i32
      %cond3A_213 = arith.cmpi ne, %convert_element_type3A_211, %cond3A_212 : i32
      scf.if %cond3A_213 {
        %dma_wait3A_333 = arith.constant 0 : i32
        %dma_wait3A_334 = tpu.memref_slice %arg5[%dma_wait3A_333] : memref<320000xf32, #tpu.memory_space<hbm>> -> memref<128xf32, #tpu.memory_space<hbm>>
        %dma_wait3A_335 = arith.constant 0 : i32
        %dma_wait3A_336 = tpu.memref_slice %arg5[%dma_wait3A_335] : memref<320000xf32, #tpu.memory_space<hbm>> -> memref<128xf32, #tpu.memory_space<hbm>>
        tpu.wait_dma2 semaphore(%arg16 : memref<!tpu.dma_semaphore, #tpu.memory_space<semaphore_mem>>) src(%arg12 : memref<128xf32, #tpu.memory_space<vmem>>) dst(%dma_wait3A_336 : memref<128xf32, #tpu.memory_space<hbm>>)
      } else {
      }
      %get3A_214 = arith.constant 0 : index
      %get3A_215 = tpu.vector_load %arg8[%get3A_214] {strides = array<i32>} : memref<128xf32, #tpu.memory_space<vmem>>, vector<16xf32>,
      %get3A_216 = vector.shape_cast %get3A_215 : vector<16xf32> to vector<16xf32>
      %get3A_217 = arith.constant 0 : index
      %get3A_218 = tpu.vector_load %arg10[%get3A_217] {strides = array<i32>} : memref<128xf32, #tpu.memory_space<vmem>>, vector<16xf32>,
      %get3A_219 = vector.shape_cast %get3A_218 : vector<16xf32> to vector<16xf32>
      %add3A_220 = arith.constant 1.000000e-16 : f32
      %add3A_221 = vector.broadcast %add3A_220 : f32 to vector<16xf32>
      %add3A_222 = arith.addf %get3A_219, %add3A_221 : vector<16xf32>
      %div3A_223 = arith.divf %get3A_216, %add3A_222 : vector<16xf32>
      %swap3A_224 = arith.constant 0 : index
      %swap3A_225 = tpu.vector_load %arg12[%swap3A_224] {strides = array<i32>} : memref<128xf32, #tpu.memory_space<vmem>>, vector<16xf32>,
      %swap3A_226 = vector.shape_cast %swap3A_225 : vector<16xf32> to vector<16xf32>
      %swap3A_227 = vector.shape_cast %div3A_223 : vector<16xf32> to vector<16xf32>
      tpu.vector_store %arg12[%swap3A_224], %swap3A_227 {strides = array<i32>} : memref<128xf32, #tpu.memory_space<vmem>>, vector<16xf32>,
      %get3A_228 = arith.constant 16 : index
      %get3A_229 = tpu.vector_load %arg8[%get3A_228] {strides = array<i32>} : memref<128xf32, #tpu.memory_space<vmem>>, vector<16xf32>,
      %get3A_230 = vector.shape_cast %get3A_229 : vector<16xf32> to vector<16xf32>
      %get3A_231 = arith.constant 16 : index
      %get3A_232 = tpu.vector_load %arg10[%get3A_231] {strides = array<i32>} : memref<128xf32, #tpu.memory_space<vmem>>, vector<16xf32>,
      %get3A_233 = vector.shape_cast %get3A_232 : vector<16xf32> to vector<16xf32>
      %add3A_234 = arith.constant 1.000000e-16 : f32
      %add3A_235 = vector.broadcast %add3A_234 : f32 to vector<16xf32>
      %add3A_236 = arith.addf %get3A_233, %add3A_235 : vector<16xf32>
      %div3A_237 = arith.divf %get3A_230, %add3A_236 : vector<16xf32>
      %swap3A_238 = arith.constant 16 : index
      %swap3A_239 = tpu.vector_load %arg12[%swap3A_238] {strides = array<i32>} : memref<128xf32, #tpu.memory_space<vmem>>, vector<16xf32>,
      %swap3A_240 = vector.shape_cast %swap3A_239 : vector<16xf32> to vector<16xf32>
      %swap3A_241 = vector.shape_cast %div3A_237 : vector<16xf32> to vector<16xf32>
      tpu.vector_store %arg12[%swap3A_238], %swap3A_241 {strides = array<i32>} : memref<128xf32, #tpu.memory_space<vmem>>, vector<16xf32>,
      %get3A_242 = arith.constant 32 : index
      %get3A_243 = tpu.vector_load %arg8[%get3A_242] {strides = array<i32>} : memref<128xf32, #tpu.memory_space<vmem>>, vector<16xf32>,
      %get3A_244 = vector.shape_cast %get3A_243 : vector<16xf32> to vector<16xf32>
      %get3A_245 = arith.constant 32 : index
      %get3A_246 = tpu.vector_load %arg10[%get3A_245] {strides = array<i32>} : memref<128xf32, #tpu.memory_space<vmem>>, vector<16xf32>,
      %get3A_247 = vector.shape_cast %get3A_246 : vector<16xf32> to vector<16xf32>
      %add3A_248 = arith.constant 1.000000e-16 : f32
      %add3A_249 = vector.broadcast %add3A_248 : f32 to vector<16xf32>
      %add3A_250 = arith.addf %get3A_247, %add3A_249 : vector<16xf32>
      %div3A_251 = arith.divf %get3A_244, %add3A_250 : vector<16xf32>
      %swap3A_252 = arith.constant 32 : index
      %swap3A_253 = tpu.vector_load %arg12[%swap3A_252] {strides = array<i32>} : memref<128xf32, #tpu.memory_space<vmem>>, vector<16xf32>,
      %swap3A_254 = vector.shape_cast %swap3A_253 : vector<16xf32> to vector<16xf32>
      %swap3A_255 = vector.shape_cast %div3A_251 : vector<16xf32> to vector<16xf32>
      tpu.vector_store %arg12[%swap3A_252], %swap3A_255 {strides = array<i32>} : memref<128xf32, #tpu.memory_space<vmem>>, vector<16xf32>,
      %get3A_256 = arith.constant 48 : index
      %get3A_257 = tpu.vector_load %arg8[%get3A_256] {strides = array<i32>} : memref<128xf32, #tpu.memory_space<vmem>>, vector<16xf32>,
      %get3A_258 = vector.shape_cast %get3A_257 : vector<16xf32> to vector<16xf32>
      %get3A_259 = arith.constant 48 : index
      %get3A_260 = tpu.vector_load %arg10[%get3A_259] {strides = array<i32>} : memref<128xf32, #tpu.memory_space<vmem>>, vector<16xf32>,
      %get3A_261 = vector.shape_cast %get3A_260 : vector<16xf32> to vector<16xf32>
      %add3A_262 = arith.constant 1.000000e-16 : f32
      %add3A_263 = vector.broadcast %add3A_262 : f32 to vector<16xf32>
      %add3A_264 = arith.addf %get3A_261, %add3A_263 : vector<16xf32>
      %div3A_265 = arith.divf %get3A_258, %add3A_264 : vector<16xf32>
      %swap3A_266 = arith.constant 48 : index
      %swap3A_267 = tpu.vector_load %arg12[%swap3A_266] {strides = array<i32>} : memref<128xf32, #tpu.memory_space<vmem>>, vector<16xf32>,
      %swap3A_268 = vector.shape_cast %swap3A_267 : vector<16xf32> to vector<16xf32>
      %swap3A_269 = vector.shape_cast %div3A_265 : vector<16xf32> to vector<16xf32>
      tpu.vector_store %arg12[%swap3A_266], %swap3A_269 {strides = array<i32>} : memref<128xf32, #tpu.memory_space<vmem>>, vector<16xf32>,
      %get3A_270 = arith.constant 64 : index
      %get3A_271 = tpu.vector_load %arg8[%get3A_270] {strides = array<i32>} : memref<128xf32, #tpu.memory_space<vmem>>, vector<16xf32>,
      %get3A_272 = vector.shape_cast %get3A_271 : vector<16xf32> to vector<16xf32>
      %get3A_273 = arith.constant 64 : index
      %get3A_274 = tpu.vector_load %arg10[%get3A_273] {strides = array<i32>} : memref<128xf32, #tpu.memory_space<vmem>>, vector<16xf32>,
      %get3A_275 = vector.shape_cast %get3A_274 : vector<16xf32> to vector<16xf32>
      %add3A_276 = arith.constant 1.000000e-16 : f32
      %add3A_277 = vector.broadcast %add3A_276 : f32 to vector<16xf32>
      %add3A_278 = arith.addf %get3A_275, %add3A_277 : vector<16xf32>
      %div3A_279 = arith.divf %get3A_272, %add3A_278 : vector<16xf32>
      %swap3A_280 = arith.constant 64 : index
      %swap3A_281 = tpu.vector_load %arg12[%swap3A_280] {strides = array<i32>} : memref<128xf32, #tpu.memory_space<vmem>>, vector<16xf32>,
      %swap3A_282 = vector.shape_cast %swap3A_281 : vector<16xf32> to vector<16xf32>
      %swap3A_283 = vector.shape_cast %div3A_279 : vector<16xf32> to vector<16xf32>
      tpu.vector_store %arg12[%swap3A_280], %swap3A_283 {strides = array<i32>} : memref<128xf32, #tpu.memory_space<vmem>>, vector<16xf32>,
      %get3A_284 = arith.constant 80 : index
      %get3A_285 = tpu.vector_load %arg8[%get3A_284] {strides = array<i32>} : memref<128xf32, #tpu.memory_space<vmem>>, vector<16xf32>,
      %get3A_286 = vector.shape_cast %get3A_285 : vector<16xf32> to vector<16xf32>
      %get3A_287 = arith.constant 80 : index
      %get3A_288 = tpu.vector_load %arg10[%get3A_287] {strides = array<i32>} : memref<128xf32, #tpu.memory_space<vmem>>, vector<16xf32>,
      %get3A_289 = vector.shape_cast %get3A_288 : vector<16xf32> to vector<16xf32>
      %add3A_290 = arith.constant 1.000000e-16 : f32
      %add3A_291 = vector.broadcast %add3A_290 : f32 to vector<16xf32>
      %add3A_292 = arith.addf %get3A_289, %add3A_291 : vector<16xf32>
      %div3A_293 = arith.divf %get3A_286, %add3A_292 : vector<16xf32>
      %swap3A_294 = arith.constant 80 : index
      %swap3A_295 = tpu.vector_load %arg12[%swap3A_294] {strides = array<i32>} : memref<128xf32, #tpu.memory_space<vmem>>, vector<16xf32>,
      %swap3A_296 = vector.shape_cast %swap3A_295 : vector<16xf32> to vector<16xf32>
      %swap3A_297 = vector.shape_cast %div3A_293 : vector<16xf32> to vector<16xf32>
      tpu.vector_store %arg12[%swap3A_294], %swap3A_297 {strides = array<i32>} : memref<128xf32, #tpu.memory_space<vmem>>, vector<16xf32>,
      %get3A_298 = arith.constant 96 : index
      %get3A_299 = tpu.vector_load %arg8[%get3A_298] {strides = array<i32>} : memref<128xf32, #tpu.memory_space<vmem>>, vector<16xf32>,
      %get3A_300 = vector.shape_cast %get3A_299 : vector<16xf32> to vector<16xf32>
      %get3A_301 = arith.constant 96 : index
      %get3A_302 = tpu.vector_load %arg10[%get3A_301] {strides = array<i32>} : memref<128xf32, #tpu.memory_space<vmem>>, vector<16xf32>,
      %get3A_303 = vector.shape_cast %get3A_302 : vector<16xf32> to vector<16xf32>
      %add3A_304 = arith.constant 1.000000e-16 : f32
      %add3A_305 = vector.broadcast %add3A_304 : f32 to vector<16xf32>
      %add3A_306 = arith.addf %get3A_303, %add3A_305 : vector<16xf32>
      %div3A_307 = arith.divf %get3A_300, %add3A_306 : vector<16xf32>
      %swap3A_308 = arith.constant 96 : index
      %swap3A_309 = tpu.vector_load %arg12[%swap3A_308] {strides = array<i32>} : memref<128xf32, #tpu.memory_space<vmem>>, vector<16xf32>,
      %swap3A_310 = vector.shape_cast %swap3A_309 : vector<16xf32> to vector<16xf32>
      %swap3A_311 = vector.shape_cast %div3A_307 : vector<16xf32> to vector<16xf32>
      tpu.vector_store %arg12[%swap3A_308], %swap3A_311 {strides = array<i32>} : memref<128xf32, #tpu.memory_space<vmem>>, vector<16xf32>,
      %get3A_312 = arith.constant 112 : index
      %get3A_313 = tpu.vector_load %arg8[%get3A_312] {strides = array<i32>} : memref<128xf32, #tpu.memory_space<vmem>>, vector<16xf32>,
      %get3A_314 = vector.shape_cast %get3A_313 : vector<16xf32> to vector<16xf32>
      %get3A_315 = arith.constant 112 : index
      %get3A_316 = tpu.vector_load %arg10[%get3A_315] {strides = array<i32>} : memref<128xf32, #tpu.memory_space<vmem>>, vector<16xf32>,
      %get3A_317 = vector.shape_cast %get3A_316 : vector<16xf32> to vector<16xf32>
      %add3A_318 = arith.constant 1.000000e-16 : f32
      %add3A_319 = vector.broadcast %add3A_318 : f32 to vector<16xf32>
      %add3A_320 = arith.addf %get3A_317, %add3A_319 : vector<16xf32>
      %div3A_321 = arith.divf %get3A_314, %add3A_320 : vector<16xf32>
      %swap3A_322 = arith.constant 112 : index
      %swap3A_323 = tpu.vector_load %arg12[%swap3A_322] {strides = array<i32>} : memref<128xf32, #tpu.memory_space<vmem>>, vector<16xf32>,
      %swap3A_324 = vector.shape_cast %swap3A_323 : vector<16xf32> to vector<16xf32>
      %swap3A_325 = vector.shape_cast %div3A_321 : vector<16xf32> to vector<16xf32>
      tpu.vector_store %arg12[%swap3A_322], %swap3A_325 {strides = array<i32>} : memref<128xf32, #tpu.memory_space<vmem>>, vector<16xf32>,
      %add3A_326 = arith.constant 1 : i32
      %add3A_327 = arith.addi %mul3A_57, %add3A_326 : i32
      %mul3A_328 = arith.constant 128 : i32
      %mul3A_329 = arith.muli %add3A_327, %mul3A_328 : i32
      %add3A_330 = arith.addi %mul3A_2, %mul3A_329 : i32
      %dma_start3A_331 = tpu.memref_slice %arg5[%add3A_330] : memref<320000xf32, #tpu.memory_space<hbm>> -> memref<128xf32, #tpu.memory_space<hbm>>
      %dma_start3A_332 = tpu.memref_slice %arg5[%add3A_330] : memref<320000xf32, #tpu.memory_space<hbm>> -> memref<128xf32, #tpu.memory_space<hbm>>
      tpu.enqueue_dma source(%arg12 : memref<128xf32, #tpu.memory_space<vmem>>) target(%dma_start3A_332 : memref<128xf32, #tpu.memory_space<hbm>>) target_semaphore(%arg16 : memref<!tpu.dma_semaphore, #tpu.memory_space<semaphore_mem>>)
    }
    %scan3A_16 = arith.constant 39 : i32
    %dma_wait3A = arith.constant 0 : i32
    %dma_wait3A_17 = tpu.memref_slice %arg5[%dma_wait3A] : memref<320000xf32, #tpu.memory_space<hbm>> -> memref<128xf32, #tpu.memory_space<hbm>>
    %dma_wait3A_18 = arith.constant 0 : i32
    %dma_wait3A_19 = tpu.memref_slice %arg5[%dma_wait3A_18] : memref<320000xf32, #tpu.memory_space<hbm>> -> memref<128xf32, #tpu.memory_space<hbm>>
    tpu.wait_dma2 semaphore(%arg15 : memref<!tpu.dma_semaphore, #tpu.memory_space<semaphore_mem>>) src(%arg11 : memref<128xf32, #tpu.memory_space<vmem>>) dst(%dma_wait3A_19 : memref<128xf32, #tpu.memory_space<hbm>>)
    %dma_wait3A_20 = arith.constant 0 : i32
    %dma_wait3A_21 = tpu.memref_slice %arg5[%dma_wait3A_20] : memref<320000xf32, #tpu.memory_space<hbm>> -> memref<128xf32, #tpu.memory_space<hbm>>
    %dma_wait3A_22 = arith.constant 0 : i32
    %dma_wait3A_23 = tpu.memref_slice %arg5[%dma_wait3A_22] : memref<320000xf32, #tpu.memory_space<hbm>> -> memref<128xf32, #tpu.memory_space<hbm>>
    tpu.wait_dma2 semaphore(%arg16 : memref<!tpu.dma_semaphore, #tpu.memory_space<semaphore_mem>>) src(%arg12 : memref<128xf32, #tpu.memory_space<vmem>>) dst(%dma_wait3A_23 : memref<128xf32, #tpu.memory_space<hbm>>)
    %add3A_24 = arith.constant 9984 : i32
    %add3A_25 = arith.addi %mul3A_2, %add3A_24 : i32
    "tpu.region"() ({
      %run_scoped3A = tpu.sem_alloc : memref<!tpu.dma_semaphore, #tpu.memory_space<semaphore_mem>>
      %dma_start3A_55 = arith.constant 0 : i32
      %dma_start3A_56 = tpu.memref_slice %arg7[%dma_start3A_55] : memref<128xf32, #tpu.memory_space<vmem>> -> memref<16xf32, #tpu.memory_space<vmem>>
      %dma_start3A_57 = tpu.memref_slice %arg2[%add3A_25] : memref<320000xf32, #tpu.memory_space<hbm>> -> memref<16xf32, #tpu.memory_space<hbm>>
      %dma_start3A_58 = arith.constant 0 : i32
      %dma_start3A_59 = tpu.memref_slice %arg7[%dma_start3A_58] : memref<128xf32, #tpu.memory_space<vmem>> -> memref<16xf32, #tpu.memory_space<vmem>>
      %dma_start3A_60 = tpu.memref_slice %arg2[%add3A_25] : memref<320000xf32, #tpu.memory_space<hbm>> -> memref<16xf32, #tpu.memory_space<hbm>>
      tpu.enqueue_dma source(%dma_start3A_60 : memref<16xf32, #tpu.memory_space<hbm>>) target(%dma_start3A_59 : memref<16xf32, #tpu.memory_space<vmem>>) target_semaphore(%run_scoped3A : memref<!tpu.dma_semaphore, #tpu.memory_space<semaphore_mem>>)
      %dma_wait3A_61 = arith.constant 0 : i32
      %dma_wait3A_62 = tpu.memref_slice %arg7[%dma_wait3A_61] : memref<128xf32, #tpu.memory_space<vmem>> -> memref<16xf32, #tpu.memory_space<vmem>>
      %dma_wait3A_63 = tpu.memref_slice %arg2[%add3A_25] : memref<320000xf32, #tpu.memory_space<hbm>> -> memref<16xf32, #tpu.memory_space<hbm>>
      %dma_wait3A_64 = arith.constant 0 : i32
      %dma_wait3A_65 = tpu.memref_slice %arg7[%dma_wait3A_64] : memref<128xf32, #tpu.memory_space<vmem>> -> memref<16xf32, #tpu.memory_space<vmem>>
      %dma_wait3A_66 = tpu.memref_slice %arg2[%add3A_25] : memref<320000xf32, #tpu.memory_space<hbm>> -> memref<16xf32, #tpu.memory_space<hbm>>
      tpu.wait_dma2 semaphore(%run_scoped3A : memref<!tpu.dma_semaphore, #tpu.memory_space<semaphore_mem>>) src(%dma_wait3A_66 : memref<16xf32, #tpu.memory_space<hbm>>) dst(%dma_wait3A_65 : memref<16xf32, #tpu.memory_space<vmem>>)
      tpu.yield
    }) : () -> ()
    %dma_start3A_26 = arith.constant 78 : i32
    %dma_start3A_27 = arith.constant 0 : i32
    %dma_start3A_28 = tpu.memref_slice %arg9[%dma_start3A_27] : memref<128xf32, #tpu.memory_space<vmem>> -> memref<16xf32, #tpu.memory_space<vmem>>
    %dma_start3A_29 = arith.constant 0 : i32
    %dma_start3A_30 = tpu.memref_slice %arg6[%dma_start3A_26, %dma_start3A_29] : memref<80x128xi32, #tpu.memory_space<vmem>> -> memref<1x16xi32, #tpu.memory_space<vmem>>
    %dma_start3A_31 = tpu.memref_squeeze %dma_start3A_30 : memref<1x16xi32, #tpu.memory_space<vmem>> -> memref<16xi32, #tpu.memory_space<vmem>>
    %dma_start3A_32 = arith.constant 0 : i32
    %dma_start3A_33 = tpu.memref_slice %arg3[%dma_start3A_32] : memref<10240xf32, #tpu.memory_space<hbm>> -> memref<10240xf32, #tpu.memory_space<hbm>>
    tpu.enqueue_indirect_dma source(%dma_start3A_33 : memref<10240xf32, #tpu.memory_space<hbm>>) target(%dma_start3A_28 : memref<16xf32, #tpu.memory_space<vmem>>) offsets(%dma_start3A_31 : memref<16xi32, #tpu.memory_space<vmem>>) semaphore(%arg13 : memref<!tpu.dma_semaphore, #tpu.memory_space<semaphore_mem>>)
    %dma_wait3A_34 = arith.constant 78 : i32
    %dma_wait3A_35 = arith.constant 0 : i32
    %dma_wait3A_36 = tpu.memref_slice %arg9[%dma_wait3A_35] : memref<128xf32, #tpu.memory_space<vmem>> -> memref<16xf32, #tpu.memory_space<vmem>>
    %dma_wait3A_37 = arith.constant 0 : i32
    %dma_wait3A_38 = tpu.memref_slice %arg6[%dma_wait3A_34, %dma_wait3A_37] : memref<80x128xi32, #tpu.memory_space<vmem>> -> memref<1x16xi32, #tpu.memory_space<vmem>>
    %dma_wait3A_39 = tpu.memref_squeeze %dma_wait3A_38 : memref<1x16xi32, #tpu.memory_space<vmem>> -> memref<16xi32, #tpu.memory_space<vmem>>
    %dma_wait3A_40 = arith.constant 0 : i32
    %dma_wait3A_41 = tpu.memref_slice %arg3[%dma_wait3A_40] : memref<10240xf32, #tpu.memory_space<hbm>> -> memref<10240xf32, #tpu.memory_space<hbm>>
    tpu.wait_indirect_dma semaphore(%arg13 : memref<!tpu.dma_semaphore, #tpu.memory_space<semaphore_mem>>) src(%dma_wait3A_41 : memref<10240xf32, #tpu.memory_space<hbm>>) dst(%dma_wait3A_36 : memref<16xf32, #tpu.memory_space<vmem>>)
    %get3A = arith.constant 0 : index
    %get3A_42 = tpu.vector_load %arg7[%get3A] {strides = array<i32>} : memref<128xf32, #tpu.memory_space<vmem>>, vector<16xf32>,
    %get3A_43 = vector.shape_cast %get3A_42 : vector<16xf32> to vector<16xf32>
    %get3A_44 = arith.constant 0 : index
    %get3A_45 = tpu.vector_load %arg9[%get3A_44] {strides = array<i32>} : memref<128xf32, #tpu.memory_space<vmem>>, vector<16xf32>,
    %get3A_46 = vector.shape_cast %get3A_45 : vector<16xf32> to vector<16xf32>
    %add3A_47 = arith.constant 1.000000e-16 : f32
    %add3A_48 = vector.broadcast %add3A_47 : f32 to vector<16xf32>
    %add3A_49 = arith.addf %get3A_46, %add3A_48 : vector<16xf32>
    %div3A = arith.divf %get3A_43, %add3A_49 : vector<16xf32>
    %swap3A = arith.constant 0 : index
    %swap3A_50 = tpu.vector_load %arg11[%swap3A] {strides = array<i32>} : memref<128xf32, #tpu.memory_space<vmem>>, vector<16xf32>,
    %swap3A_51 = vector.shape_cast %swap3A_50 : vector<16xf32> to vector<16xf32>
    %swap3A_52 = vector.shape_cast %div3A : vector<16xf32> to vector<16xf32>
    tpu.vector_store %arg11[%swap3A], %swap3A_52 {strides = array<i32>} : memref<128xf32, #tpu.memory_space<vmem>>, vector<16xf32>,
    %add3A_53 = arith.constant 9984 : i32
    %add3A_54 = arith.addi %mul3A_2, %add3A_53 : i32
    "tpu.region"() ({
      %run_scoped3A = tpu.sem_alloc : memref<!tpu.dma_semaphore, #tpu.memory_space<semaphore_mem>>
      %dma_start3A_55 = arith.constant 0 : i32
      %dma_start3A_56 = tpu.memref_slice %arg11[%dma_start3A_55] : memref<128xf32, #tpu.memory_space<vmem>> -> memref<16xf32, #tpu.memory_space<vmem>>
      %dma_start3A_57 = tpu.memref_slice %arg5[%add3A_54] : memref<320000xf32, #tpu.memory_space<hbm>> -> memref<16xf32, #tpu.memory_space<hbm>>
      %dma_start3A_58 = tpu.memref_slice %arg5[%add3A_54] : memref<320000xf32, #tpu.memory_space<hbm>> -> memref<16xf32, #tpu.memory_space<hbm>>
      %dma_start3A_59 = arith.constant 0 : i32
      %dma_start3A_60 = tpu.memref_slice %arg11[%dma_start3A_59] : memref<128xf32, #tpu.memory_space<vmem>> -> memref<16xf32, #tpu.memory_space<vmem>>
      tpu.enqueue_dma source(%dma_start3A_60 : memref<16xf32, #tpu.memory_space<vmem>>) target(%dma_start3A_58 : memref<16xf32, #tpu.memory_space<hbm>>) target_semaphore(%run_scoped3A : memref<!tpu.dma_semaphore, #tpu.memory_space<semaphore_mem>>)
      %dma_wait3A_61 = arith.constant 0 : i32
      %dma_wait3A_62 = tpu.memref_slice %arg11[%dma_wait3A_61] : memref<128xf32, #tpu.memory_space<vmem>> -> memref<16xf32, #tpu.memory_space<vmem>>
      %dma_wait3A_63 = tpu.memref_slice %arg5[%add3A_54] : memref<320000xf32, #tpu.memory_space<hbm>> -> memref<16xf32, #tpu.memory_space<hbm>>
      %dma_wait3A_64 = tpu.memref_slice %arg5[%add3A_54] : memref<320000xf32, #tpu.memory_space<hbm>> -> memref<16xf32, #tpu.memory_space<hbm>>
      %dma_wait3A_65 = arith.constant 0 : i32
      %dma_wait3A_66 = tpu.memref_slice %arg11[%dma_wait3A_65] : memref<128xf32, #tpu.memory_space<vmem>> -> memref<16xf32, #tpu.memory_space<vmem>>
      tpu.wait_dma2 semaphore(%run_scoped3A : memref<!tpu.dma_semaphore, #tpu.memory_space<semaphore_mem>>) src(%dma_wait3A_66 : memref<16xf32, #tpu.memory_space<vmem>>) dst(%dma_wait3A_64 : memref<16xf32, #tpu.memory_space<hbm>>)
      tpu.yield
    }) : () -> ()
    return
  }
}

module attributes {stable_mosaic.version = 14 : i64} {
  func.func @body(%arg0: i32, %arg1: memref<1280x128xf32, #tpu.memory_space<vmem>>, %arg2: memref<1280x16xf32, #tpu.memory_space<vmem>>, %arg3: memref<16x128xf32, #tpu.memory_space<vmem>>, %arg4: memref<128xf32, #tpu.memory_space<vmem>>, %arg5: memref<128x128xf32, #tpu.memory_space<vmem>>, %arg6: memref<128xf32, #tpu.memory_space<vmem>>, %arg7: memref<128x1xf32, #tpu.memory_space<vmem>>, %arg8: memref<1280x128xf32, #tpu.memory_space<vmem>>, %arg9: memref<1x1x1280xf32, #tpu.memory_space<vmem>>) attributes {dimension_semantics = [#tpu.dimension_semantics<arbitrary>], iteration_bounds = array<i64: 250>, scalar_prefetch = 0 : i64, scratch_operands = 0 : i64, tpu.core_type = #tpu.core_type<tc>, window_params = [{transform_indices = @transform_0, window_bounds = array<i64: 1280, 128>}, {transform_indices = @transform_1, window_bounds = array<i64: 1280, 16>}, {pipeline_mode = #tpu.pipeline_mode<synchronous>, transform_indices = @transform_2, window_bounds = array<i64: 16, 128>}, {pipeline_mode = #tpu.pipeline_mode<synchronous>, transform_indices = @transform_3, window_bounds = array<i64: 128>}, {pipeline_mode = #tpu.pipeline_mode<synchronous>, transform_indices = @transform_4, window_bounds = array<i64: 128, 128>}, {pipeline_mode = #tpu.pipeline_mode<synchronous>, transform_indices = @transform_5, window_bounds = array<i64: 128>}, {pipeline_mode = #tpu.pipeline_mode<synchronous>, transform_indices = @transform_6, window_bounds = array<i64: 128, 1>}, {transform_indices = @transform_7, window_bounds = array<i64: 1280, 128>}, {transform_indices = @transform_8, window_bounds = array<i64: 1, 1, 1280>}]} {
    %broadcast_in_dim3A = arith.constant 1.000000e+00 : f32
    %broadcast_in_dim3A_0 = vector.broadcast %broadcast_in_dim3A : f32 to vector<16x128xf32>
    %get3A = arith.constant 0 : index
    %get3A_1 = arith.constant 0 : index
    %get3A_2 = vector.load %arg2[%get3A, %get3A_1] : memref<1280x16xf32, #tpu.memory_space<vmem>>, vector<1280x16xf32>
    %mul3A = arith.mulf %get3A_2, %get3A_2 : vector<1280x16xf32>
    %dot_general3A = arith.constant dense<0.000000e+00> : vector<1280x128xf32>
    %dot_general3A_3 = tpu.matmul %mul3A, %broadcast_in_dim3A_0, %dot_general3A {dimension_numbers = #tpu.dot_dimension_numbers<[1], [0], [0], [1], [0, 0, 1, 1], [], []>, transpose_lhs_hint = false} : vector<1280x16xf32>, vector<16x128xf32>, vector<1280x128xf32> -> vector<1280x128xf32>
    %sqrt3A = math.sqrt %dot_general3A_3 : vector<1280x128xf32>
    %add3A = arith.constant 9.99999993E-9 : f32
    %add3A_4 = vector.broadcast %add3A : f32 to vector<1280x128xf32>
    %add3A_5 = arith.addf %sqrt3A, %add3A_4 : vector<1280x128xf32>
    %div3A = arith.constant 1.000000e+00 : f32
    %div3A_6 = vector.broadcast %div3A : f32 to vector<1280x128xf32>
    %div3A_7 = arith.divf %div3A_6, %add3A_5 : vector<1280x128xf32>
    %get3A_8 = arith.constant 0 : index
    %get3A_9 = arith.constant 0 : index
    %get3A_10 = vector.load %arg3[%get3A_8, %get3A_9] : memref<16x128xf32, #tpu.memory_space<vmem>>, vector<16x128xf32>
    %dot_general3A_11 = arith.constant dense<0.000000e+00> : vector<1280x128xf32>
    %dot_general3A_12 = tpu.matmul %get3A_2, %get3A_10, %dot_general3A_11 {dimension_numbers = #tpu.dot_dimension_numbers<[1], [0], [0], [1], [0, 0, 1, 1], [], []>, transpose_lhs_hint = false} : vector<1280x16xf32>, vector<16x128xf32>, vector<1280x128xf32> -> vector<1280x128xf32>
    %mul3A_13 = arith.mulf %dot_general3A_12, %div3A_7 : vector<1280x128xf32>
    %get3A_14 = arith.constant 0 : index
    %get3A_15 = vector.load %arg4[%get3A_14] : memref<128xf32, #tpu.memory_space<vmem>>, vector<128xf32>
    %broadcast_in_dim3A_16 = vector.shape_cast %get3A_15 : vector<128xf32> to vector<1x128xf32>
    %add3A_17 = vector.broadcast %broadcast_in_dim3A_16 : vector<1x128xf32> to vector<1280x128xf32>
    %add3A_18 = arith.addf %mul3A_13, %add3A_17 : vector<1280x128xf32>
    %tanh3A = math.tanh %add3A_18 : vector<1280x128xf32>
    %convert_element_type3A = arith.truncf %tanh3A : vector<1280x128xf32> to vector<1280x128xbf16>
    %get3A_19 = arith.constant 0 : index
    %get3A_20 = arith.constant 0 : index
    %get3A_21 = vector.load %arg5[%get3A_19, %get3A_20] : memref<128x128xf32, #tpu.memory_space<vmem>>, vector<128x128xf32>
    %convert_element_type3A_22 = arith.truncf %get3A_21 : vector<128x128xf32> to vector<128x128xbf16>
    %dot_general3A_23 = arith.constant dense<0.000000e+00> : vector<1280x128xf32>
    %dot_general3A_24 = tpu.matmul %convert_element_type3A, %convert_element_type3A_22, %dot_general3A_23 {dimension_numbers = #tpu.dot_dimension_numbers<[1], [0], [0], [1], [0, 0, 1, 1], [], []>, transpose_lhs_hint = false} : vector<1280x128xbf16>, vector<128x128xbf16>, vector<1280x128xf32> -> vector<1280x128xf32>
    %get3A_25 = arith.constant 0 : index
    %get3A_26 = vector.load %arg6[%get3A_25] : memref<128xf32, #tpu.memory_space<vmem>>, vector<128xf32>
    %broadcast_in_dim3A_27 = vector.shape_cast %get3A_26 : vector<128xf32> to vector<1x128xf32>
    %add3A_28 = vector.broadcast %broadcast_in_dim3A_27 : vector<1x128xf32> to vector<1280x128xf32>
    %add3A_29 = arith.addf %dot_general3A_24, %add3A_28 : vector<1280x128xf32>
    %get3A_30 = arith.constant 0 : index
    %get3A_31 = arith.constant 0 : index
    %get3A_32 = vector.load %arg1[%get3A_30, %get3A_31] : memref<1280x128xf32, #tpu.memory_space<vmem>>, vector<1280x128xf32>
    %mul3A_33 = arith.mulf %get3A_32, %add3A_29 : vector<1280x128xf32>
    %get3A_34 = arith.constant 0 : index
    %get3A_35 = arith.constant 0 : index
    %get3A_36 = vector.load %arg7[%get3A_34, %get3A_35] : memref<128x1xf32, #tpu.memory_space<vmem>>, vector<128x1xf32>
    %dot_general3A_37 = arith.constant dense<0.000000e+00> : vector<1280x1xf32>
    %dot_general3A_38 = tpu.matmul %mul3A_33, %get3A_36, %dot_general3A_37 {dimension_numbers = #tpu.dot_dimension_numbers<[1], [0], [0], [1], [0, 0, 1, 1], [], []>, transpose_lhs_hint = false} : vector<1280x128xf32>, vector<128x1xf32>, vector<1280x1xf32> -> vector<1280x1xf32>
    %exp3A = math.exp %dot_general3A_38 : vector<1280x1xf32>
    %broadcast_in_dim3A_39 = arith.constant 1.000000e+00 : f32
    %broadcast_in_dim3A_40 = vector.broadcast %broadcast_in_dim3A_39 : f32 to vector<1x128xf32>
    %dot_general3A_41 = arith.constant dense<0.000000e+00> : vector<1280x128xf32>
    %dot_general3A_42 = tpu.matmul %exp3A, %broadcast_in_dim3A_40, %dot_general3A_41 {dimension_numbers = #tpu.dot_dimension_numbers<[1], [0], [0], [1], [0, 0, 1, 1], [], []>, transpose_lhs_hint = false} : vector<1280x1xf32>, vector<1x128xf32>, vector<1280x128xf32> -> vector<1280x128xf32>
    %mul3A_43 = arith.mulf %mul3A_33, %dot_general3A_42 : vector<1280x128xf32>
    %swap3A = arith.constant 0 : index
    %swap3A_44 = arith.constant 0 : index
    %swap3A_45 = vector.load %arg8[%swap3A, %swap3A_44] : memref<1280x128xf32, #tpu.memory_space<vmem>>, vector<1280x128xf32>
    tpu.vector_store %arg8[%swap3A, %swap3A_44], %mul3A_43 {strides = array<i32>} : memref<1280x128xf32, #tpu.memory_space<vmem>>, vector<1280x128xf32>,
    %squeeze3A = vector.shape_cast %exp3A : vector<1280x1xf32> to vector<1280xf32>
    %broadcast_in_dim3A_46 = vector.shape_cast %squeeze3A : vector<1280xf32> to vector<1x1x1280xf32>
    %swap3A_47 = arith.constant 0 : index
    %swap3A_48 = arith.constant 0 : index
    %swap3A_49 = arith.constant 0 : index
    %swap3A_50 = vector.load %arg9[%swap3A_47, %swap3A_48, %swap3A_49] : memref<1x1x1280xf32, #tpu.memory_space<vmem>>, vector<1x1x1280xf32>
    tpu.vector_store %arg9[%swap3A_47, %swap3A_48, %swap3A_49], %broadcast_in_dim3A_46 {strides = array<i32>} : memref<1x1x1280xf32, #tpu.memory_space<vmem>>, vector<1x1x1280xf32>,
    return
  }
  func.func @transform_0(%arg0: i32) -> (i32, i32) {
    %c0_i32 = arith.constant 0 : i32
    %c0_i32_0 = arith.constant 0 : i32
    return %arg0, %c0_i32 : i32, i32
  }
  func.func @transform_1(%arg0: i32) -> (i32, i32) {
    %c0_i32 = arith.constant 0 : i32
    %c0_i32_0 = arith.constant 0 : i32
    return %arg0, %c0_i32 : i32, i32
  }
  func.func @transform_2(%arg0: i32) -> (i32, i32) {
    %c0_i32 = arith.constant 0 : i32
    %c0_i32_0 = arith.constant 0 : i32
    %c0_i32_1 = arith.constant 0 : i32
    return %c0_i32, %c0_i32_0 : i32, i32
  }
  func.func @transform_3(%arg0: i32) -> i32 {
    %c0_i32 = arith.constant 0 : i32
    %c0_i32_0 = arith.constant 0 : i32
    return %c0_i32 : i32
  }
  func.func @transform_4(%arg0: i32) -> (i32, i32) {
    %c0_i32 = arith.constant 0 : i32
    %c0_i32_0 = arith.constant 0 : i32
    %c0_i32_1 = arith.constant 0 : i32
    return %c0_i32, %c0_i32_0 : i32, i32
  }
  func.func @transform_5(%arg0: i32) -> i32 {
    %c0_i32 = arith.constant 0 : i32
    %c0_i32_0 = arith.constant 0 : i32
    return %c0_i32 : i32
  }
  func.func @transform_6(%arg0: i32) -> (i32, i32) {
    %c0_i32 = arith.constant 0 : i32
    %c0_i32_0 = arith.constant 0 : i32
    %c0_i32_1 = arith.constant 0 : i32
    return %c0_i32, %c0_i32_0 : i32, i32
  }
  func.func @transform_7(%arg0: i32) -> (i32, i32) {
    %c0_i32 = arith.constant 0 : i32
    %c0_i32_0 = arith.constant 0 : i32
    return %arg0, %c0_i32 : i32, i32
  }
  func.func @transform_8(%arg0: i32) -> (i32, i32, i32) {
    %c0_i32 = arith.constant 0 : i32
    %c0_i32_0 = arith.constant 0 : i32
    %c0_i32_1 = arith.constant 0 : i32
    return %arg0, %c0_i32, %c0_i32_0 : i32, i32, i32
  }
}

module attributes {stable_mosaic.version = 14 : i64} {
  func.func @body(%arg0: i32, %arg1: memref<2x1024x128xf32, #tpu.memory_space<vmem>>, %arg2: memref<2x1024xf32, #tpu.memory_space<vmem>>, %arg3: memref<1024x128xf32, #tpu.memory_space<vmem>>, %arg4: memref<1024xf32, #tpu.memory_space<vmem>>) attributes {dimension_semantics = [#tpu.dimension_semantics<arbitrary>], iteration_bounds = array<i64: 10>, scalar_prefetch = 0 : i64, scratch_operands = 0 : i64, tpu.core_type = #tpu.core_type<tc>, window_params = [{transform_indices = @transform_0, window_bounds = array<i64: 2, 1024, 128>}, {transform_indices = @transform_1, window_bounds = array<i64: 2, 1024>}, {transform_indices = @transform_2, window_bounds = array<i64: 1024, 128>}, {transform_indices = @transform_3, window_bounds = array<i64: 1024>}]} {
    %get3A = arith.constant 0 : index
    %get3A_0 = arith.constant 0 : index
    %get3A_1 = arith.constant 0 : index
    %get3A_2 = vector.load %arg1[%get3A, %get3A_0, %get3A_1] : memref<2x1024x128xf32, #tpu.memory_space<vmem>>, vector<1x1024x128xf32>
    %get3A_3 = vector.shape_cast %get3A_2 : vector<1x1024x128xf32> to vector<1024x128xf32>
    %get3A_4 = arith.constant 1 : index
    %get3A_5 = arith.constant 0 : index
    %get3A_6 = arith.constant 0 : index
    %get3A_7 = vector.load %arg1[%get3A_4, %get3A_5, %get3A_6] : memref<2x1024x128xf32, #tpu.memory_space<vmem>>, vector<1x1024x128xf32>
    %get3A_8 = vector.shape_cast %get3A_7 : vector<1x1024x128xf32> to vector<1024x128xf32>
    %add3A = arith.addf %get3A_3, %get3A_8 : vector<1024x128xf32>
    %get3A_9 = arith.constant 0 : index
    %get3A_10 = arith.constant 0 : index
    %get3A_11 = vector.load %arg2[%get3A_9, %get3A_10] : memref<2x1024xf32, #tpu.memory_space<vmem>>, vector<1x1024xf32>
    %get3A_12 = vector.shape_cast %get3A_11 : vector<1x1024xf32> to vector<1024xf32>
    %get3A_13 = arith.constant 1 : index
    %get3A_14 = arith.constant 0 : index
    %get3A_15 = vector.load %arg2[%get3A_13, %get3A_14] : memref<2x1024xf32, #tpu.memory_space<vmem>>, vector<1x1024xf32>
    %get3A_16 = vector.shape_cast %get3A_15 : vector<1x1024xf32> to vector<1024xf32>
    %add3A_17 = arith.addf %get3A_12, %get3A_16 : vector<1024xf32>
    %swap3A = arith.constant 0 : index
    %swap3A_18 = vector.load %arg4[%swap3A] : memref<1024xf32, #tpu.memory_space<vmem>>, vector<1024xf32>
    tpu.vector_store %arg4[%swap3A], %add3A_17 {strides = array<i32>} : memref<1024xf32, #tpu.memory_space<vmem>>, vector<1024xf32>,
    %broadcast_in_dim3A = vector.shape_cast %add3A_17 : vector<1024xf32> to vector<1024x1xf32>
    %add3A_19 = arith.constant 1.000000e-16 : f32
    %add3A_20 = vector.broadcast %add3A_19 : f32 to vector<1024x1xf32>
    %add3A_21 = arith.addf %broadcast_in_dim3A, %add3A_20 : vector<1024x1xf32>
    %div3A = vector.broadcast %add3A_21 : vector<1024x1xf32> to vector<1024x128xf32>
    %div3A_22 = arith.divf %add3A, %div3A : vector<1024x128xf32>
    %swap3A_23 = arith.constant 0 : index
    %swap3A_24 = arith.constant 0 : index
    %swap3A_25 = vector.load %arg3[%swap3A_23, %swap3A_24] : memref<1024x128xf32, #tpu.memory_space<vmem>>, vector<1024x128xf32>
    tpu.vector_store %arg3[%swap3A_23, %swap3A_24], %div3A_22 {strides = array<i32>} : memref<1024x128xf32, #tpu.memory_space<vmem>>, vector<1024x128xf32>,
    return
  }
  func.func @transform_0(%arg0: i32) -> (i32, i32, i32) {
    %c0_i32 = arith.constant 0 : i32
    %c0_i32_0 = arith.constant 0 : i32
    %c0_i32_1 = arith.constant 0 : i32
    return %c0_i32, %arg0, %c0_i32_0 : i32, i32, i32
  }
  func.func @transform_1(%arg0: i32) -> (i32, i32) {
    %c0_i32 = arith.constant 0 : i32
    %c0_i32_0 = arith.constant 0 : i32
    return %c0_i32, %arg0 : i32, i32
  }
  func.func @transform_2(%arg0: i32) -> (i32, i32) {
    %c0_i32 = arith.constant 0 : i32
    %c0_i32_0 = arith.constant 0 : i32
    return %arg0, %c0_i32 : i32, i32
  }
  func.func @transform_3(%arg0: i32) -> i32 {
    %c0_i32 = arith.constant 0 : i32
    return %arg0 : i32
  }
}

</mosaic_0001>

<sc_bundles>
// kernel: kernel.10.cloned.1.call-start
scs
__scs_entry_jumppad:
0x0: {  	(pc) =	sbr.rel $0x88, $3  }
0x1: {  	(tag) =	ssettag $0x0;
	lr =	simm.s32 $0x1  }
0x2: {  	[smem:$0x3F99] =	sst lr;
	_ =	strace $0xD0000000  }
0x3: {  	_ = 	snop  }
0x4: {  	_ = 	snop  }
0x5: {  	_ = 	snop  }
0x6: {  	_ = 	snop  }
0x7: {  	_ = 	snop  }
__scs_overlays_trampoline_lowered:
0x8: {  	[smem:$0x3FA8] =	sst s0  }
0x9: {  	[smem:$0x3FA9] =	sst s1  }
0xa: {  	[smem:$0x3FAA] =	sst s2  }
0xb: {  	[smem:$0x3FAB] =	sst s3  }
0xc: {  	[smem:$0x3FAC] =	sst s4  }
0xd: {  	[smem:$0x3FAD] =	sst s5  }
0xe: {  	[smem:$0x3FAE] =	sst s6  }
0xf: {  	[smem:$0x3FAF] =	sst s7  }
0x10: {  	[smem:$0x3FB0] =	sst s8  }
0x11: {  	[smem:$0x3FB1] =	sst s9;
	s0 =	simm.s32 @!p0 $0x0  }
0x12: {  	s1 =	sld [smem:$0x3F97];
	s0 =	simm.s32 @p0 $0x1  }
0x13: {  	[smem:$0x3FB2] =	sst s0;
	s0 =	simm.s32 @!p1 $0x0  }
0x14: {  	s2 =	sld [smem:$0x3F96];
	s0 =	simm.s32 @p1 $0x1  }
0x15: {  	[smem:$0x3FB3] =	sst s0;
	s0 =	simm.s32 @!p2 $0x0  }
0x16: {  	s3 =	sld [smem:$0x3FDB];
	s0 =	simm.s32 @p2 $0x1  }
0x17: {  	s4 =	simm.s32 $0x1BF5;
	[smem:$0x3FB5] =	sst s0  }
0x18: {  	s0 =	sld [smem:$0x3F98];
	_ =	swait.ge [sflag:s4], $0x0  }
0x19: {  	s7 =	sld [smem:$0x3F99]  }
0x1a: {  	s8 =	sadd.s32 $0xFFFFE003, lr  }
0x1b: {  	s9 =	sadd.s32 $0xFFFFFEF7, lr;
	s5 =	simm.s32 $0xFFFFFFFF;
	p2 =	slt.u32 s8, $0xFFFFF086  }
0x1c: {  	p1 =	slt.u32 s9, $0xF7A;
	s5 =	simm.s32 @!p2 $0x0  }
0x1d: {  	s5 =	simm.s32 @p1 $0x1;
	p0 =	seq.s32 s7, s2  }
0x1e: {  	s7 =	smul.u32 @!p0 $0xF7A, s2;
	p2 =	seq.s32 @!p0 s5, $0x0  }
0x1f: {  	s9 =	smul.u32 $0xF7A, s1;
	s8 =	simm.s32 @!p0 $0x1BF5;
	p2 =	por !p2, p0  }
0x20: {  	[sflag:s8] =	ssyncset.s32 @!p0 $0xFFFFF086;
	s6 =	sadd.s32 @!p0 s3, s7;
	s7 =	simm.s32 @!p0 $0x108  }
0x21: {  	s3 =	sadd.s32 s3, s9;
	s6 =	sadd.s32 @!p0 $0x88, s6;
	s7 =	simm.s32 @p2 $0x1082  }
0x22: {  	[simem:s7], [sflag:s8] =	dma.local @!p0 [hbm:s6], $0xF7A  }
0x23: {  	s9 =	sor.u32 $0xD0000000, s2;
	s6 =	simm.s32 $0x108;
	_ =	swait.ge @!p0 [sflag:s8], $0x0  }
0x24: {  	s3 =	sadd.s32 $0x88, s3;
	s6 =	simm.s32 @!p1 $0x1082;
	[sflag:s4] =	ssyncset.s32 $0xFFFFF086  }
0x25: {  	[simem:s6], [sflag:s4] =	dma.local [hbm:s3], $0xF7A  }
0x26: {  	[smem:$0x3F99] =	sst s1;
	(tag) =	ssettag s2;
	_ =	strace s9  }
0x27: {  	s1 =	sld [smem:$0x3FA9]  }
0x28: {  	s2 =	sld [smem:$0x3FAA]  }
0x29: {  	s4 =	sld [smem:$0x3FAC]  }
0x2a: {  	p0 =	seq.s32 s5, $0x0;
	s5 =	sld [smem:$0x3FAD]  }
0x2b: {  	s6 =	sld [smem:$0x3FAE]  }
0x2c: {  	s7 =	sld [smem:$0x3FAF]  }
0x2d: {  	s3 =	simm.s32 $0x108;
	s8 =	sld [smem:$0x3FB0]  }
0x2e: {  	s3 =	simm.s32 @!p0 $0x1082;
	s9 =	sld [smem:$0x3FB1]  }
0x2f: {  	lr =	sadd.s32 s0, s3;
	s0 =	sld [smem:$0x3FA8]  }
0x30: {  	s3 =	sld [smem:$0x3FAB]  }
0x31: {  	[smem:$0x3FB4] =	sst s10  }
0x32: {  	s10 =	sld [smem:$0x3FB2];
	_ =	sdelay $0x3  }
0x33: {  	p0 =	seq.s32 s10, $0x1;
	s10 =	sld [smem:$0x3FB4];
	_ =	sdelay $0x3  }
0x34: {  	[smem:$0x3FB4] =	sst s10  }
0x35: {  	s10 =	sld [smem:$0x3FB3];
	_ =	sdelay $0x3  }
0x36: {  	p1 =	seq.s32 s10, $0x1;
	s10 =	sld [smem:$0x3FB4];
	_ =	sdelay $0x3  }
0x37: {  	[smem:$0x3FB4] =	sst s10  }
0x38: {  	s10 =	sld [smem:$0x3FB5]  }
0x39: {  	_ = 	snop;
	(pc) =	sbr.ind lr, $3  }
0x3a: {  	_ = 	snop  }
0x3b: {  	_ = 	snop  }
0x3c: {  	p2 =	seq.s32 s10, $0x1;
	s10 =	sld [smem:$0x3FB4]  }
0x3d: {  	_ =	shalt  }
0x3e: {  	_ =	shalt  }
0x3f: {  	_ =	shalt  }
0x40: {  	_ =	shalt  }
0x41: {  	_ =	shalt  }
0x42: {  	_ =	shalt  }
0x43: {  	_ =	shalt  }
0x44: {  	_ =	shalt  }
0x45: {  	_ =	shalt  }
0x46: {  	_ =	shalt  }
0x47: {  	_ =	shalt  }
0x48: {  	_ =	shalt  }
0x49: {  	_ =	shalt  }
0x4a: {  	_ =	shalt  }
0x4b: {  	_ =	shalt  }
0x4c: {  	_ =	shalt  }
0x4d: {  	_ =	shalt  }
0x4e: {  	_ =	shalt  }
0x4f: {  	_ =	shalt  }
0x50: {  	_ =	shalt  }
0x51: {  	_ =	shalt  }
0x52: {  	_ =	shalt  }
0x53: {  	_ =	shalt  }
0x54: {  	_ =	shalt  }
0x55: {  	_ =	shalt  }
0x56: {  	_ =	shalt  }
0x57: {  	_ =	shalt  }
0x58: {  	_ =	shalt  }
0x59: {  	_ =	shalt  }
0x5a: {  	_ =	shalt  }
0x5b: {  	_ =	shalt  }
0x5c: {  	_ =	shalt  }
0x5d: {  	_ =	shalt  }
0x5e: {  	_ =	shalt  }
0x5f: {  	_ =	shalt  }
0x60: {  	_ =	shalt  }
0x61: {  	_ =	shalt  }
0x62: {  	_ =	shalt  }
0x63: {  	_ =	shalt  }
0x64: {  	_ =	shalt  }
0x65: {  	_ =	shalt  }
0x66: {  	_ =	shalt  }
0x67: {  	_ =	shalt  }
0x68: {  	_ =	shalt  }
0x69: {  	_ =	shalt  }
0x6a: {  	_ =	shalt  }
0x6b: {  	_ =	shalt  }
0x6c: {  	_ =	shalt  }
0x6d: {  	_ =	shalt  }
0x6e: {  	_ =	shalt  }
0x6f: {  	_ =	shalt  }
0x70: {  	_ =	shalt  }
0x71: {  	_ =	shalt  }
0x72: {  	_ =	shalt  }
0x73: {  	_ =	shalt  }
0x74: {  	_ =	shalt  }
0x75: {  	_ =	shalt  }
0x76: {  	_ =	shalt  }
0x77: {  	_ =	shalt  }
0x78: {  	_ =	shalt  }
0x79: {  	_ =	shalt  }
0x7a: {  	_ =	shalt  }
0x7b: {  	_ =	shalt  }
0x7c: {  	_ =	shalt  }
0x7d: {  	_ =	shalt  }
0x7e: {  	_ =	shalt  }
0x7f: {  	_ =	shalt  }
0x80: {  	_ =	shalt  }
0x81: {  	_ =	shalt  }
0x82: {  	_ =	shalt  }
0x83: {  	_ =	shalt  }
0x84: {  	_ =	shalt  }
0x85: {  	_ =	shalt  }
0x86: {  	_ =	shalt  }
0x87: {  	_ =	shalt  }
.Lfunc_end0:
.L_simem_size_0:
called_computation.1_lowered:
.L_overlay_start_0:
0x88: {  	s2 =	sld [smem:$0x3FD9]  }
0x89: {  	s3 =	sld [smem:$0x3FFE];
	_ =	sdelay $0x1  }
0x8a: {  	s1 =	srdreg.scid  }
0x8b: {  	s0 =	sand.u32 $0x1, s1  }
0x8c: {  	s14 =	sshll.u32 s0, $0xA;
	s2 =	sadd.s32 s3, s2  }
0x8d: {  	s2 =	sadd.s32 s2, s14  }
0x8e: {  	[smem:$0x3FC0] =	sst s2  }
0x8f: {  	_ = 	snop  }
0x90: {  	s2 =	sld [smem:$0x3FD0];
	_ =	sdelay $0x2  }
0x91: {  	s15 =	simm.s32 $0xA;
	s4 =	simm.s32 $0x10  }
0x92: {  	[smem:s4], [sflag:s15] =	dma.local [hbm:s2], $0x1  }
0x93: {  	_ =	swait.eq [sflag:s15], $0x1  }
0x94: {  	[sflag:s15] =	ssyncset.done $0x0  }
0x95: {  	[sflag:s15] =	ssyncadd.s32 $0xFFFFFFFF  }
0x96: {  	s16 =	sld [smem:$0x11];
	(tm) =	ssettm $0x1  }
0x97: {  	s17 =	sld [smem:$0x3FFB];
	_ =	sdelay $0x3  }
0x98: {  	_ =	strace s17  }
0x99: {  	s3 =	sld [smem:$0x3FFC];
	_ =	sdelay $0x3  }
0x9a: {  	_ =	strace s3  }
0x9b: {  	s3 =	sld [smem:$0x3FFD];
	_ =	sdelay $0x3  }
0x9c: {  	_ =	strace s3  }
0x9d: {  	_ =	strace $0x8FFFFFFF  }
0x9e: {  	s18 =	sld [smem:$0x3FDB];
	_ =	sdelay $0x1  }
0x9f: {  	s19 =	simm.s32 $_scs_section_size  }
0xa0: {  	s5 =	simm.s32 $_size__tile_overlayer_lowered;
	s6 =	simm.s32 $_tile_overlayer_lowered  }
0xa1: {  	s22 =	simm.s32 $0x1BFF;
	s21 =	sshll.u32 s6, $0x1;
	s3 =	sadd.s32 s19, s18  }
0xa2: {  	s7 =	simm.s32 $0x0;
	s20 =	sshll.u32 s5, $0x1;
	s5 =	sadd.s32 s21, s3  }
0xa3: {  	[timem:s7], [sflag:s22] =	dma.local [hbm:s5], s20  }
0xa4: {  	_ =	swait.ge [sflag:s22], s20  }
0xa5: {  	s4 =	ssub.s32 $0x0, s20;
	[sflag:s22] =	ssyncset.done $0x0  }
0xa6: {  	[sflag:s22] =	ssyncadd.s32 s4;
	_ =	sdelay $0x1  }
0xa7: {  	s23 =	simm.s32 $0x1B8B  }
0xa8: {  	_ =	swait.ge [sflag:s23], $0x1  }
0xa9: {  	[sflag:s23] =	ssyncset.done $0x0  }
0xaa: {  	s25 =	simm.s32 $0x1B8E;
	s24 =	sld [smem:$0x3FFE];
	[sflag:s23] =	ssyncadd.s32 $0xFFFFFFFF  }
0xab: {  	s26 =	simm.s32 $execute0_lowered;
	[smem:$0x3FD2] =	sst s25  }
0xac: {  	s5 =	sshll.u32 s26, $0x1;
	_ =	strace $0x80000049;
	[dreg:$0x1] =	wrdreg $0xFFFFFFFF  }
0xad: {  	s28 =	simm.s32 $_size_execute0_lowered;
	s3 =	sadd.s32 s3, s5;
	[dreg:$0x0] =	wrdreg $0x0  }
0xae: {  	s5 =	sshll.u32 s28, $0x1;
	[dreg:$0x2] =	wrdreg s3  }
0xaf: {  	[dreg:$0x3] =	wrdreg s5  }
0xb0: {  	[dreg:$0x4] =	wrdreg $0xC0  }
0xb1: {  	_ =	task [dreg:s7], $0x5FFFF  }
0xb2: {  	[dreg:$0x1] =	wrdreg $0xFFFFFFFF  }
0xb3: {  	[dreg:$0x0] =	wrdreg $0x60  }
0xb4: {  	[dreg:$0x2] =	wrdreg s24  }
0xb5: {  	[dreg:$0x3] =	wrdreg s16  }
0xb6: {  	[dreg:$0x4] =	wrdreg $0xBB800  }
0xb7: {  	[dreg:$0x5] =	wrdreg $0x1FB800  }
0xb8: {  	[dreg:$0x6] =	wrdreg $0x9  }
0xb9: {  	_ =	task.clear_ibuf [dreg:s7], $0x7FFFF;
	_ =	strace $0x90000049  }
0xba: {  	s29 =	simm.s32 $0x9;
	_ =	strace $0x8000004B  }
0xbb: {  	_ =	swait.ge [sflag:s29], $0x1  }
0xbc: {  	[sflag:s29] =	ssyncadd.s32 $0xFFFFFFFF  }
0xbd: {  	_ =	strace $0x9000004B  }
0xbe: {  	_ =	sfence  }
0xbf: {  	s30 =	sld [smem:$0x0];
	_ =	sdelay $0x2  }
0xc0: {  	s31 =	sshll.u32 s1, $0xD;
	s1 =	sshrl.u32 s1, $0x2  }
0xc1: {  	s3 =	sand.u32 $0x4000, s31;
	s1 =	sadd.s32 s1, s30  }
0xc2: {  	s0 =	sor.u32 s3, s0;
	s1 =	sshll.u32 s1, $0x11  }
0xc3: {  	s0 =	sor.u32 s1, s0  }
0xc4: {  	s0 =	sadd.s32 $0x8F2B, s0  }
0xc5: {  	[sflag:s0] =	ssyncadd.remote.s32 $0x1  }
0xc6: {  	_ =	sfence.sel $0xFFFF  }
0xc7: {  	[dreg:$0x0] =	wrdreg $0xFFFFFFFF;
	(pc) =	sbr.abs _section_cstart, $3  }
0xc8: {  	[dreg:$0x1] =	wrdreg $0xFFFFFFFF  }
0xc9: {  	_ =	task.clear_ibuf [dreg:s7], $0x2FFFF;
	_ =	strace $0x9FFFFFFF  }
0xca: {  	(tm) =	ssettm $0x7FFFFFFF  }
0xcb: {  	_ =	shalt  }
tec
execute0_lowered:
.L_overlay_start_1:
0x0: {  	(tag) =	ssettag $0x1  }
0x1: {  	s0 =	rddreg [dreg:$0x0]  }
0x2: {  	s1 =	srdreg.scid;
	s8 =	rddreg [dreg:$0x1]  }
0x3: {  	s16 =	stileid.u32;
	s2 =	rddreg [dreg:$0x2];
	s4 =	simm.s32 $0x0  }
0x4: {  	s28 =	simm.s32 $0x2600;
	s29 =	simm.s32 $0x2680;
	s30 =	simm.s32 $0x10  }
0x5: {  	s31 =	simm.s32 $0x2700;
	s1 =	sand.u32 $0x1, s1;
	s10 =	smul.u32 $0x14000, s16  }
0x6: {  	s3 =	sshll.u32 s16, $0x1;
	[smem:$0x7FF] =	sst s4;
	s15 =	smul.u32 $0x50000, s16  }
0x7: {  	s11 =	sadd.s32 $0x9CF800, s0;
	s5 =	sadd.s32 $0x1800, s0;
	s23 =	smul.u32 $0x500, s16  }
0x8: {  	s6 =	sor.u32 s1, s3;
	s3 =	rddreg [dreg:$0x3];
	s9 =	smul.u32 $0x140000, s1  }
0x9: {  	_ =	strace $0x8000004A;
	s14 =	ssub.s32 $0x2, s1;
	s7 =	smul.u32 $0x500, s6  }
0xa: {  	s17 =	sshrl.u32 s14, $0x1;
	s18 =	sshrl.u32 s15, $0x2;
	s19 =	smul.u32 $0x27100, s6  }
0xb: {  	s15 =	sshll.u32 s1, $0x7;
	s13 =	sadd.s32 s10, s9;
	s9 =	ssub.s32 s14, s17  }
0xc: {  	s14 =	smul.u32 $0x2710, s6;
	s6 =	sadd.s32 s18, s2;
	s26 =	sor.u32 s15, s23  }
0xd: {  	s17 =	smul.u32 $0x4E200, s16;
	s12 =	sadd.s32 s7, s0;
	s7 =	sshrl.u32 s13, $0x3  }
0xe: {  	s13 =	smul.u32 $0xA00, s16;
	s10 =	sadd.s32 s11, s19;
	s9 =	smax.u32 s9, $0x1  }
0xf: {  	s19 =	smul.u32 $0x4E20, s16;
	s23 =	sadd.s32 $0x3000, s6;
	[dreg:$0x6] =	wrdreg s10  }
0x10: {  	s16 =	sadd.s32 $0xA000, s6;
	s0 =	sadd.s32 s7, s0;
	[dreg:$0xc] =	wrdreg s9  }
0x11: {  	s12 =	sadd.s32 $0x9C5800, s12;
	s21 =	sshrl.u32 s14, $0x3;
	[dreg:$0x10] =	wrdreg s23  }
0x12: {  	s22 =	sadd.s32 $0x2700, s14;
	s15 =	sadd.s32 $0x2680, s14;
	[dreg:$0x18] =	wrdreg s16  }
0x13: {  	s14 =	sadd.s32 $0x8000, s6;
	s16 =	simm.s32 $0x3;
	[dreg:$0x5] =	wrdreg s12  }
0x14: {  	s20 =	sshrl.u32 s13, $0x2;
	s10 =	sadd.s32 s5, s21;
	[dreg:$0x16] =	wrdreg s14  }
0x15: {  	s24 =	sshll.u32 s22, $0x4;
	s0 =	sadd.s32 $0xB600, s0;
	[dreg:$0x7] =	wrdreg s10  }
0x16: {  	s25 =	sshrl.u32 s22, $0x3;
	s22 =	sadd.s32 $0x2000, s6;
	[dreg:$0xa] =	wrdreg s0  }
0x17: {  	s13 =	sshrl.u32 s26, $0x3;
	s26 =	sadd.s32 $0x5000, s6;
	[dreg:$0xf] =	wrdreg s22  }
0x18: {  	s18 =	sshll.u32 s15, $0x4;
	s12 =	sadd.s32 $0x6000, s6;
	[dreg:$0x12] =	wrdreg s26  }
0x19: {  	s21 =	smul.u32 $0x2710, s1;
	s10 =	sadd.s32 s11, s24;
	[dreg:$0x14] =	wrdreg s12  }
0x1a: {  	s1 =	smul.u32 $0x27100, s1;
	s0 =	sadd.s32 s8, s13;
	[dreg:$0x8] =	wrdreg s10  }
0x1b: {  	s14 =	sadd.s32 $0x13000, s6;
	s9 =	sadd.s32 s11, s18;
	[dreg:$0xb] =	wrdreg s0  }
0x1c: {  	s7 =	sadd.s32 s20, s3;
	s20 =	sadd.s32 $0x1000, s6;
	[dreg:$0xd] =	wrdreg s9  }
0x1d: {  	s8 =	sadd.s32 s17, s11;
	s24 =	sadd.s32 $0x4000, s6;
	[dreg:$0xe] =	wrdreg s20  }
0x1e: {  	s13 =	sadd.s32 $0x7000, s6;
	s17 =	sadd.s32 $0xB000, s6;
	[dreg:$0x11] =	wrdreg s24  }
0x1f: {  	s18 =	sadd.s32 $0xC000, s6;
	s22 =	sadd.s32 $0x10000, s6;
	[dreg:$0x15] =	wrdreg s13  }
0x20: {  	s26 =	sadd.s32 $0x12000, s6;
	s10 =	sadd.s32 s5, s25;
	[dreg:$0x19] =	wrdreg s17  }
0x21: {  	s9 =	sadd.s32 s21, s19;
	s0 =	sshrl.u32 s15, $0x3;
	[dreg:$0x1a] =	wrdreg s18  }
0x22: {  	s1 =	sadd.s32 s1, s8;
	s15 =	sadd.s32 $0x9000, s6;
	[dreg:$0x1e] =	wrdreg s22  }
0x23: {  	s19 =	sadd.s32 $0xD000, s6;
	s20 =	sadd.s32 $0xE000, s6;
	[smem:$0x7FD] =	sst s26  }
0x24: {  	s21 =	sadd.s32 $0xF000, s6;
	s24 =	sadd.s32 $0x11000, s6;
	[dreg:$0x9] =	wrdreg s10  }
0x25: {  	s17 =	simm.s32 $0x2800;
	s18 =	simm.s32 $0xA800;
	[dreg:$0x17] =	wrdreg s15  }
0x26: {  	s22 =	simm.s32 $0x80;
	s26 =	simm.s32 $0x2;
	[dreg:$0x1b] =	wrdreg s19  }
0x27: {  	s25 =	sadd.s32 $0x80, s9;
	s0 =	sadd.s32 s5, s0;
	[dreg:$0x1c] =	wrdreg s20  }
0x28: {  	s23 =	sadd.s32 $0x1000, s1;
	s8 =	sadd.s32 $0x100, s9;
	[dreg:$0x1d] =	wrdreg s21  }
0x29: {  	[dreg:$0x1f] =	wrdreg s24;
	s15 =	simm.s32 $0xA900;
	s19 =	simm.s32 $0x6800  }
0x2a: {  	s20 =	simm.s32 $0xA880;
	s21 =	simm.s32 $0x1;
	s11 =	sshrl.u32 s25, $0x3  }
0x2b: {  	v0 =	vimm.f32 $0.0e+00;
	s1 =	simm.s32 $0x0;
	[dreg:$0x13] =	wrdreg s0;
	s25 =	sadd.s32 s11, s5  }
.LBB2_1:
0x2c: {  	s0 =	simm.s32 $0x0;
	s9 =	simm.s32 $0x200  }
.LBB2_2:
0x2d: {  	p0 =	sne.s32 s9, $0x3E00;
	[tilespmem:s0+$0xA970] =	vst v0  }
0x2e: {  	[tilespmem:s0+$0xA900] =	vst v0  }
0x2f: {  	[tilespmem:s0+$0xA910] =	vst v0  }
.Ltmp0:
0x30: {  	[tilespmem:s0+$0xA920] =	vst v0;
	(pc) =	sbr.rel @p0 .LBB2_2-.Ltmp0, $4  }
0x31: {  	[tilespmem:s0+$0xA930] =	vst v0  }
0x32: {  	[tilespmem:s0+$0xA940] =	vst v0  }
0x33: {  	[tilespmem:s0+$0xA950] =	vst v0  }
0x34: {  	[tilespmem:s0+$0xA960] =	vst v0;
	s0 =	sshra.s32 s9, $0x2;
	s9 =	sadd.s32 $0x200, s9  }
0x35: {  	[tilespmem:s0+$0xA970] =	vst v0  }
0x36: {  	[tilespmem:s0+$0xA900] =	vst v0  }
0x37: {  	[tilespmem:s0+$0xA910] =	vst v0  }
0x38: {  	[tilespmem:s0+$0xA920] =	vst v0  }
0x39: {  	[tilespmem:s0+$0xA930] =	vst v0  }
0x3a: {  	[tilespmem:s0+$0xA940] =	vst v0  }
0x3b: {  	[tilespmem:s0+$0xA950] =	vst v0  }
0x3c: {  	[tilespmem:s0+$0xA960] =	vst v0  }
0x3d: {  	[tilespmem:$0xB900] =	vst v0  }
0x3e: {  	[tilespmem:$0xB910] =	vst v0  }
0x3f: {  	[tilespmem:$0xB920] =	vst v0  }
0x40: {  	[tilespmem:$0xB930] =	vst v0  }
0x41: {  	[tilespmem:$0xB940] =	vst v0  }
0x42: {  	[tilespmem:$0xB950] =	vst v0  }
0x43: {  	[tilespmem:$0xB960] =	vst v0  }
0x44: {  	[tilespmem:$0xB970] =	vst v0  }
0x45: {  	[tilespmem:$0xB980] =	vst v0  }
0x46: {  	[tilespmem:$0xB990] =	vst v0  }
0x47: {  	[tilespmem:$0xB9A0] =	vst v0  }
0x48: {  	[tilespmem:$0xB9B0] =	vst v0  }
0x49: {  	[tilespmem:$0xB9C0] =	vst v0  }
0x4a: {  	[tilespmem:$0xB9D0] =	vst v0  }
0x4b: {  	[tilespmem:$0xB9E0] =	vst v0  }
0x4c: {  	[tilespmem:$0xB9F0] =	vst v0  }
0x4d: {  	[tilespmem:$0xBA00] =	vst v0  }
0x4e: {  	[tilespmem:$0xBA10] =	vst v0  }
0x4f: {  	[tilespmem:$0xBA20] =	vst v0  }
0x50: {  	[tilespmem:$0xBA30] =	vst v0  }
0x51: {  	[tilespmem:$0xBA40] =	vst v0  }
0x52: {  	[tilespmem:$0xBA50] =	vst v0  }
0x53: {  	[tilespmem:$0xBA60] =	vst v0  }
0x54: {  	[tilespmem:$0xBA70] =	vst v0  }
0x55: {  	[tilespmem:$0xBA80] =	vst v0  }
0x56: {  	[tilespmem:$0xBA90] =	vst v0  }
0x57: {  	[tilespmem:$0xBAA0] =	vst v0  }
0x58: {  	[tilespmem:$0xBAB0] =	vst v0  }
0x59: {  	[tilespmem:$0xBAC0] =	vst v0  }
0x5a: {  	[tilespmem:$0xBAD0] =	vst v0  }
0x5b: {  	[tilespmem:$0xBAE0] =	vst v0  }
0x5c: {  	[tilespmem:$0xBAF0] =	vst v0  }
0x5d: {  	[tilespmem:$0xBB00] =	vst v0  }
0x5e: {  	[tilespmem:$0xBB10] =	vst v0  }
0x5f: {  	[tilespmem:$0xBB20] =	vst v0  }
0x60: {  	[tilespmem:$0xBB30] =	vst v0  }
0x61: {  	[tilespmem:$0xBB40] =	vst v0  }
0x62: {  	[tilespmem:$0xBB50] =	vst v0  }
0x63: {  	[tilespmem:$0xBB60] =	vst v0  }
0x64: {  	[tilespmem:$0xBB70] =	vst v0  }
0x65: {  	[spmem:s6] =	stream.linear.scatter [tilespmem:s15], [sflag:$0x3], $0x1000, $0x38;
	[tilespmem:$0x1FE00] =	vst v63  }
0x66: {  	_ =	swait.ge [sflag:s16], $0x1000  }
0x67: {  	[sflag:s16] =	ssyncset.done $0x0  }
0x68: {  	s12 =	rddreg [dreg:$0xe];
	[sflag:s16] =	ssyncadd.s32 $0xFFFFF000  }
0x69: {  	[spmem:s12] =	stream.linear.scatter [tilespmem:s15], [sflag:$0x3], $0x1000, $0x38;
	[tilespmem:$0x1FE00] =	vst v63  }
0x6a: {  	_ =	swait.ge [sflag:s16], $0x1000  }
0x6b: {  	[sflag:s16] =	ssyncset.done $0x0  }
0x6c: {  	s13 =	rddreg [dreg:$0xf];
	[sflag:s16] =	ssyncadd.s32 $0xFFFFF000  }
0x6d: {  	[spmem:s13] =	stream.linear.scatter [tilespmem:s15], [sflag:$0x3], $0x1000, $0x38;
	[tilespmem:$0x1FE00] =	vst v63  }
0x6e: {  	_ =	swait.ge [sflag:s16], $0x1000  }
0x6f: {  	[sflag:s16] =	ssyncset.done $0x0  }
0x70: {  	s24 =	rddreg [dreg:$0x10];
	[sflag:s16] =	ssyncadd.s32 $0xFFFFF000  }
0x71: {  	[spmem:s24] =	stream.linear.scatter [tilespmem:s15], [sflag:$0x3], $0x1000, $0x38;
	[tilespmem:$0x1FE00] =	vst v63  }
0x72: {  	_ =	swait.ge [sflag:s16], $0x1000  }
0x73: {  	[sflag:s16] =	ssyncset.done $0x0  }
0x74: {  	s9 =	rddreg [dreg:$0x11];
	[sflag:s16] =	ssyncadd.s32 $0xFFFFF000  }
0x75: {  	[spmem:s9] =	stream.linear.scatter [tilespmem:s15], [sflag:$0x3], $0x1000, $0x38;
	[tilespmem:$0x1FE00] =	vst v63  }
0x76: {  	_ =	swait.ge [sflag:s16], $0x1000  }
0x77: {  	[sflag:s16] =	ssyncset.done $0x0  }
0x78: {  	s10 =	rddreg [dreg:$0x12];
	[sflag:s16] =	ssyncadd.s32 $0xFFFFF000  }
0x79: {  	[spmem:s10] =	stream.linear.scatter [tilespmem:s15], [sflag:$0x3], $0x1000, $0x38;
	[tilespmem:$0x1FE00] =	vst v63  }
0x7a: {  	_ =	swait.ge [sflag:s16], $0x1000  }
0x7b: {  	[sflag:s16] =	ssyncset.done $0x0  }
0x7c: {  	s11 =	rddreg [dreg:$0x14];
	[sflag:s16] =	ssyncadd.s32 $0xFFFFF000  }
0x7d: {  	[spmem:s11] =	stream.linear.scatter [tilespmem:s15], [sflag:$0x3], $0x1000, $0x38;
	[tilespmem:$0x1FE00] =	vst v63  }
0x7e: {  	_ =	swait.ge [sflag:s16], $0x1000  }
0x7f: {  	[sflag:s16] =	ssyncset.done $0x0  }
0x80: {  	s12 =	rddreg [dreg:$0x15];
	[sflag:s16] =	ssyncadd.s32 $0xFFFFF000  }
0x81: {  	[spmem:s12] =	stream.linear.scatter [tilespmem:s15], [sflag:$0x3], $0x1000, $0x38;
	[tilespmem:$0x1FE00] =	vst v63  }
0x82: {  	_ =	swait.ge [sflag:s16], $0x1000  }
0x83: {  	[sflag:s16] =	ssyncset.done $0x0  }
0x84: {  	s13 =	rddreg [dreg:$0x16];
	[sflag:s16] =	ssyncadd.s32 $0xFFFFF000  }
0x85: {  	[spmem:s13] =	stream.linear.scatter [tilespmem:s15], [sflag:$0x3], $0x1000, $0x38;
	[tilespmem:$0x1FE00] =	vst v63  }
0x86: {  	_ =	swait.ge [sflag:s16], $0x1000  }
0x87: {  	[sflag:s16] =	ssyncset.done $0x0  }
0x88: {  	s24 =	rddreg [dreg:$0x17];
	[sflag:s16] =	ssyncadd.s32 $0xFFFFF000  }
0x89: {  	[spmem:s24] =	stream.linear.scatter [tilespmem:s15], [sflag:$0x3], $0x1000, $0x38;
	[tilespmem:$0x1FE00] =	vst v63  }
0x8a: {  	_ =	swait.ge [sflag:s16], $0x1000  }
0x8b: {  	[sflag:s16] =	ssyncset.done $0x0  }
0x8c: {  	s9 =	rddreg [dreg:$0x18];
	[sflag:s16] =	ssyncadd.s32 $0xFFFFF000  }
0x8d: {  	[spmem:s9] =	stream.linear.scatter [tilespmem:s15], [sflag:$0x3], $0x1000, $0x38;
	[tilespmem:$0x1FE00] =	vst v63  }
0x8e: {  	_ =	swait.ge [sflag:s16], $0x1000  }
0x8f: {  	[sflag:s16] =	ssyncset.done $0x0  }
0x90: {  	s10 =	rddreg [dreg:$0x19];
	[sflag:s16] =	ssyncadd.s32 $0xFFFFF000  }
0x91: {  	[spmem:s10] =	stream.linear.scatter [tilespmem:s15], [sflag:$0x3], $0x1000, $0x38;
	[tilespmem:$0x1FE00] =	vst v63  }
0x92: {  	_ =	swait.ge [sflag:s16], $0x1000  }
0x93: {  	[sflag:s16] =	ssyncset.done $0x0  }
0x94: {  	s11 =	rddreg [dreg:$0x1a];
	[sflag:s16] =	ssyncadd.s32 $0xFFFFF000  }
0x95: {  	[spmem:s11] =	stream.linear.scatter [tilespmem:s15], [sflag:$0x3], $0x1000, $0x38;
	[tilespmem:$0x1FE00] =	vst v63  }
0x96: {  	_ =	swait.ge [sflag:s16], $0x1000  }
0x97: {  	[sflag:s16] =	ssyncset.done $0x0  }
0x98: {  	s12 =	rddreg [dreg:$0x1b];
	[sflag:s16] =	ssyncadd.s32 $0xFFFFF000  }
0x99: {  	[spmem:s12] =	stream.linear.scatter [tilespmem:s15], [sflag:$0x3], $0x1000, $0x38;
	[tilespmem:$0x1FE00] =	vst v63  }
0x9a: {  	_ =	swait.ge [sflag:s16], $0x1000  }
0x9b: {  	[sflag:s16] =	ssyncset.done $0x0  }
0x9c: {  	s13 =	rddreg [dreg:$0x1c];
	[sflag:s16] =	ssyncadd.s32 $0xFFFFF000  }
0x9d: {  	[spmem:s13] =	stream.linear.scatter [tilespmem:s15], [sflag:$0x3], $0x1000, $0x38;
	[tilespmem:$0x1FE00] =	vst v63  }
0x9e: {  	_ =	swait.ge [sflag:s16], $0x1000  }
0x9f: {  	[sflag:s16] =	ssyncset.done $0x0  }
0xa0: {  	s24 =	rddreg [dreg:$0x1d];
	[sflag:s16] =	ssyncadd.s32 $0xFFFFF000  }
0xa1: {  	[spmem:s24] =	stream.linear.scatter [tilespmem:s15], [sflag:$0x3], $0x1000, $0x38;
	[tilespmem:$0x1FE00] =	vst v63  }
0xa2: {  	_ =	swait.ge [sflag:s16], $0x1000  }
0xa3: {  	[sflag:s16] =	ssyncset.done $0x0  }
0xa4: {  	s9 =	rddreg [dreg:$0x1e];
	[sflag:s16] =	ssyncadd.s32 $0xFFFFF000  }
0xa5: {  	[spmem:s9] =	stream.linear.scatter [tilespmem:s15], [sflag:$0x3], $0x1000, $0x38;
	[tilespmem:$0x1FE00] =	vst v63  }
0xa6: {  	_ =	swait.ge [sflag:s16], $0x1000  }
0xa7: {  	[sflag:s16] =	ssyncset.done $0x0  }
0xa8: {  	s10 =	rddreg [dreg:$0x1f];
	[sflag:s16] =	ssyncadd.s32 $0xFFFFF000  }
0xa9: {  	[spmem:s10] =	stream.linear.scatter [tilespmem:s15], [sflag:$0x3], $0x1000, $0x38;
	[tilespmem:$0x1FE00] =	vst v63  }
0xaa: {  	_ =	swait.ge [sflag:s16], $0x1000  }
0xab: {  	s11 =	sld [smem:$0x7FD]  }
0xac: {  	[sflag:s16] =	ssyncset.done $0x0  }
0xad: {  	[sflag:s16] =	ssyncadd.s32 $0xFFFFF000  }
0xae: {  	[spmem:s11] =	stream.linear.scatter [tilespmem:s15], [sflag:$0x3], $0x1000, $0x38;
	[tilespmem:$0x1FE00] =	vst v63  }
0xaf: {  	_ =	swait.ge [sflag:s16], $0x1000  }
0xb0: {  	[sflag:s16] =	ssyncset.done $0x0  }
0xb1: {  	[sflag:s16] =	ssyncadd.s32 $0xFFFFF000  }
0xb2: {  	[spmem:s14] =	stream.linear.scatter [tilespmem:s15], [sflag:$0x3], $0x1000, $0x38;
	[tilespmem:$0x1FE00] =	vst v63  }
0xb3: {  	_ =	swait.ge [sflag:s16], $0x1000  }
0xb4: {  	[sflag:s16] =	ssyncset.done $0x0  }
0xb5: {  	s12 =	simm.s32 $0xB900;
	[sflag:s16] =	ssyncadd.s32 $0xFFFFF000  }
0xb6: {  	[spmem:s7] =	stream.linear.scatter [tilespmem:s12], [sflag:$0x3], $0x280, $0x38;
	[tilespmem:$0x1FE00] =	vst v63  }
0xb7: {  	_ =	swait.ge [sflag:s16], $0x280  }
0xb8: {  	[sflag:s16] =	ssyncset.done $0x0  }
0xb9: {  	s13 =	simm.s32 $0x0;
	s9 =	rddreg [dreg:$0x5];
	[sflag:s16] =	ssyncadd.s32 $0xFFFFFD80  }
0xba: {  	[tilespmem:s13], [sflag:$0x3] =	stream.linear.gather [hbm4b:s9+s13], $0x2800, $0x38;
	[tilespmem:$0x1FE00] =	vst v63  }
0xbb: {  	_ =	swait.ge [sflag:s16], $0x2800  }
0xbc: {  	[sflag:s16] =	ssyncset.done $0x0  }
0xbd: {  	[sflag:s16] =	ssyncadd.s32 $0xFFFFD800  }
0xbe: {  	[bflag:$0x0] =	sbarrier.arrive $0xFFFF  }
0xbf: {  	s24 =	rddreg [dreg:$0x6]  }
0xc0: {  	[tilespmem:s17], [sflag:$0x1] =	stream.linear.gather [hbm4b:s24+s13], $0x4000, $0x38;
	[tilespmem:$0x1FE00] =	vst v63  }
0xc1: {  	s10 =	rddreg [dreg:$0x7]  }
0xc2: {  	[tilespmem:s18], [sflag:$0x1] =	stream.linear.gather [hbm4b:s10+s13], $0x80, $0x38;
	[tilespmem:$0x1FE00] =	vst v63  }
0xc3: {  	s11 =	sadd.s32 $0xFFFFF800, s23  }
0xc4: {  	[tilespmem:s19], [sflag:$0x2] =	stream.linear.gather [hbm4b:s11+s4], $0x4000, $0x38;
	[tilespmem:$0x1FE00] =	vst v63  }
0xc5: {  	_ = 	snop  }
0xc6: {  	[tilespmem:s20], [sflag:$0x2] =	stream.linear.gather [hbm4b:s25+s4], $0x80, $0x38;
	[tilespmem:$0x1FE00] =	vst v63  }
0xc7: {  	_ =	swait.ge [sflag:s21], $0x4000  }
0xc8: {  	[sflag:s21] =	ssyncset.done $0x0  }
0xc9: {  	[sflag:s21] =	ssyncadd.s32 $0xFFFFC000  }
0xca: {  	_ =	swait.ge [sflag:s21], $0x80  }
0xcb: {  	[sflag:s21] =	ssyncset.done $0x0  }
0xcc: {  	s12 =	simm.s32 $0x0;
	[sflag:s21] =	ssyncadd.s32 $0xFFFFFF80  }
0xcd: {  	[spmem:s2] =	stream.indirect.scatter.add.f32 [tilespmem:s17], [sflag:$0x3], $0x80, s12, s22, $0xb8;
	[tilespmem:$0x1FE00] =	vst v63  }
0xce: {  	_ =	swait.ge [sflag:s16], $0x4000  }
0xcf: {  	[sflag:s16] =	ssyncset.done $0x0  }
0xd0: {  	[sflag:s16] =	ssyncadd.s32 $0xFFFFC000  }
0xd1: {  	[spmem:s3] =	stream.indirect.scatter.add.f32 [tilespmem:s18], [sflag:$0x3], $0x1, s12, s22, $0xb8;
	[tilespmem:$0x1FE00] =	vst v63  }
0xd2: {  	_ =	swait.ge [sflag:s16], $0x80  }
0xd3: {  	[sflag:s16] =	ssyncset.done $0x0  }
0xd4: {  	s13 =	sshrl.u32 s8, $0x3;
	[sflag:s16] =	ssyncadd.s32 $0xFFFFFF80  }
0xd5: {  	[tilespmem:s17], [sflag:$0x1] =	stream.linear.gather [hbm4b:s23+s4], $0x4000, $0x38;
	[tilespmem:$0x1FE00] =	vst v63  }
0xd6: {  	s0 =	sadd.s32 s5, s13  }
0xd7: {  	[tilespmem:s18], [sflag:$0x1] =	stream.linear.gather [hbm4b:s0+s4], $0x80, $0x38;
	[tilespmem:$0x1FE00] =	vst v63  }
0xd8: {  	_ =	swait.ge [sflag:s26], $0x4000  }
0xd9: {  	[sflag:s26] =	ssyncset.done $0x0  }
0xda: {  	[sflag:s26] =	ssyncadd.s32 $0xFFFFC000  }
0xdb: {  	_ =	swait.ge [sflag:s26], $0x80  }
0xdc: {  	[sflag:s26] =	ssyncset.done $0x0  }
0xdd: {  	s24 =	simm.s32 $0x80;
	[sflag:s26] =	ssyncadd.s32 $0xFFFFFF80  }
0xde: {  	[spmem:s2] =	stream.indirect.scatter.add.f32 [tilespmem:s19], [sflag:$0x3], $0x80, s24, s22, $0xb8;
	[tilespmem:$0x1FE00] =	vst v63  }
0xdf: {  	_ =	swait.ge [sflag:s16], $0x4000  }
0xe0: {  	[sflag:s16] =	ssyncset.done $0x0  }
0xe1: {  	s9 =	simm.s32 $0x400;
	[sflag:s16] =	ssyncadd.s32 $0xFFFFC000  }
0xe2: {  	[spmem:s3] =	stream.indirect.scatter.add.f32 [tilespmem:s20], [sflag:$0x3], $0x1, s24, s22, $0xb8;
	[tilespmem:$0x1FE00] =	vst v63  }
0xe3: {  	s10 =	sadd.s32 $0x20, s25;
	s11 =	simm.s32 $0x800;
	_ =	swait.ge [sflag:s16], $0x80  }
0xe4: {  	s0 =	sadd.s32 $0x1000, s23;
	s24 =	smov.u32 s8;
	[sflag:s16] =	ssyncset.done $0x0  }
.LBB2_4:
0xe5: {  	s12 =	sadd.s32 $0xFFFFF800, s0;
	[sflag:s16] =	ssyncadd.s32 $0xFFFFFF80;
	s24 =	sadd.s32 $0x100, s24  }
0xe6: {  	[tilespmem:s19], [sflag:$0x2] =	stream.linear.gather [hbm4b:s12+s4], $0x4000, $0x38;
	[tilespmem:$0x1FE00] =	vst v63  }
0xe7: {  	p0 =	sne.s32 s11, $0x9400;
	s12 =	smov.u32 s11;
	s11 =	sadd.s32 $0x400, s11  }
0xe8: {  	[tilespmem:s20], [sflag:$0x2] =	stream.linear.gather [hbm4b:s10+s4], $0x80, $0x38;
	[tilespmem:$0x1FE00] =	vst v63  }
0xe9: {  	_ =	swait.ge [sflag:s21], $0x4000  }
0xea: {  	[sflag:s21] =	ssyncset.done $0x0  }
0xeb: {  	[sflag:s21] =	ssyncadd.s32 $0xFFFFC000  }
0xec: {  	_ =	swait.ge [sflag:s21], $0x80  }
0xed: {  	[sflag:s21] =	ssyncset.done $0x0  }
0xee: {  	s13 =	sshra.s32 s9, $0x2;
	s9 =	smov.u32 s12;
	[sflag:s21] =	ssyncadd.s32 $0xFFFFFF80  }
0xef: {  	[spmem:s2] =	stream.indirect.scatter.add.f32 [tilespmem:s17], [sflag:$0x3], $0x80, s13, s22, $0xb8;
	[tilespmem:$0x1FE00] =	vst v63  }
0xf0: {  	_ =	swait.ge [sflag:s16], $0x4000  }
0xf1: {  	[sflag:s16] =	ssyncset.done $0x0  }
0xf2: {  	[sflag:s16] =	ssyncadd.s32 $0xFFFFC000  }
0xf3: {  	[spmem:s3] =	stream.indirect.scatter.add.f32 [tilespmem:s18], [sflag:$0x3], $0x1, s13, s22, $0xb8;
	[tilespmem:$0x1FE00] =	vst v63  }
0xf4: {  	_ =	swait.ge [sflag:s16], $0x80  }
0xf5: {  	[sflag:s16] =	ssyncset.done $0x0  }
0xf6: {  	s12 =	sshrl.u32 s24, $0x3;
	[sflag:s16] =	ssyncadd.s32 $0xFFFFFF80  }
0xf7: {  	[tilespmem:s17], [sflag:$0x1] =	stream.linear.gather [hbm4b:s0+s4], $0x4000, $0x38;
	[tilespmem:$0x1FE00] =	vst v63  }
0xf8: {  	s12 =	sadd.s32 s5, s12  }
0xf9: {  	[tilespmem:s18], [sflag:$0x1] =	stream.linear.gather [hbm4b:s12+s4], $0x80, $0x38;
	[tilespmem:$0x1FE00] =	vst v63  }
0xfa: {  	_ =	swait.ge [sflag:s26], $0x4000  }
0xfb: {  	[sflag:s26] =	ssyncset.done $0x0  }
0xfc: {  	[sflag:s26] =	ssyncadd.s32 $0xFFFFC000  }
0xfd: {  	_ =	swait.ge [sflag:s26], $0x80  }
0xfe: {  	[sflag:s26] =	ssyncset.done $0x0  }
0xff: {  	s12 =	sadd.s32 $0x80, s13;
	[sflag:s26] =	ssyncadd.s32 $0xFFFFFF80  }
0x100: {  	[spmem:s2] =	stream.indirect.scatter.add.f32 [tilespmem:s19], [sflag:$0x3], $0x80, s12, s22, $0xb8;
	[tilespmem:$0x1FE00] =	vst v63  }
0x101: {  	_ =	swait.ge [sflag:s16], $0x4000  }
.Ltmp1:
0x102: {  	[sflag:s16] =	ssyncset.done $0x0;
	(pc) =	sbr.rel @p0 .LBB2_4-.Ltmp1, $4  }
0x103: {  	[sflag:s16] =	ssyncadd.s32 $0xFFFFC000  }
0x104: {  	[spmem:s3] =	stream.indirect.scatter.add.f32 [tilespmem:s20], [sflag:$0x3], $0x1, s12, s22, $0xb8;
	[tilespmem:$0x1FE00] =	vst v63  }
0x105: {  	_ =	swait.ge [sflag:s16], $0x80  }
0x106: {  	s10 =	sadd.s32 $0x20, s10;
	s0 =	sadd.s32 $0x1000, s0;
	[sflag:s16] =	ssyncset.done $0x0  }
0x107: {  	s11 =	sadd.s32 $0xFFFFF800, s0;
	[sflag:s16] =	ssyncadd.s32 $0xFFFFFF80  }
0x108: {  	[tilespmem:s19], [sflag:$0x2] =	stream.linear.gather [hbm4b:s11+s4], $0x4000, $0x38;
	[tilespmem:$0x1FE00] =	vst v63  }
0x109: {  	_ = 	snop  }
0x10a: {  	[tilespmem:s20], [sflag:$0x2] =	stream.linear.gather [hbm4b:s10+s4], $0x80, $0x38;
	[tilespmem:$0x1FE00] =	vst v63  }
0x10b: {  	_ =	swait.ge [sflag:s21], $0x4000  }
0x10c: {  	[sflag:s21] =	ssyncset.done $0x0  }
0x10d: {  	[sflag:s21] =	ssyncadd.s32 $0xFFFFC000  }
0x10e: {  	_ =	swait.ge [sflag:s21], $0x80  }
0x10f: {  	[sflag:s21] =	ssyncset.done $0x0  }
0x110: {  	s9 =	sshra.s32 s9, $0x2;
	[sflag:s21] =	ssyncadd.s32 $0xFFFFFF80  }
0x111: {  	[spmem:s2] =	stream.indirect.scatter.add.f32 [tilespmem:s17], [sflag:$0x3], $0x80, s9, s22, $0xb8;
	[tilespmem:$0x1FE00] =	vst v63  }
0x112: {  	_ =	swait.ge [sflag:s16], $0x4000  }
0x113: {  	[sflag:s16] =	ssyncset.done $0x0  }
0x114: {  	[sflag:s16] =	ssyncadd.s32 $0xFFFFC000  }
0x115: {  	[spmem:s3] =	stream.indirect.scatter.add.f32 [tilespmem:s18], [sflag:$0x3], $0x1, s9, s22, $0xb8;
	[tilespmem:$0x1FE00] =	vst v63  }
0x116: {  	_ =	swait.ge [sflag:s16], $0x80  }
0x117: {  	[sflag:s16] =	ssyncset.done $0x0  }
0x118: {  	s12 =	sadd.s32 $0x100, s24;
	[sflag:s16] =	ssyncadd.s32 $0xFFFFFF80  }
0x119: {  	[tilespmem:s17], [sflag:$0x1] =	stream.linear.gather [hbm4b:s0+s4], $0x4000, $0x38;
	[tilespmem:$0x1FE00] =	vst v63  }
0x11a: {  	s0 =	sshrl.u32 s12, $0x3  }
0x11b: {  	s0 =	sadd.s32 s5, s0  }
0x11c: {  	[tilespmem:s18], [sflag:$0x1] =	stream.linear.gather [hbm4b:s0+s4], $0x80, $0x38;
	[tilespmem:$0x1FE00] =	vst v63  }
0x11d: {  	_ =	swait.ge [sflag:s26], $0x4000  }
0x11e: {  	[sflag:s26] =	ssyncset.done $0x0  }
0x11f: {  	[sflag:s26] =	ssyncadd.s32 $0xFFFFC000  }
0x120: {  	_ =	swait.ge [sflag:s26], $0x80  }
0x121: {  	[sflag:s26] =	ssyncset.done $0x0  }
0x122: {  	s13 =	sadd.s32 $0x80, s9;
	[sflag:s26] =	ssyncadd.s32 $0xFFFFFF80  }
0x123: {  	[spmem:s2] =	stream.indirect.scatter.add.f32 [tilespmem:s19], [sflag:$0x3], $0x80, s13, s22, $0xb8;
	[tilespmem:$0x1FE00] =	vst v63  }
0x124: {  	_ =	swait.ge [sflag:s16], $0x4000  }
0x125: {  	[sflag:s16] =	ssyncset.done $0x0  }
0x126: {  	[sflag:s16] =	ssyncadd.s32 $0xFFFFC000  }
0x127: {  	[spmem:s3] =	stream.indirect.scatter.add.f32 [tilespmem:s20], [sflag:$0x3], $0x1, s13, s22, $0xb8;
	[tilespmem:$0x1FE00] =	vst v63  }
0x128: {  	_ =	swait.ge [sflag:s16], $0x80  }
0x129: {  	[sflag:s16] =	ssyncset.done $0x0  }
0x12a: {  	s24 =	rddreg [dreg:$0xd];
	[sflag:s16] =	ssyncadd.s32 $0xFFFFFF80  }
0x12b: {  	[tilespmem:s19], [sflag:$0x2] =	stream.linear.gather [hbm4b:s24+s4], $0x4000, $0x38;
	[tilespmem:$0x1FE00] =	vst v63  }
0x12c: {  	s9 =	rddreg [dreg:$0x13]  }
0x12d: {  	[tilespmem:s20], [sflag:$0x2] =	stream.linear.gather [hbm4b:s9+s4], $0x80, $0x38;
	[tilespmem:$0x1FE00] =	vst v63  }
0x12e: {  	_ =	swait.ge [sflag:s21], $0x4000  }
0x12f: {  	[sflag:s21] =	ssyncset.done $0x0  }
0x130: {  	[sflag:s21] =	ssyncadd.s32 $0xFFFFC000  }
0x131: {  	_ =	swait.ge [sflag:s21], $0x80  }
0x132: {  	[sflag:s21] =	ssyncset.done $0x0  }
0x133: {  	[sflag:s21] =	ssyncadd.s32 $0xFFFFFF80  }
0x134: {  	[spmem:s2] =	stream.indirect.scatter.add.f32 [tilespmem:s17], [sflag:$0x3], $0x80, s28, s22, $0xb8;
	[tilespmem:$0x1FE00] =	vst v63  }
0x135: {  	_ =	swait.ge [sflag:s16], $0x4000  }
0x136: {  	[sflag:s16] =	ssyncset.done $0x0  }
0x137: {  	[sflag:s16] =	ssyncadd.s32 $0xFFFFC000  }
0x138: {  	[spmem:s3] =	stream.indirect.scatter.add.f32 [tilespmem:s18], [sflag:$0x3], $0x1, s28, s22, $0xb8;
	[tilespmem:$0x1FE00] =	vst v63  }
0x139: {  	_ =	swait.ge [sflag:s16], $0x80  }
0x13a: {  	[sflag:s16] =	ssyncset.done $0x0  }
0x13b: {  	[sflag:s16] =	ssyncadd.s32 $0xFFFFFF80  }
0x13c: {  	_ =	swait.ge [sflag:s26], $0x4000  }
0x13d: {  	[sflag:s26] =	ssyncset.done $0x0  }
0x13e: {  	[sflag:s26] =	ssyncadd.s32 $0xFFFFC000  }
0x13f: {  	_ =	swait.ge [sflag:s26], $0x80  }
0x140: {  	[sflag:s26] =	ssyncset.done $0x0  }
0x141: {  	[sflag:s26] =	ssyncadd.s32 $0xFFFFFF80  }
0x142: {  	[spmem:s2] =	stream.indirect.scatter.add.f32 [tilespmem:s19], [sflag:$0x3], $0x80, s29, s22, $0xb8;
	[tilespmem:$0x1FE00] =	vst v63  }
0x143: {  	_ =	swait.ge [sflag:s16], $0x4000  }
0x144: {  	[sflag:s16] =	ssyncset.done $0x0  }
0x145: {  	[sflag:s16] =	ssyncadd.s32 $0xFFFFC000  }
0x146: {  	[spmem:s3] =	stream.indirect.scatter.add.f32 [tilespmem:s20], [sflag:$0x3], $0x1, s29, s22, $0xb8;
	[tilespmem:$0x1FE00] =	vst v63  }
0x147: {  	_ =	swait.ge [sflag:s16], $0x80  }
0x148: {  	[sflag:s16] =	ssyncset.done $0x0  }
0x149: {  	s10 =	rddreg [dreg:$0x8];
	[sflag:s16] =	ssyncadd.s32 $0xFFFFFF80  }
0x14a: {  	[tilespmem:s17], [sflag:$0x3] =	stream.linear.gather [hbm4b:s10+s4], $0x800, $0x38;
	[tilespmem:$0x1FE00] =	vst v63  }
0x14b: {  	_ =	swait.ge [sflag:s16], $0x800  }
0x14c: {  	[sflag:s16] =	ssyncset.done $0x0  }
0x14d: {  	s11 =	rddreg [dreg:$0x9];
	[sflag:s16] =	ssyncadd.s32 $0xFFFFF800  }
0x14e: {  	[tilespmem:s18], [sflag:$0x3] =	stream.linear.gather [hbm4b:s11+s4], $0x10, $0x38;
	[tilespmem:$0x1FE00] =	vst v63  }
0x14f: {  	_ =	swait.ge [sflag:s16], $0x10  }
0x150: {  	[sflag:s16] =	ssyncset.done $0x0  }
0x151: {  	[sflag:s16] =	ssyncadd.s32 $0xFFFFFFF0  }
0x152: {  	[spmem:s2] =	stream.indirect.scatter.add.f32 [tilespmem:s17], [sflag:$0x3], $0x80, s31, s30, $0xb8;
	[tilespmem:$0x1FE00] =	vst v63  }
0x153: {  	_ =	swait.ge [sflag:s16], $0x800  }
0x154: {  	[sflag:s16] =	ssyncset.done $0x0  }
0x155: {  	[sflag:s16] =	ssyncadd.s32 $0xFFFFF800  }
0x156: {  	[spmem:s3] =	stream.indirect.scatter.add.f32 [tilespmem:s18], [sflag:$0x3], $0x1, s31, s30, $0xb8;
	[tilespmem:$0x1FE00] =	vst v63  }
0x157: {  	_ =	swait.ge [sflag:s16], $0x10  }
0x158: {  	[sflag:s16] =	ssyncset.done $0x0  }
0x159: {  	s12 =	stileid.u32;
	[sflag:s16] =	ssyncadd.s32 $0xFFFFFFF0  }
0x15a: {  	s0 =	sshll.u32 s12, $0x6;
	[bflag:$0x0] =	sbarrier.arrive $0xFFFF  }
0x15b: {  	s0 =	sor.u32 $0x1C03, s0;
	s13 =	sshrl.u32 s6, $0x3;
	s24 =	rddreg [dreg:$0xa]  }
0x15c: {  	[hbm:s24], [sflag:s0] =	dma.local [spmem:s13], $0x2800  }
0x15d: {  	_ =	swait.ge [sflag:s16], $0x2800  }
0x15e: {  	s11 =	sshrl.u32 s7, $0x3;
	[sflag:s16] =	ssyncset.done $0x0  }
0x15f: {  	s13 =	simm.s32 $0x20;
	s12 =	rddreg [dreg:$0xb];
	[sflag:s16] =	ssyncadd.s32 $0xFFFFD800  }
0x160: {  	[hbm:s12@s13], [sflag:s0] =	dma.strided [spmem:s11@s30], $0x50, s21, $0x10   }
0x161: {  	_ =	swait.ge [sflag:s16], $0x50  }
0x162: {  	s1 =	sadd.s32 $0x1, s1;
	s24 =	rddreg [dreg:$0xc]  }
0x163: {  	p0 =	sne.s32 s1, s24  }
.Ltmp2:
0x164: {  	_ = 	snop;
	(pc) =	sbr.rel @p0 .LBB2_1-.Ltmp2, $3  }
0x165: {  	_ =	sdelay $0x1  }
0x166: {  	[sflag:s16] =	ssyncset.done $0x0  }
0x167: {  	[sflag:s16] =	ssyncadd.s32 $0xFFFFFFB0  }
0x168: {  	_ =	sfence.sel $0x180000  }
0x169: {  	[bflag:$0x0] =	sbarrier.arrive $0xFFFF  }
0x16a: {  	_ =	strace $0x9000004A  }
0x16b: {  	s0 =	stileid.u32;
	[bflag:$0x2] =	sbarrier.arrive $0xFFFF  }
0x16c: {  	p0 =	sne.s32 s0, $0x0;
	s0 =	rddreg [dreg:$0x4]  }
0x16d: {  	s0 =	sadd.s32 @!p0 $0x100000, s0  }
0x16e: {  	[sflag:s0] =	ssyncadd.tile.s32 @!p0 $0x1;
	_ =	shalt  }
.Lfunc_end2:
_tile_overlayer_lowered:
.L_overlay_start_2:
0x16f: {  	(tag) =	ssettag $0x2  }
0x170: {  	s0 =	rddreg [dreg:$0x0];
	s2 =	stileid.u32  }
0x171: {  	s1 =	rddreg [dreg:$0x1];
	p0 =	sne.s32 s2, $0x0  }
0x172: {  	s3 =	rddreg [dreg:$0x2];
	[bflag:$0x3] =	sbarrier.arrive $0xFFFF;
	s2 =	simm.s32 @!p0 $0x1C03  }
0x173: {  	[timem:s3], [sflag:s2] =	dma.local @!p0 [hbm:s0], s1  }
0x174: {  	s0 =	simm.s32 @!p0 $0x3  }
0x175: {  	_ =	swait.ge @!p0 [sflag:s0], s1  }
0x176: {  	s1 =	ssub.s32 @!p0 $0x0, s1;
	[sflag:s0] =	ssyncset.done @!p0 $0x0  }
0x177: {  	[sflag:s0] =	ssyncadd.s32 @!p0 s1  }
0x178: {  	[bflag:$0x3] =	sbarrier.arrive $0xFFFF  }
0x179: {  	_ =	shalt  }

// kernel: kernel.13.cloned.1.call-start
scs
__scs_entry_jumppad:
0x0: {  	(pc) =	sbr.rel $0x88, $3  }
0x1: {  	(tag) =	ssettag $0x0;
	lr =	simm.s32 $0x1  }
0x2: {  	[smem:$0x3F99] =	sst lr;
	_ =	strace $0xD0000000  }
0x3: {  	_ = 	snop  }
0x4: {  	_ = 	snop  }
0x5: {  	_ = 	snop  }
0x6: {  	_ = 	snop  }
0x7: {  	_ = 	snop  }
__scs_overlays_trampoline_lowered:
0x8: {  	[smem:$0x3FA8] =	sst s0  }
0x9: {  	[smem:$0x3FA9] =	sst s1  }
0xa: {  	[smem:$0x3FAA] =	sst s2  }
0xb: {  	[smem:$0x3FAB] =	sst s3  }
0xc: {  	[smem:$0x3FAC] =	sst s4  }
0xd: {  	[smem:$0x3FAD] =	sst s5  }
0xe: {  	[smem:$0x3FAE] =	sst s6  }
0xf: {  	[smem:$0x3FAF] =	sst s7  }
0x10: {  	[smem:$0x3FB0] =	sst s8  }
0x11: {  	[smem:$0x3FB1] =	sst s9;
	s0 =	simm.s32 @!p0 $0x0  }
0x12: {  	s1 =	sld [smem:$0x3F97];
	s0 =	simm.s32 @p0 $0x1  }
0x13: {  	[smem:$0x3FB2] =	sst s0;
	s0 =	simm.s32 @!p1 $0x0  }
0x14: {  	s2 =	sld [smem:$0x3F96];
	s0 =	simm.s32 @p1 $0x1  }
0x15: {  	[smem:$0x3FB3] =	sst s0;
	s0 =	simm.s32 @!p2 $0x0  }
0x16: {  	s3 =	sld [smem:$0x3FDB];
	s0 =	simm.s32 @p2 $0x1  }
0x17: {  	s4 =	simm.s32 $0x1BF5;
	[smem:$0x3FB5] =	sst s0  }
0x18: {  	s0 =	sld [smem:$0x3F98];
	_ =	swait.ge [sflag:s4], $0x0  }
0x19: {  	s7 =	sld [smem:$0x3F99]  }
0x1a: {  	s8 =	sadd.s32 $0xFFFFE003, lr  }
0x1b: {  	s9 =	sadd.s32 $0xFFFFFEF7, lr;
	s5 =	simm.s32 $0xFFFFFFFF;
	p2 =	slt.u32 s8, $0xFFFFF086  }
0x1c: {  	p1 =	slt.u32 s9, $0xF7A;
	s5 =	simm.s32 @!p2 $0x0  }
0x1d: {  	s5 =	simm.s32 @p1 $0x1;
	p0 =	seq.s32 s7, s2  }
0x1e: {  	s7 =	smul.u32 @!p0 $0xF7A, s2;
	p2 =	seq.s32 @!p0 s5, $0x0  }
0x1f: {  	s9 =	smul.u32 $0xF7A, s1;
	s8 =	simm.s32 @!p0 $0x1BF5;
	p2 =	por !p2, p0  }
0x20: {  	[sflag:s8] =	ssyncset.s32 @!p0 $0xFFFFF086;
	s6 =	sadd.s32 @!p0 s3, s7;
	s7 =	simm.s32 @!p0 $0x108  }
0x21: {  	s3 =	sadd.s32 s3, s9;
	s6 =	sadd.s32 @!p0 $0x88, s6;
	s7 =	simm.s32 @p2 $0x1082  }
0x22: {  	[simem:s7], [sflag:s8] =	dma.local @!p0 [hbm:s6], $0xF7A  }
0x23: {  	s9 =	sor.u32 $0xD0000000, s2;
	s6 =	simm.s32 $0x108;
	_ =	swait.ge @!p0 [sflag:s8], $0x0  }
0x24: {  	s3 =	sadd.s32 $0x88, s3;
	s6 =	simm.s32 @!p1 $0x1082;
	[sflag:s4] =	ssyncset.s32 $0xFFFFF086  }
0x25: {  	[simem:s6], [sflag:s4] =	dma.local [hbm:s3], $0xF7A  }
0x26: {  	[smem:$0x3F99] =	sst s1;
	(tag) =	ssettag s2;
	_ =	strace s9  }
0x27: {  	s1 =	sld [smem:$0x3FA9]  }
0x28: {  	s2 =	sld [smem:$0x3FAA]  }
0x29: {  	s4 =	sld [smem:$0x3FAC]  }
0x2a: {  	p0 =	seq.s32 s5, $0x0;
	s5 =	sld [smem:$0x3FAD]  }
0x2b: {  	s6 =	sld [smem:$0x3FAE]  }
0x2c: {  	s7 =	sld [smem:$0x3FAF]  }
0x2d: {  	s3 =	simm.s32 $0x108;
	s8 =	sld [smem:$0x3FB0]  }
0x2e: {  	s3 =	simm.s32 @!p0 $0x1082;
	s9 =	sld [smem:$0x3FB1]  }
0x2f: {  	lr =	sadd.s32 s0, s3;
	s0 =	sld [smem:$0x3FA8]  }
0x30: {  	s3 =	sld [smem:$0x3FAB]  }
0x31: {  	[smem:$0x3FB4] =	sst s10  }
0x32: {  	s10 =	sld [smem:$0x3FB2];
	_ =	sdelay $0x3  }
0x33: {  	p0 =	seq.s32 s10, $0x1;
	s10 =	sld [smem:$0x3FB4];
	_ =	sdelay $0x3  }
0x34: {  	[smem:$0x3FB4] =	sst s10  }
0x35: {  	s10 =	sld [smem:$0x3FB3];
	_ =	sdelay $0x3  }
0x36: {  	p1 =	seq.s32 s10, $0x1;
	s10 =	sld [smem:$0x3FB4];
	_ =	sdelay $0x3  }
0x37: {  	[smem:$0x3FB4] =	sst s10  }
0x38: {  	s10 =	sld [smem:$0x3FB5]  }
0x39: {  	_ = 	snop;
	(pc) =	sbr.ind lr, $3  }
0x3a: {  	_ = 	snop  }
0x3b: {  	_ = 	snop  }
0x3c: {  	p2 =	seq.s32 s10, $0x1;
	s10 =	sld [smem:$0x3FB4]  }
0x3d: {  	_ =	shalt  }
0x3e: {  	_ =	shalt  }
0x3f: {  	_ =	shalt  }
0x40: {  	_ =	shalt  }
0x41: {  	_ =	shalt  }
0x42: {  	_ =	shalt  }
0x43: {  	_ =	shalt  }
0x44: {  	_ =	shalt  }
0x45: {  	_ =	shalt  }
0x46: {  	_ =	shalt  }
0x47: {  	_ =	shalt  }
0x48: {  	_ =	shalt  }
0x49: {  	_ =	shalt  }
0x4a: {  	_ =	shalt  }
0x4b: {  	_ =	shalt  }
0x4c: {  	_ =	shalt  }
0x4d: {  	_ =	shalt  }
0x4e: {  	_ =	shalt  }
0x4f: {  	_ =	shalt  }
0x50: {  	_ =	shalt  }
0x51: {  	_ =	shalt  }
0x52: {  	_ =	shalt  }
0x53: {  	_ =	shalt  }
0x54: {  	_ =	shalt  }
0x55: {  	_ =	shalt  }
0x56: {  	_ =	shalt  }
0x57: {  	_ =	shalt  }
0x58: {  	_ =	shalt  }
0x59: {  	_ =	shalt  }
0x5a: {  	_ =	shalt  }
0x5b: {  	_ =	shalt  }
0x5c: {  	_ =	shalt  }
0x5d: {  	_ =	shalt  }
0x5e: {  	_ =	shalt  }
0x5f: {  	_ =	shalt  }
0x60: {  	_ =	shalt  }
0x61: {  	_ =	shalt  }
0x62: {  	_ =	shalt  }
0x63: {  	_ =	shalt  }
0x64: {  	_ =	shalt  }
0x65: {  	_ =	shalt  }
0x66: {  	_ =	shalt  }
0x67: {  	_ =	shalt  }
0x68: {  	_ =	shalt  }
0x69: {  	_ =	shalt  }
0x6a: {  	_ =	shalt  }
0x6b: {  	_ =	shalt  }
0x6c: {  	_ =	shalt  }
0x6d: {  	_ =	shalt  }
0x6e: {  	_ =	shalt  }
0x6f: {  	_ =	shalt  }
0x70: {  	_ =	shalt  }
0x71: {  	_ =	shalt  }
0x72: {  	_ =	shalt  }
0x73: {  	_ =	shalt  }
0x74: {  	_ =	shalt  }
0x75: {  	_ =	shalt  }
0x76: {  	_ =	shalt  }
0x77: {  	_ =	shalt  }
0x78: {  	_ =	shalt  }
0x79: {  	_ =	shalt  }
0x7a: {  	_ =	shalt  }
0x7b: {  	_ =	shalt  }
0x7c: {  	_ =	shalt  }
0x7d: {  	_ =	shalt  }
0x7e: {  	_ =	shalt  }
0x7f: {  	_ =	shalt  }
0x80: {  	_ =	shalt  }
0x81: {  	_ =	shalt  }
0x82: {  	_ =	shalt  }
0x83: {  	_ =	shalt  }
0x84: {  	_ =	shalt  }
0x85: {  	_ =	shalt  }
0x86: {  	_ =	shalt  }
0x87: {  	_ =	shalt  }
.Lfunc_end0:
.L_simem_size_0:
called_computation.2_lowered:
.L_overlay_start_0:
0x88: {  	s2 =	sld [smem:$0x3FD9]  }
0x89: {  	s3 =	sld [smem:$0x3FFE];
	_ =	sdelay $0x1  }
0x8a: {  	s1 =	srdreg.scid  }
0x8b: {  	s0 =	sand.u32 $0x1, s1  }
0x8c: {  	s14 =	sshll.u32 s0, $0xA;
	s2 =	sadd.s32 s3, s2  }
0x8d: {  	s2 =	sadd.s32 s2, s14  }
0x8e: {  	[smem:$0x3FC0] =	sst s2  }
0x8f: {  	_ = 	snop  }
0x90: {  	s2 =	sld [smem:$0x3FD0];
	_ =	sdelay $0x2  }
0x91: {  	s15 =	simm.s32 $0xA;
	s4 =	simm.s32 $0x10  }
0x92: {  	[smem:s4], [sflag:s15] =	dma.local [hbm:s2], $0x1  }
0x93: {  	_ =	swait.eq [sflag:s15], $0x1  }
0x94: {  	[sflag:s15] =	ssyncset.done $0x0  }
0x95: {  	[sflag:s15] =	ssyncadd.s32 $0xFFFFFFFF  }
0x96: {  	s16 =	sld [smem:$0x11];
	(tm) =	ssettm $0x1  }
0x97: {  	s17 =	sld [smem:$0x3FFB];
	_ =	sdelay $0x3  }
0x98: {  	_ =	strace s17  }
0x99: {  	s3 =	sld [smem:$0x3FFC];
	_ =	sdelay $0x3  }
0x9a: {  	_ =	strace s3  }
0x9b: {  	s3 =	sld [smem:$0x3FFD];
	_ =	sdelay $0x3  }
0x9c: {  	_ =	strace s3  }
0x9d: {  	_ =	strace $0x8FFFFFFF  }
0x9e: {  	s18 =	sld [smem:$0x3FDB];
	_ =	sdelay $0x1  }
0x9f: {  	s19 =	simm.s32 $_scs_section_size  }
0xa0: {  	s5 =	simm.s32 $_size__tile_overlayer_lowered;
	s6 =	simm.s32 $_tile_overlayer_lowered  }
0xa1: {  	s22 =	simm.s32 $0x1BFF;
	s21 =	sshll.u32 s6, $0x1;
	s3 =	sadd.s32 s19, s18  }
0xa2: {  	s7 =	simm.s32 $0x0;
	s20 =	sshll.u32 s5, $0x1;
	s5 =	sadd.s32 s21, s3  }
0xa3: {  	[timem:s7], [sflag:s22] =	dma.local [hbm:s5], s20  }
0xa4: {  	_ =	swait.ge [sflag:s22], s20  }
0xa5: {  	s4 =	ssub.s32 $0x0, s20;
	[sflag:s22] =	ssyncset.done $0x0  }
0xa6: {  	[sflag:s22] =	ssyncadd.s32 s4;
	_ =	sdelay $0x1  }
0xa7: {  	s23 =	simm.s32 $0x1B8B  }
0xa8: {  	_ =	swait.ge [sflag:s23], $0x1  }
0xa9: {  	[sflag:s23] =	ssyncset.done $0x0  }
0xaa: {  	s25 =	simm.s32 $0x1B8E;
	s24 =	sld [smem:$0x3FFE];
	[sflag:s23] =	ssyncadd.s32 $0xFFFFFFFF  }
0xab: {  	s26 =	simm.s32 $execute0_lowered;
	[smem:$0x3FD2] =	sst s25  }
0xac: {  	s5 =	sshll.u32 s26, $0x1;
	_ =	strace $0x8000004C;
	[dreg:$0x1] =	wrdreg $0xFFFFFFFF  }
0xad: {  	s28 =	simm.s32 $_size_execute0_lowered;
	s3 =	sadd.s32 s3, s5;
	[dreg:$0x0] =	wrdreg $0x0  }
0xae: {  	s5 =	sshll.u32 s28, $0x1;
	[dreg:$0x2] =	wrdreg s3  }
0xaf: {  	[dreg:$0x3] =	wrdreg s5  }
0xb0: {  	[dreg:$0x4] =	wrdreg $0xC0  }
0xb1: {  	_ =	task [dreg:s7], $0x5FFFF  }
0xb2: {  	[dreg:$0x1] =	wrdreg $0xFFFFFFFF  }
0xb3: {  	[dreg:$0x0] =	wrdreg $0x60  }
0xb4: {  	[dreg:$0x2] =	wrdreg s24  }
0xb5: {  	[dreg:$0x3] =	wrdreg s16  }
0xb6: {  	[dreg:$0x4] =	wrdreg $0x9  }
0xb7: {  	_ =	task.clear_ibuf [dreg:s7], $0x5FFFF;
	_ =	strace $0x9000004C  }
0xb8: {  	s29 =	simm.s32 $0x9;
	_ =	strace $0x8000004E  }
0xb9: {  	_ =	swait.ge [sflag:s29], $0x1  }
0xba: {  	[sflag:s29] =	ssyncadd.s32 $0xFFFFFFFF  }
0xbb: {  	_ =	strace $0x9000004E  }
0xbc: {  	_ =	sfence  }
0xbd: {  	s30 =	sld [smem:$0x0];
	_ =	sdelay $0x2  }
0xbe: {  	s31 =	sshll.u32 s1, $0xD;
	s1 =	sshrl.u32 s1, $0x2  }
0xbf: {  	s3 =	sand.u32 $0x4000, s31;
	s1 =	sadd.s32 s1, s30  }
0xc0: {  	s0 =	sor.u32 s3, s0;
	s1 =	sshll.u32 s1, $0x11  }
0xc1: {  	s0 =	sor.u32 s1, s0  }
0xc2: {  	s0 =	sadd.s32 $0x8F2B, s0  }
0xc3: {  	[sflag:s0] =	ssyncadd.remote.s32 $0x1  }
0xc4: {  	_ =	sfence.sel $0xFFFF  }
0xc5: {  	[dreg:$0x0] =	wrdreg $0xFFFFFFFF;
	(pc) =	sbr.abs _section_cstart, $3  }
0xc6: {  	[dreg:$0x1] =	wrdreg $0xFFFFFFFF  }
0xc7: {  	_ =	task.clear_ibuf [dreg:s7], $0x2FFFF;
	_ =	strace $0x9FFFFFFF  }
0xc8: {  	(tm) =	ssettm $0x7FFFFFFF  }
0xc9: {  	_ =	shalt  }
tec
execute0_lowered:
.L_overlay_start_1:
0x0: {  	(tag) =	ssettag $0x1  }
0x1: {  	s0 =	rddreg [dreg:$0x0]  }
0x2: {  	s1 =	rddreg [dreg:$0x1]  }
0x3: {  	s3 =	srdreg.scid;
	s8 =	stileid.u32;
	s2 =	simm.s32 $0x0  }
0x4: {  	s14 =	simm.s32 $0x5;
	s15 =	simm.s32 $0x2800;
	s16 =	simm.s32 $0x2900  }
0x5: {  	s17 =	simm.s32 $0x2880;
	s18 =	simm.s32 $0x80;
	s19 =	simm.s32 $0x2980  }
0x6: {  	s20 =	simm.s32 $0x1;
	s21 =	simm.s32 $0x2A00;
	s22 =	simm.s32 $0x2  }
0x7: {  	s23 =	simm.s32 $0x2A80;
	s29 =	simm.s32 $0x0;
	s5 =	sand.u32 $0x1, s3  }
0x8: {  	s24 =	sshll.u32 s8, $0x1;
	[smem:$0x7FF] =	sst s2;
	s8 =	smul.u32 $0x4E20, s8  }
0x9: {  	s3 =	sadd.s32 $0x1800, s0;
	s6 =	sor.u32 s5, s24;
	s10 =	smul.u32 $0x2710, s5  }
0xa: {  	s4 =	sadd.s32 $0xB600, s0;
	s25 =	ssub.s32 $0x2, s5;
	s7 =	smul.u32 $0x500, s6  }
0xb: {  	_ =	strace $0x8000004D;
	s6 =	smul.u32 $0x2710, s6;
	s9 =	sshrl.u32 s25, $0x1  }
0xc: {  	s24 =	simm.s32 $0x3;
	s9 =	ssub.s32 s25, s9;
	s13 =	sadd.s32 s10, s8  }
0xd: {  	s25 =	simm.s32 $0x4;
	s0 =	sadd.s32 s7, s0;
	s6 =	sshrl.u32 s6, $0x3  }
0xe: {  	s30 =	sshrl.u32 s13, $0x3;
	s11 =	sadd.s32 $0x80, s13;
	s9 =	smax.u32 s9, $0x1  }
0xf: {  	s0 =	sadd.s32 $0x9C5800, s0;
	s26 =	sadd.s32 $0x4E0, s6;
	s28 =	sadd.s32 s3, s6  }
0x10: {  	s10 =	sadd.s32 s30, s1;
	s31 =	sshrl.u32 s11, $0x3;
	[dreg:$0x3] =	wrdreg s0  }
0x11: {  	[dreg:$0x4] =	wrdreg s28;
	s7 =	sadd.s32 s3, s26;
	s8 =	sadd.s32 s1, s26  }
0x12: {  	s11 =	sadd.s32 s31, s1;
	s12 =	sadd.s32 s31, s3;
	s1 =	sadd.s32 $0x100, s13  }
.LBB2_1:
0x13: {  	s0 =	rddreg [dreg:$0x3]  }
0x14: {  	[tilespmem:s2], [sflag:$0x5] =	stream.linear.gather [hbm4b:s0+s2], $0x2800, $0x38;
	[tilespmem:$0x2B00] =	vst v63  }
0x15: {  	_ =	swait.ge [sflag:s14], $0x2800  }
0x16: {  	[sflag:s14] =	ssyncset.done $0x0  }
0x17: {  	s13 =	rddreg [dreg:$0x4];
	[sflag:s14] =	ssyncadd.s32 $0xFFFFD800  }
0x18: {  	[tilespmem:s15], [sflag:$0x1] =	stream.linear.gather [hbm4b:s13+s2], $0x80, $0x38;
	[tilespmem:$0x2B00] =	vst v63  }
0x19: {  	_ = 	snop  }
0x1a: {  	[tilespmem:s16], [sflag:$0x1] =	stream.indirect.gather [hbm4b:s4+s18], $0x1, s2, s18, $0xb8;
	[tilespmem:$0x2B00] =	vst v63  }
0x1b: {  	s26 =	sadd.s32 $0x0, s12  }
0x1c: {  	[tilespmem:s17], [sflag:$0x2] =	stream.linear.gather [hbm4b:s26+s2], $0x80, $0x38;
	[tilespmem:$0x2B00] =	vst v63  }
0x1d: {  	_ = 	snop  }
0x1e: {  	[tilespmem:s19], [sflag:$0x2] =	stream.indirect.gather [hbm4b:s4+s18], $0x1, s18, s18, $0xb8;
	[tilespmem:$0x2B00] =	vst v63  }
0x1f: {  	_ =	swait.ge [sflag:s20], $0x80  }
0x20: {  	[sflag:s20] =	ssyncset.done $0x0  }
0x21: {  	[sflag:s20] =	ssyncadd.s32 $0xFFFFFF80  }
0x22: {  	_ =	swait.ge [sflag:s20], $0x80  }
0x23: {  	p0 =	por $0x1, $0x1;
	[sflag:s20] =	ssyncset.done $0x0  }
0x24: {  	s0 =	simm.s32 @!p0 $0x3;
	[sflag:s20] =	ssyncadd.s32 $0xFFFFFF80  }
0x25: {  	_ =	swait.ge @!p0 [sflag:s0], $0x80  }
0x26: {  	[sflag:s0] =	ssyncset.done @!p0 $0x0  }
0x27: {  	[sflag:s0] =	ssyncadd.s32 @!p0 $0xFFFFFF80  }
0x28: {  	v0 =	vld [tilespmem:$0x2920]  }
0x29: {  	v1 =	vld [tilespmem:$0x2970]  }
0x2a: {  	v2 =	vld [tilespmem:$0x2960]  }
0x2b: {  	v3 =	vld [tilespmem:$0x2940]  }
0x2c: {  	v4 =	vld [tilespmem:$0x2930]  }
0x2d: {  	v5 =	vld [tilespmem:$0x2950];
	v0 =	vadd.f32 $1.000000020e-16, v0  }
0x2e: {  	v6 =	vld [tilespmem:$0x2900];
	v1 =	vadd.f32 $1.000000020e-16, v1  }
0x2f: {  	v45 =	vld [tilespmem:$0x2910];
	v2 =	vadd.f32 $1.000000020e-16, v2;
	(erf) = vrcp.f32 v0  }
0x30: {  	v3 =	vadd.f32 $1.000000020e-16, v3;
	(erf) = vrcp.f32 v1  }
0x31: {  	v46 =	vadd.f32 $1.000000020e-16, v4;
	(erf) = vrcp.f32 v2  }
0x32: {  	v47 =	vadd.f32 $1.000000020e-16, v5;
	(erf) = vrcp.f32 v3  }
0x33: {  	v48 =	vadd.f32 $1.000000020e-16, v6;
	(erf) = vrcp.f32 v46  }
0x34: {  	v49 =	vld [tilespmem:$0x2820];
	v0 =	vadd.f32 $1.000000020e-16, v45;
	(erf) = vrcp.f32 v47  }
0x35: {  	v50 =	vld [tilespmem:$0x2870];
	(erf) = vrcp.f32 v48  }
0x36: {  	v51 =	vld [tilespmem:$0x2860];
	(erf) = vrcp.f32 v0  }
0x37: {  	v52 =	vld [tilespmem:$0x2840]  }
0x38: {  	v54 =	vld [tilespmem:$0x2830];
	v53 =	vpop (erf)  }
0x39: {  	v8 =	vld [tilespmem:$0x2850];
	v55 =	vpop (erf);
	v1 =	vmul.f32 v53, v49  }
0x3a: {  	v7 =	vld [tilespmem:$0x2800];
	v56 =	vpop (erf);
	v2 =	vmul.f32 v55, v50  }
0x3b: {  	v58 =	vld [tilespmem:$0x2810];
	v57 =	vpop (erf);
	[tilespmem:$0x2A20] =	vst v1;
	v3 =	vmul.f32 v56, v51  }
0x3c: {  	v59 =	vpop (erf);
	v0 =	vmul.f32 v57, v52;
	[tilespmem:$0x2A70] =	vst v2  }
0x3d: {  	v60 =	vpop (erf);
	v4 =	vmul.f32 v59, v54;
	[tilespmem:$0x2A60] =	vst v3  }
0x3e: {  	v61 =	vpop (erf);
	[tilespmem:$0x2A40] =	vst v0;
	v2 =	vmul.f32 v60, v8  }
0x3f: {  	v62 =	vmul.f32 v61, v7;
	v63 =	vpop (erf);
	[tilespmem:$0x2A30] =	vst v4  }
0x40: {  	v1 =	vmul.f32 v63, v58;
	[tilespmem:$0x2A50] =	vst v2  }
0x41: {  	p1 =	por $0x0, $0x0;
	[tilespmem:$0x2A00] =	vst v62  }
0x42: {  	s28 =	sadd.s32 $0x0, s10;
	s13 =	sshrl.u32 @!p1 s1, $0x3;
	[tilespmem:$0x2A10] =	vst v1  }
0x43: {  	[hbm4b:s28+s2] =	stream.linear.scatter [tilespmem:s21], [sflag:$0x3], $0x80, $0x38;
	[tilespmem:$0x2B00] =	vst v63  }
0x44: {  	s26 =	simm.s32 @!p1 $0x2800;
	s0 =	sadd.s32 @!p1 s3, s13;
	s13 =	simm.s32 @!p1 $0x0  }
0x45: {  	[tilespmem:s26], [sflag:$0x1] =	stream.linear.gather @!p1 [hbm4b:s0+s13], $0x80, $0x38;
	[tilespmem:$0x2B00] =	vst v63  }
0x46: {  	s0 =	simm.s32 @!p1 $0x100;
	s13 =	simm.s32 @!p1 $0x80;
	s26 =	simm.s32 @!p1 $0x2900  }
0x47: {  	[tilespmem:s26], [sflag:$0x1] =	stream.indirect.gather @!p1 [hbm4b:s4+s13], $0x1, s0, s13, $0xb8;
	[tilespmem:$0x2B00] =	vst v63  }
0x48: {  	_ =	swait.ge [sflag:s22], $0x80  }
0x49: {  	[sflag:s22] =	ssyncset.done $0x0  }
0x4a: {  	[sflag:s22] =	ssyncadd.s32 $0xFFFFFF80  }
0x4b: {  	_ =	swait.ge [sflag:s22], $0x80  }
0x4c: {  	[sflag:s22] =	ssyncset.done $0x0  }
0x4d: {  	s0 =	simm.s32 @!p0 $0x4;
	[sflag:s22] =	ssyncadd.s32 $0xFFFFFF80  }
0x4e: {  	_ =	swait.ge @!p0 [sflag:s0], $0x80  }
0x4f: {  	s31 =	simm.s32 $0x20;
	s30 =	simm.s32 $0x0;
	[sflag:s0] =	ssyncset.done @!p0 $0x0  }
0x50: {  	s13 =	smov.u32 s1;
	[sflag:s0] =	ssyncadd.s32 @!p0 $0xFFFFFF80;
	s0 =	simm.s32 $0x80  }
.LBB2_2:
0x51: {  	s0 =	sadd.s32 $0x100, s0  }
0x52: {  	v0 =	vld [tilespmem:$0x29F0];
	s13 =	sadd.s32 $0x100, s13;
	s26 =	smov.u32 s31;
	s31 =	sadd.s32 $0x20, s31  }
0x53: {  	p0 =	sne.s32 s31, $0x4E0;
	v1 =	vld [tilespmem:$0x29E0]  }
0x54: {  	v2 =	vld [tilespmem:$0x29D0]  }
0x55: {  	v3 =	vld [tilespmem:$0x29C0]  }
0x56: {  	v4 =	vld [tilespmem:$0x29B0]  }
0x57: {  	v5 =	vld [tilespmem:$0x29A0];
	v0 =	vadd.f32 $1.000000020e-16, v0  }
0x58: {  	v6 =	vld [tilespmem:$0x2990];
	v1 =	vadd.f32 $1.000000020e-16, v1  }
0x59: {  	v7 =	vld [tilespmem:$0x2980];
	v2 =	vadd.f32 $1.000000020e-16, v2;
	(erf) = vrcp.f32 v0  }
0x5a: {  	v0 =	vadd.f32 $1.000000020e-16, v3;
	(erf) = vrcp.f32 v1  }
0x5b: {  	v1 =	vadd.f32 $1.000000020e-16, v4;
	(erf) = vrcp.f32 v2  }
0x5c: {  	v2 =	vadd.f32 $1.000000020e-16, v5;
	(erf) = vrcp.f32 v0  }
0x5d: {  	v0 =	vadd.f32 $1.000000020e-16, v6;
	(erf) = vrcp.f32 v1  }
0x5e: {  	v1 =	vadd.f32 $1.000000020e-16, v7;
	v3 =	vld [tilespmem:$0x28F0];
	(erf) = vrcp.f32 v2  }
0x5f: {  	v2 =	vld [tilespmem:$0x28E0];
	(erf) = vrcp.f32 v0  }
0x60: {  	v0 =	vld [tilespmem:$0x28D0];
	(erf) = vrcp.f32 v1  }
0x61: {  	v1 =	vld [tilespmem:$0x28C0]  }
0x62: {  	v4 =	vld [tilespmem:$0x28B0];
	v5 =	vpop (erf)  }
0x63: {  	v6 =	vld [tilespmem:$0x28A0];
	v9 =	vmul.f32 v5, v3;
	v5 =	vpop (erf)  }
0x64: {  	v7 =	vld [tilespmem:$0x2890];
	v10 =	vmul.f32 v5, v2;
	v5 =	vpop (erf)  }
0x65: {  	v8 =	vld [tilespmem:$0x2880];
	v5 =	vmul.f32 v5, v0;
	[tilespmem:$0x2AF0] =	vst v9;
	v3 =	vpop (erf)  }
0x66: {  	v3 =	vmul.f32 v3, v1;
	[tilespmem:$0x2AE0] =	vst v10;
	v2 =	vpop (erf)  }
0x67: {  	v4 =	vmul.f32 v2, v4;
	[tilespmem:$0x2AD0] =	vst v5;
	v0 =	vpop (erf)  }
0x68: {  	v0 =	vmul.f32 v0, v6;
	[tilespmem:$0x2AC0] =	vst v3;
	v1 =	vpop (erf)  }
0x69: {  	v1 =	vmul.f32 v1, v7;
	[tilespmem:$0x2AB0] =	vst v4;
	v2 =	vpop (erf)  }
0x6a: {  	v2 =	vmul.f32 v2, v8;
	[tilespmem:$0x2AA0] =	vst v0  }
0x6b: {  	[tilespmem:$0x2A90] =	vst v1  }
0x6c: {  	s28 =	sadd.s32 s30, s11;
	s30 =	smov.u32 s26;
	[tilespmem:$0x2A80] =	vst v2  }
0x6d: {  	[hbm4b:s28+s2] =	stream.linear.scatter [tilespmem:s23], [sflag:$0x4], $0x80, $0x38;
	[tilespmem:$0x2B00] =	vst v63  }
0x6e: {  	s26 =	sadd.s32 s30, s12  }
0x6f: {  	[tilespmem:s17], [sflag:$0x2] =	stream.linear.gather [hbm4b:s26+s2], $0x80, $0x38;
	[tilespmem:$0x2B00] =	vst v63  }
0x70: {  	_ = 	snop  }
0x71: {  	[tilespmem:s19], [sflag:$0x2] =	stream.indirect.gather [hbm4b:s4+s18], $0x1, s0, s18, $0xb8;
	[tilespmem:$0x2B00] =	vst v63  }
0x72: {  	_ =	swait.ge [sflag:s20], $0x80  }
0x73: {  	[sflag:s20] =	ssyncset.done $0x0  }
0x74: {  	p1 =	seq.s32 s30, $0x0;
	[sflag:s20] =	ssyncadd.s32 $0xFFFFFF80  }
0x75: {  	s26 =	simm.s32 @!p1 $0x3;
	_ =	swait.ge [sflag:s20], $0x80  }
0x76: {  	[sflag:s20] =	ssyncset.done $0x0  }
0x77: {  	[sflag:s20] =	ssyncadd.s32 $0xFFFFFF80  }
0x78: {  	_ =	swait.ge @!p1 [sflag:s26], $0x80  }
0x79: {  	[sflag:s26] =	ssyncset.done @!p1 $0x0  }
0x7a: {  	[sflag:s26] =	ssyncadd.s32 @!p1 $0xFFFFFF80  }
0x7b: {  	v0 =	vld [tilespmem:$0x2930]  }
0x7c: {  	v1 =	vld [tilespmem:$0x2950]  }
0x7d: {  	v2 =	vld [tilespmem:$0x2920]  }
0x7e: {  	v3 =	vld [tilespmem:$0x2970]  }
0x7f: {  	v4 =	vld [tilespmem:$0x2960]  }
0x80: {  	v5 =	vld [tilespmem:$0x2940]  }
0x81: {  	v6 =	vld [tilespmem:$0x2910]  }
0x82: {  	v2 =	vadd.f32 $1.000000020e-16, v2  }
0x83: {  	v7 =	vld [tilespmem:$0x2900];
	v3 =	vadd.f32 $1.000000020e-16, v3  }
0x84: {  	v1 =	vadd.f32 $1.000000020e-16, v1;
	v4 =	vadd.f32 $1.000000020e-16, v4;
	(erf) = vrcp.f32 v2  }
0x85: {  	v0 =	vadd.f32 $1.000000020e-16, v0;
	v2 =	vadd.f32 $1.000000020e-16, v5;
	(erf) = vrcp.f32 v3  }
0x86: {  	v3 =	vadd.f32 $1.000000020e-16, v6;
	v5 =	vld [tilespmem:$0x2870];
	(erf) = vrcp.f32 v4  }
0x87: {  	v4 =	vld [tilespmem:$0x2820];
	(erf) = vrcp.f32 v2  }
0x88: {  	v2 =	vadd.f32 $1.000000020e-16, v7;
	v6 =	vld [tilespmem:$0x2840];
	(erf) = vrcp.f32 v0  }
0x89: {  	v0 =	vld [tilespmem:$0x2800];
	(erf) = vrcp.f32 v1  }
0x8a: {  	v1 =	vld [tilespmem:$0x2850];
	(erf) = vrcp.f32 v2  }
0x8b: {  	v2 =	vld [tilespmem:$0x2860];
	(erf) = vrcp.f32 v3  }
0x8c: {  	v3 =	vld [tilespmem:$0x2830]  }
0x8d: {  	v7 =	vld [tilespmem:$0x2810];
	v8 =	vpop (erf)  }
0x8e: {  	v9 =	vmul.f32 v8, v4;
	v8 =	vpop (erf)  }
0x8f: {  	v10 =	vmul.f32 v8, v5;
	v8 =	vpop (erf)  }
0x90: {  	[tilespmem:$0x2A20] =	vst v9;
	v8 =	vmul.f32 v8, v2;
	v4 =	vpop (erf)  }
0x91: {  	v4 =	vmul.f32 v4, v6;
	[tilespmem:$0x2A70] =	vst v10;
	v5 =	vpop (erf)  }
0x92: {  	v3 =	vmul.f32 v5, v3;
	[tilespmem:$0x2A60] =	vst v8;
	v2 =	vpop (erf)  }
0x93: {  	[tilespmem:$0x2A40] =	vst v4;
	v1 =	vmul.f32 v2, v1;
	v2 =	vpop (erf)  }
0x94: {  	v0 =	vmul.f32 v2, v0;
	v2 =	vpop (erf)  }
0x95: {  	p2 =	seq.s32 s30, $0x4C0;
	s26 =	sadd.s32 s30, s10;
	v2 =	vmul.f32 v2, v7;
	[tilespmem:$0x2A30] =	vst v3  }
0x96: {  	s28 =	sshrl.u32 @!p2 s13, $0x3;
	[tilespmem:$0x2A00] =	vst v0  }
0x97: {  	[tilespmem:$0x2A50] =	vst v1  }
0x98: {  	s5 =	simm.s32 @!p2 $0x0;
	s6 =	simm.s32 @!p2 $0x2800;
	s28 =	sadd.s32 @!p2 s3, s28;
	[tilespmem:$0x2A10] =	vst v2  }
0x99: {  	[hbm4b:s26+s2] =	stream.linear.scatter [tilespmem:s21], [sflag:$0x3], $0x80, $0x38;
	[tilespmem:$0x2B00] =	vst v63  }
0x9a: {  	s26 =	sadd.s32 @!p2 $0x80, s0  }
0x9b: {  	[tilespmem:s6], [sflag:$0x1] =	stream.linear.gather @!p2 [hbm4b:s28+s5], $0x80, $0x38;
	[tilespmem:$0x2B00] =	vst v63  }
0x9c: {  	s5 =	simm.s32 @!p2 $0x80;
	s6 =	simm.s32 @!p2 $0x2900  }
0x9d: {  	[tilespmem:s6], [sflag:$0x1] =	stream.indirect.gather @!p2 [hbm4b:s4+s5], $0x1, s26, s5, $0xb8;
	[tilespmem:$0x2B00] =	vst v63  }
0x9e: {  	_ =	swait.ge [sflag:s22], $0x80  }
0x9f: {  	[sflag:s22] =	ssyncset.done $0x0  }
0xa0: {  	[sflag:s22] =	ssyncadd.s32 $0xFFFFFF80  }
0xa1: {  	_ =	swait.ge [sflag:s22], $0x80  }
.Ltmp0:
0xa2: {  	[sflag:s22] =	ssyncset.done $0x0;
	(pc) =	sbr.rel @p0 .LBB2_2-.Ltmp0, $4  }
0xa3: {  	s5 =	simm.s32 @!p1 $0x4;
	[sflag:s22] =	ssyncadd.s32 $0xFFFFFF80  }
0xa4: {  	_ =	swait.ge @!p1 [sflag:s5], $0x80  }
0xa5: {  	[sflag:s5] =	ssyncset.done @!p1 $0x0  }
0xa6: {  	[sflag:s5] =	ssyncadd.s32 @!p1 $0xFFFFFF80  }
0xa7: {  	v0 =	vld [tilespmem:$0x29F0]  }
0xa8: {  	v1 =	vld [tilespmem:$0x29E0]  }
0xa9: {  	v2 =	vld [tilespmem:$0x29D0]  }
0xaa: {  	v3 =	vld [tilespmem:$0x29C0]  }
0xab: {  	v4 =	vld [tilespmem:$0x29B0]  }
0xac: {  	v5 =	vld [tilespmem:$0x29A0];
	v0 =	vadd.f32 $1.000000020e-16, v0  }
0xad: {  	v6 =	vld [tilespmem:$0x2990];
	v1 =	vadd.f32 $1.000000020e-16, v1  }
0xae: {  	v7 =	vld [tilespmem:$0x2980];
	v2 =	vadd.f32 $1.000000020e-16, v2;
	(erf) = vrcp.f32 v0  }
0xaf: {  	v41 =	vadd.f32 $1.000000020e-16, v3;
	(erf) = vrcp.f32 v1  }
0xb0: {  	v42 =	vadd.f32 $1.000000020e-16, v4;
	(erf) = vrcp.f32 v2  }
0xb1: {  	v43 =	vadd.f32 $1.000000020e-16, v5;
	(erf) = vrcp.f32 v41  }
0xb2: {  	v44 =	vadd.f32 $1.000000020e-16, v6;
	(erf) = vrcp.f32 v42  }
0xb3: {  	v46 =	vld [tilespmem:$0x28F0];
	v45 =	vadd.f32 $1.000000020e-16, v7;
	(erf) = vrcp.f32 v43  }
0xb4: {  	v47 =	vld [tilespmem:$0x28E0];
	(erf) = vrcp.f32 v44  }
0xb5: {  	v48 =	vld [tilespmem:$0x28D0];
	(erf) = vrcp.f32 v45  }
0xb6: {  	v49 =	vld [tilespmem:$0x28C0]  }
0xb7: {  	v50 =	vld [tilespmem:$0x28B0];
	v51 =	vpop (erf)  }
0xb8: {  	v52 =	vld [tilespmem:$0x28A0];
	v3 =	vmul.f32 v51, v46;
	v53 =	vpop (erf)  }
0xb9: {  	v54 =	vld [tilespmem:$0x2890];
	v2 =	vmul.f32 v53, v47;
	v55 =	vpop (erf)  }
0xba: {  	v8 =	vld [tilespmem:$0x2880];
	v0 =	vmul.f32 v55, v48;
	[tilespmem:$0x2AF0] =	vst v3;
	v56 =	vpop (erf)  }
0xbb: {  	v1 =	vmul.f32 v56, v49;
	[tilespmem:$0x2AE0] =	vst v2;
	v57 =	vpop (erf)  }
0xbc: {  	v2 =	vmul.f32 v57, v50;
	[tilespmem:$0x2AD0] =	vst v0;
	v58 =	vpop (erf)  }
0xbd: {  	v0 =	vmul.f32 v58, v52;
	[tilespmem:$0x2AC0] =	vst v1;
	v59 =	vpop (erf)  }
0xbe: {  	v1 =	vmul.f32 v59, v54;
	[tilespmem:$0x2AB0] =	vst v2;
	v60 =	vpop (erf)  }
0xbf: {  	v2 =	vmul.f32 v60, v8;
	[tilespmem:$0x2AA0] =	vst v0  }
0xc0: {  	[tilespmem:$0x2A90] =	vst v1  }
0xc1: {  	s0 =	sadd.s32 s30, s11;
	[tilespmem:$0x2A80] =	vst v2  }
0xc2: {  	[hbm4b:s0+s2] =	stream.linear.scatter [tilespmem:s23], [sflag:$0x4], $0x80, $0x38;
	[tilespmem:$0x2B00] =	vst v63  }
0xc3: {  	_ =	swait.ge [sflag:s24], $0x80  }
0xc4: {  	[sflag:s24] =	ssyncset.done $0x0  }
0xc5: {  	[sflag:s24] =	ssyncadd.s32 $0xFFFFFF80  }
0xc6: {  	_ =	swait.ge [sflag:s25], $0x80  }
0xc7: {  	[sflag:s25] =	ssyncset.done $0x0  }
0xc8: {  	[sflag:s25] =	ssyncadd.s32 $0xFFFFFF80  }
0xc9: {  	[tilespmem:s15], [sflag:$0x5] =	stream.linear.gather [hbm4b:s7+s2], $0x10, $0x38;
	[tilespmem:$0x2B00] =	vst v63  }
0xca: {  	_ =	swait.ge [sflag:s14], $0x10  }
0xcb: {  	[sflag:s14] =	ssyncset.done $0x0  }
0xcc: {  	s31 =	simm.s32 $0x10;
	s5 =	simm.s32 $0x2700;
	[sflag:s14] =	ssyncadd.s32 $0xFFFFFFF0  }
0xcd: {  	[tilespmem:s16], [sflag:$0x1] =	stream.indirect.gather [hbm4b:s4+s31], $0x1, s5, s31, $0xb8;
	[tilespmem:$0x2B00] =	vst v63  }
0xce: {  	_ =	swait.ge [sflag:s20], $0x10  }
0xcf: {  	[sflag:s20] =	ssyncset.done $0x0  }
0xd0: {  	[sflag:s20] =	ssyncadd.s32 $0xFFFFFFF0  }
0xd1: {  	v61 =	vld [tilespmem:$0x2900];
	_ =	sdelay $0x4  }
0xd2: {  	v0 =	vadd.f32 $1.000000020e-16, v61;
	_ =	sdelay $0x1  }
0xd3: {  	(erf) = vrcp.f32 v0;
	_ =	sdelay $0x4  }
0xd4: {  	v62 =	vld [tilespmem:$0x2800];
	_ =	sdelay $0x3  }
0xd5: {  	v63 =	vpop (erf)  }
0xd6: {  	s29 =	sadd.s32 $0x1, s29;
	v0 =	vmul.f32 v63, v62  }
0xd7: {  	p0 =	sne.s32 s29, s9  }
.Ltmp1:
0xd8: {  	[tilespmem:$0x2A00] =	vst v0;
	(pc) =	sbr.rel @p0 .LBB2_1-.Ltmp1, $4  }
0xd9: {  	[hbm4b:s8+s2] =	stream.linear.scatter [tilespmem:s21], [sflag:$0x5], $0x10, $0x38;
	[tilespmem:$0x2B00] =	vst v63  }
0xda: {  	_ =	swait.ge [sflag:s14], $0x10  }
0xdb: {  	[sflag:s14] =	ssyncset.done $0x0  }
0xdc: {  	[sflag:s14] =	ssyncadd.s32 $0xFFFFFFF0  }
0xdd: {  	_ =	sfence.sel $0x180000  }
0xde: {  	[bflag:$0x0] =	sbarrier.arrive $0xFFFF  }
0xdf: {  	_ =	strace $0x9000004D  }
0xe0: {  	s0 =	stileid.u32;
	[bflag:$0x2] =	sbarrier.arrive $0xFFFF  }
0xe1: {  	p0 =	sne.s32 s0, $0x0;
	s0 =	rddreg [dreg:$0x2]  }
0xe2: {  	s0 =	sadd.s32 @!p0 $0x100000, s0  }
0xe3: {  	[sflag:s0] =	ssyncadd.tile.s32 @!p0 $0x1;
	_ =	shalt  }
.Lfunc_end2:
_tile_overlayer_lowered:
.L_overlay_start_2:
0xe4: {  	(tag) =	ssettag $0x2  }
0xe5: {  	s0 =	rddreg [dreg:$0x0];
	s2 =	stileid.u32  }
0xe6: {  	s1 =	rddreg [dreg:$0x1];
	p0 =	sne.s32 s2, $0x0  }
0xe7: {  	s3 =	rddreg [dreg:$0x2];
	[bflag:$0x3] =	sbarrier.arrive $0xFFFF;
	s2 =	simm.s32 @!p0 $0x1C05  }
0xe8: {  	[timem:s3], [sflag:s2] =	dma.local @!p0 [hbm:s0], s1  }
0xe9: {  	s0 =	simm.s32 @!p0 $0x5  }
0xea: {  	_ =	swait.ge @!p0 [sflag:s0], s1  }
0xeb: {  	s1 =	ssub.s32 @!p0 $0x0, s1;
	[sflag:s0] =	ssyncset.done @!p0 $0x0  }
0xec: {  	[sflag:s0] =	ssyncadd.s32 @!p0 s1  }
0xed: {  	[bflag:$0x3] =	sbarrier.arrive $0xFFFF  }
0xee: {  	_ =	shalt  }

// kernel: kernel.7.cloned.1.call-start
scs
__scs_entry_jumppad:
0x0: {  	(pc) =	sbr.rel $0x88, $3  }
0x1: {  	(tag) =	ssettag $0x0;
	lr =	simm.s32 $0x1  }
0x2: {  	[smem:$0x3F99] =	sst lr;
	_ =	strace $0xD0000000  }
0x3: {  	_ = 	snop  }
0x4: {  	_ = 	snop  }
0x5: {  	_ = 	snop  }
0x6: {  	_ = 	snop  }
0x7: {  	_ = 	snop  }
__scs_overlays_trampoline_lowered:
0x8: {  	[smem:$0x3FA8] =	sst s0  }
0x9: {  	[smem:$0x3FA9] =	sst s1  }
0xa: {  	[smem:$0x3FAA] =	sst s2  }
0xb: {  	[smem:$0x3FAB] =	sst s3  }
0xc: {  	[smem:$0x3FAC] =	sst s4  }
0xd: {  	[smem:$0x3FAD] =	sst s5  }
0xe: {  	[smem:$0x3FAE] =	sst s6  }
0xf: {  	[smem:$0x3FAF] =	sst s7  }
0x10: {  	[smem:$0x3FB0] =	sst s8  }
0x11: {  	[smem:$0x3FB1] =	sst s9;
	s0 =	simm.s32 @!p0 $0x0  }
0x12: {  	s1 =	sld [smem:$0x3F97];
	s0 =	simm.s32 @p0 $0x1  }
0x13: {  	[smem:$0x3FB2] =	sst s0;
	s0 =	simm.s32 @!p1 $0x0  }
0x14: {  	s2 =	sld [smem:$0x3F96];
	s0 =	simm.s32 @p1 $0x1  }
0x15: {  	[smem:$0x3FB3] =	sst s0;
	s0 =	simm.s32 @!p2 $0x0  }
0x16: {  	s3 =	sld [smem:$0x3FDB];
	s0 =	simm.s32 @p2 $0x1  }
0x17: {  	s4 =	simm.s32 $0x1BF5;
	[smem:$0x3FB5] =	sst s0  }
0x18: {  	s0 =	sld [smem:$0x3F98];
	_ =	swait.ge [sflag:s4], $0x0  }
0x19: {  	s7 =	sld [smem:$0x3F99]  }
0x1a: {  	s8 =	sadd.s32 $0xFFFFE003, lr  }
0x1b: {  	s9 =	sadd.s32 $0xFFFFFEF7, lr;
	s5 =	simm.s32 $0xFFFFFFFF;
	p2 =	slt.u32 s8, $0xFFFFF086  }
0x1c: {  	p1 =	slt.u32 s9, $0xF7A;
	s5 =	simm.s32 @!p2 $0x0  }
0x1d: {  	s5 =	simm.s32 @p1 $0x1;
	p0 =	seq.s32 s7, s2  }
0x1e: {  	s7 =	smul.u32 @!p0 $0xF7A, s2;
	p2 =	seq.s32 @!p0 s5, $0x0  }
0x1f: {  	s9 =	smul.u32 $0xF7A, s1;
	s8 =	simm.s32 @!p0 $0x1BF5;
	p2 =	por !p2, p0  }
0x20: {  	[sflag:s8] =	ssyncset.s32 @!p0 $0xFFFFF086;
	s6 =	sadd.s32 @!p0 s3, s7;
	s7 =	simm.s32 @!p0 $0x108  }
0x21: {  	s3 =	sadd.s32 s3, s9;
	s6 =	sadd.s32 @!p0 $0x88, s6;
	s7 =	simm.s32 @p2 $0x1082  }
0x22: {  	[simem:s7], [sflag:s8] =	dma.local @!p0 [hbm:s6], $0xF7A  }
0x23: {  	s9 =	sor.u32 $0xD0000000, s2;
	s6 =	simm.s32 $0x108;
	_ =	swait.ge @!p0 [sflag:s8], $0x0  }
0x24: {  	s3 =	sadd.s32 $0x88, s3;
	s6 =	simm.s32 @!p1 $0x1082;
	[sflag:s4] =	ssyncset.s32 $0xFFFFF086  }
0x25: {  	[simem:s6], [sflag:s4] =	dma.local [hbm:s3], $0xF7A  }
0x26: {  	[smem:$0x3F99] =	sst s1;
	(tag) =	ssettag s2;
	_ =	strace s9  }
0x27: {  	s1 =	sld [smem:$0x3FA9]  }
0x28: {  	s2 =	sld [smem:$0x3FAA]  }
0x29: {  	s4 =	sld [smem:$0x3FAC]  }
0x2a: {  	p0 =	seq.s32 s5, $0x0;
	s5 =	sld [smem:$0x3FAD]  }
0x2b: {  	s6 =	sld [smem:$0x3FAE]  }
0x2c: {  	s7 =	sld [smem:$0x3FAF]  }
0x2d: {  	s3 =	simm.s32 $0x108;
	s8 =	sld [smem:$0x3FB0]  }
0x2e: {  	s3 =	simm.s32 @!p0 $0x1082;
	s9 =	sld [smem:$0x3FB1]  }
0x2f: {  	lr =	sadd.s32 s0, s3;
	s0 =	sld [smem:$0x3FA8]  }
0x30: {  	s3 =	sld [smem:$0x3FAB]  }
0x31: {  	[smem:$0x3FB4] =	sst s10  }
0x32: {  	s10 =	sld [smem:$0x3FB2];
	_ =	sdelay $0x3  }
0x33: {  	p0 =	seq.s32 s10, $0x1;
	s10 =	sld [smem:$0x3FB4];
	_ =	sdelay $0x3  }
0x34: {  	[smem:$0x3FB4] =	sst s10  }
0x35: {  	s10 =	sld [smem:$0x3FB3];
	_ =	sdelay $0x3  }
0x36: {  	p1 =	seq.s32 s10, $0x1;
	s10 =	sld [smem:$0x3FB4];
	_ =	sdelay $0x3  }
0x37: {  	[smem:$0x3FB4] =	sst s10  }
0x38: {  	s10 =	sld [smem:$0x3FB5]  }
0x39: {  	_ = 	snop;
	(pc) =	sbr.ind lr, $3  }
0x3a: {  	_ = 	snop  }
0x3b: {  	_ = 	snop  }
0x3c: {  	p2 =	seq.s32 s10, $0x1;
	s10 =	sld [smem:$0x3FB4]  }
0x3d: {  	_ =	shalt  }
0x3e: {  	_ =	shalt  }
0x3f: {  	_ =	shalt  }
0x40: {  	_ =	shalt  }
0x41: {  	_ =	shalt  }
0x42: {  	_ =	shalt  }
0x43: {  	_ =	shalt  }
0x44: {  	_ =	shalt  }
0x45: {  	_ =	shalt  }
0x46: {  	_ =	shalt  }
0x47: {  	_ =	shalt  }
0x48: {  	_ =	shalt  }
0x49: {  	_ =	shalt  }
0x4a: {  	_ =	shalt  }
0x4b: {  	_ =	shalt  }
0x4c: {  	_ =	shalt  }
0x4d: {  	_ =	shalt  }
0x4e: {  	_ =	shalt  }
0x4f: {  	_ =	shalt  }
0x50: {  	_ =	shalt  }
0x51: {  	_ =	shalt  }
0x52: {  	_ =	shalt  }
0x53: {  	_ =	shalt  }
0x54: {  	_ =	shalt  }
0x55: {  	_ =	shalt  }
0x56: {  	_ =	shalt  }
0x57: {  	_ =	shalt  }
0x58: {  	_ =	shalt  }
0x59: {  	_ =	shalt  }
0x5a: {  	_ =	shalt  }
0x5b: {  	_ =	shalt  }
0x5c: {  	_ =	shalt  }
0x5d: {  	_ =	shalt  }
0x5e: {  	_ =	shalt  }
0x5f: {  	_ =	shalt  }
0x60: {  	_ =	shalt  }
0x61: {  	_ =	shalt  }
0x62: {  	_ =	shalt  }
0x63: {  	_ =	shalt  }
0x64: {  	_ =	shalt  }
0x65: {  	_ =	shalt  }
0x66: {  	_ =	shalt  }
0x67: {  	_ =	shalt  }
0x68: {  	_ =	shalt  }
0x69: {  	_ =	shalt  }
0x6a: {  	_ =	shalt  }
0x6b: {  	_ =	shalt  }
0x6c: {  	_ =	shalt  }
0x6d: {  	_ =	shalt  }
0x6e: {  	_ =	shalt  }
0x6f: {  	_ =	shalt  }
0x70: {  	_ =	shalt  }
0x71: {  	_ =	shalt  }
0x72: {  	_ =	shalt  }
0x73: {  	_ =	shalt  }
0x74: {  	_ =	shalt  }
0x75: {  	_ =	shalt  }
0x76: {  	_ =	shalt  }
0x77: {  	_ =	shalt  }
0x78: {  	_ =	shalt  }
0x79: {  	_ =	shalt  }
0x7a: {  	_ =	shalt  }
0x7b: {  	_ =	shalt  }
0x7c: {  	_ =	shalt  }
0x7d: {  	_ =	shalt  }
0x7e: {  	_ =	shalt  }
0x7f: {  	_ =	shalt  }
0x80: {  	_ =	shalt  }
0x81: {  	_ =	shalt  }
0x82: {  	_ =	shalt  }
0x83: {  	_ =	shalt  }
0x84: {  	_ =	shalt  }
0x85: {  	_ =	shalt  }
0x86: {  	_ =	shalt  }
0x87: {  	_ =	shalt  }
.Lfunc_end0:
.L_simem_size_0:
called_computation_lowered:
.L_overlay_start_0:
0x88: {  	s2 =	sld [smem:$0x3FD9]  }
0x89: {  	s3 =	sld [smem:$0x3FFE];
	_ =	sdelay $0x1  }
0x8a: {  	s1 =	srdreg.scid  }
0x8b: {  	s0 =	sand.u32 $0x1, s1  }
0x8c: {  	s14 =	sshll.u32 s0, $0xA;
	s2 =	sadd.s32 s3, s2  }
0x8d: {  	s2 =	sadd.s32 s2, s14  }
0x8e: {  	[smem:$0x3FC0] =	sst s2  }
0x8f: {  	_ = 	snop  }
0x90: {  	s2 =	sld [smem:$0x3FD0];
	_ =	sdelay $0x2  }
0x91: {  	s4 =	simm.s32 $0xA;
	s5 =	simm.s32 $0x10;
	s15 =	sld [smem:$0x3FC9]  }
0x92: {  	[smem:s5], [sflag:s4] =	dma.local [hbm:s2], $0x1  }
0x93: {  	_ =	swait.eq [sflag:s4], $0x1  }
0x94: {  	[sflag:s4] =	ssyncset.done $0x0  }
0x95: {  	[sflag:s4] =	ssyncadd.s32 $0xFFFFFFFF  }
0x96: {  	s16 =	sld [smem:$0x10];
	(tm) =	ssettm $0x1  }
0x97: {  	s17 =	sld [smem:$0x3FFB];
	_ =	sdelay $0x3  }
0x98: {  	_ =	strace s17  }
0x99: {  	s4 =	sld [smem:$0x3FFC];
	_ =	sdelay $0x3  }
0x9a: {  	_ =	strace s4  }
0x9b: {  	s4 =	sld [smem:$0x3FFD];
	_ =	sdelay $0x3  }
0x9c: {  	_ =	strace s4  }
0x9d: {  	_ =	strace $0x8FFFFFFF  }
0x9e: {  	s18 =	sld [smem:$0x3FDB];
	_ =	sdelay $0x1  }
0x9f: {  	s19 =	simm.s32 $_scs_section_size  }
0xa0: {  	s6 =	simm.s32 $_size__tile_overlayer_lowered;
	s7 =	simm.s32 $_tile_overlayer_lowered  }
0xa1: {  	s22 =	simm.s32 $0x1BFF;
	s21 =	sshll.u32 s7, $0x1;
	s4 =	sadd.s32 s19, s18  }
0xa2: {  	s8 =	simm.s32 $0x0;
	s20 =	sshll.u32 s6, $0x1;
	s6 =	sadd.s32 s21, s4  }
0xa3: {  	[timem:s8], [sflag:s22] =	dma.local [hbm:s6], s20  }
0xa4: {  	_ =	swait.ge [sflag:s22], s20  }
0xa5: {  	s5 =	ssub.s32 $0x0, s20;
	[sflag:s22] =	ssyncset.done $0x0  }
0xa6: {  	[sflag:s22] =	ssyncadd.s32 s5;
	_ =	sdelay $0x1  }
0xa7: {  	s23 =	simm.s32 $0x1B8B  }
0xa8: {  	_ =	swait.ge [sflag:s23], $0x1  }
0xa9: {  	[sflag:s23] =	ssyncset.done $0x0  }
0xaa: {  	s25 =	simm.s32 $0x1B8E;
	s24 =	sld [smem:$0x3FFE];
	[sflag:s23] =	ssyncadd.s32 $0xFFFFFFFF  }
0xab: {  	s26 =	simm.s32 $execute0_lowered;
	[smem:$0x3FD2] =	sst s25  }
0xac: {  	s6 =	sshll.u32 s26, $0x1;
	_ =	strace $0x80000046;
	[dreg:$0x1] =	wrdreg $0xFFFFFFFF  }
0xad: {  	s28 =	simm.s32 $_size_execute0_lowered;
	s4 =	sadd.s32 s4, s6;
	[dreg:$0x0] =	wrdreg $0x0  }
0xae: {  	s6 =	sshll.u32 s28, $0x1;
	[dreg:$0x2] =	wrdreg s4  }
0xaf: {  	[dreg:$0x3] =	wrdreg s6  }
0xb0: {  	[dreg:$0x4] =	wrdreg $0xC0  }
0xb1: {  	_ =	task [dreg:s8], $0x5FFFF  }
0xb2: {  	[dreg:$0x1] =	wrdreg $0xFFFFFFFF  }
0xb3: {  	[dreg:$0x0] =	wrdreg $0x60  }
0xb4: {  	[dreg:$0x2] =	wrdreg s15  }
0xb5: {  	[dreg:$0x3] =	wrdreg s16  }
0xb6: {  	[dreg:$0x4] =	wrdreg s24  }
0xb7: {  	[dreg:$0x5] =	wrdreg $0x9  }
0xb8: {  	_ =	task.clear_ibuf [dreg:s8], $0x6FFFF;
	_ =	strace $0x90000046  }
0xb9: {  	s29 =	simm.s32 $0x9;
	_ =	strace $0x80000048  }
0xba: {  	_ =	swait.ge [sflag:s29], $0x1  }
0xbb: {  	[sflag:s29] =	ssyncadd.s32 $0xFFFFFFFF  }
0xbc: {  	_ =	strace $0x90000048  }
0xbd: {  	_ =	sfence  }
0xbe: {  	s30 =	sld [smem:$0x0];
	_ =	sdelay $0x2  }
0xbf: {  	s31 =	sshll.u32 s1, $0xD;
	s1 =	sshrl.u32 s1, $0x2  }
0xc0: {  	s3 =	sand.u32 $0x4000, s31;
	s1 =	sadd.s32 s1, s30  }
0xc1: {  	s0 =	sor.u32 s3, s0;
	s1 =	sshll.u32 s1, $0x11  }
0xc2: {  	s0 =	sor.u32 s1, s0  }
0xc3: {  	s0 =	sadd.s32 $0x8F2B, s0  }
0xc4: {  	[sflag:s0] =	ssyncadd.remote.s32 $0x1  }
0xc5: {  	_ =	sfence.sel $0xFFFF  }
0xc6: {  	[dreg:$0x0] =	wrdreg $0xFFFFFFFF;
	(pc) =	sbr.abs _section_cstart, $3  }
0xc7: {  	[dreg:$0x1] =	wrdreg $0xFFFFFFFF  }
0xc8: {  	_ =	task.clear_ibuf [dreg:s8], $0x2FFFF;
	_ =	strace $0x9FFFFFFF  }
0xc9: {  	(tm) =	ssettm $0x7FFFFFFF  }
tec
execute0_lowered:
.L_overlay_start_1:
0x0: {  	(tag) =	ssettag $0x1  }
0x1: {  	s1 =	rddreg [dreg:$0x0];
	s2 =	srdreg.scid  }
0x2: {  	s0 =	stileid.u32;
	s4 =	rddreg [dreg:$0x1]  }
0x3: {  	s5 =	rddreg [dreg:$0x2];
	s3 =	simm.s32 $0x0;
	s15 =	simm.s32 $0x1  }
0x4: {  	s16 =	simm.s32 $0x3;
	s17 =	simm.s32 $0x2;
	s13 =	smul.u32 $0x271000, s0  }
0x5: {  	s18 =	simm.s32 $0x4;
	s7 =	sand.u32 $0x1, s2;
	s25 =	smul.u32 $0x4E200, s0  }
0x6: {  	s19 =	sshll.u32 s0, $0x1;
	s2 =	rddreg [dreg:$0x3];
	s23 =	smul.u32 $0x138800, s7  }
0x7: {  	[smem:$0x7FF] =	sst s3;
	s6 =	sor.u32 s7, s19;
	s14 =	smul.u32 $0x27100, s7  }
0x8: {  	s12 =	sadd.s32 $0x1800, s5;
	_ =	strace $0x80000047;
	s8 =	smul.u32 $0x500, s6  }
0x9: {  	s10 =	ssub.s32 $0x2, s7;
	s19 =	simm.s32 $0x2680;
	s9 =	smul.u32 $0x138800, s6  }
0xa: {  	s11 =	smul.u32 $0x27100, s6;
	s20 =	sshrl.u32 s10, $0x1;
	s28 =	sadd.s32 s25, s12  }
0xb: {  	s21 =	ssub.s32 s10, s20;
	s26 =	sadd.s32 s23, s13;
	s31 =	sadd.s32 s14, s28  }
0xc: {  	s13 =	simm.s32 $0x80;
	s14 =	simm.s32 $0x6800;
	s20 =	simm.s32 $0x10  }
0xd: {  	s22 =	sshrl.u32 s9, $0x3;
	s4 =	sadd.s32 s4, s8;
	s6 =	smax.u32 s21, $0x1  }
0xe: {  	s29 =	sadd.s32 s12, s11;
	s30 =	sshrl.u32 s26, $0x3;
	s10 =	sadd.s32 $0x800, s31  }
0xf: {  	s11 =	simm.s32 $0x5;
	s21 =	simm.s32 $0x2700;
	s24 =	sadd.s32 s12, s22  }
0x10: {  	s8 =	sadd.s32 $0x26800, s29;
	s9 =	sadd.s32 s30, s12;
	s12 =	simm.s32 $0x2800  }
0x11: {  	s22 =	simm.s32 $0x0;
	s5 =	sadd.s32 $0x27000, s24;
	s7 =	sadd.s32 $0x26000, s24  }
.LBB2_1:
0x12: {  	[tilespmem:s3], [sflag:$0x5] =	stream.linear.gather [hbm4b:s4+s3], $0x2800, $0x38;
	[tilespmem:$0xA800] =	vst v63  }
0x13: {  	_ =	swait.ge [sflag:s11], $0x2800  }
0x14: {  	[sflag:s11] =	ssyncset.done $0x0  }
0x15: {  	[sflag:s11] =	ssyncadd.s32 $0xFFFFD800  }
0x16: {  	[tilespmem:s12], [sflag:$0x1] =	stream.indirect.gather [hbm4b:s1+s13], $0x80, s3, s13, $0xb8;
	[tilespmem:$0xA800] =	vst v63  }
0x17: {  	_ = 	snop  }
0x18: {  	[tilespmem:s14], [sflag:$0x2] =	stream.indirect.gather [hbm4b:s1+s13], $0x80, s13, s13, $0xb8;
	[tilespmem:$0xA800] =	vst v63  }
0x19: {  	_ =	swait.ge [sflag:s15], $0x4000  }
0x1a: {  	[sflag:s15] =	ssyncset.done $0x0  }
0x1b: {  	s23 =	sadd.s32 $0x0, s9;
	[sflag:s15] =	ssyncadd.s32 $0xFFFFC000  }
0x1c: {  	[hbm4b:s23+s3] =	stream.linear.scatter [tilespmem:s12], [sflag:$0x3], $0x4000, $0x38;
	[tilespmem:$0xA800] =	vst v63  }
0x1d: {  	_ =	swait.ge [sflag:s16], $0x4000  }
0x1e: {  	[sflag:s16] =	ssyncset.done $0x0  }
0x1f: {  	s30 =	simm.s32 $0x100;
	[sflag:s16] =	ssyncadd.s32 $0xFFFFC000  }
0x20: {  	[tilespmem:s12], [sflag:$0x1] =	stream.indirect.gather [hbm4b:s1+s13], $0x80, s30, s13, $0xb8;
	[tilespmem:$0xA800] =	vst v63  }
0x21: {  	_ =	swait.ge [sflag:s17], $0x4000  }
0x22: {  	[sflag:s17] =	ssyncset.done $0x0  }
0x23: {  	s31 =	sadd.s32 $0x0, s10;
	[sflag:s17] =	ssyncadd.s32 $0xFFFFC000  }
0x24: {  	[hbm4b:s31+s3] =	stream.linear.scatter [tilespmem:s14], [sflag:$0x4], $0x4000, $0x38;
	[tilespmem:$0xA800] =	vst v63  }
0x25: {  	_ =	swait.ge [sflag:s18], $0x4000  }
0x26: {  	s24 =	simm.s32 $0x80;
	s23 =	simm.s32 $0x1000;
	[sflag:s18] =	ssyncset.done $0x0  }
.LBB2_2:
0x27: {  	p0 =	sne.s32 s23, $0x25000;
	[sflag:s18] =	ssyncadd.s32 $0xFFFFC000;
	s24 =	sadd.s32 $0x100, s24  }
0x28: {  	[tilespmem:s14], [sflag:$0x2] =	stream.indirect.gather [hbm4b:s1+s13], $0x80, s24, s13, $0xb8;
	[tilespmem:$0xA800] =	vst v63  }
0x29: {  	s25 =	smov.u32 s23;
	s23 =	sadd.s32 $0x1000, s23;
	_ =	swait.ge [sflag:s15], $0x4000  }
0x2a: {  	[sflag:s15] =	ssyncset.done $0x0  }
0x2b: {  	s26 =	sadd.s32 s25, s9;
	[sflag:s15] =	ssyncadd.s32 $0xFFFFC000  }
0x2c: {  	[hbm4b:s26+s3] =	stream.linear.scatter [tilespmem:s12], [sflag:$0x3], $0x4000, $0x38;
	[tilespmem:$0xA800] =	vst v63  }
0x2d: {  	_ =	swait.ge [sflag:s16], $0x4000  }
0x2e: {  	[sflag:s16] =	ssyncset.done $0x0  }
0x2f: {  	s26 =	sadd.s32 $0x80, s24;
	[sflag:s16] =	ssyncadd.s32 $0xFFFFC000  }
0x30: {  	[tilespmem:s12], [sflag:$0x1] =	stream.indirect.gather [hbm4b:s1+s13], $0x80, s26, s13, $0xb8;
	[tilespmem:$0xA800] =	vst v63  }
0x31: {  	_ =	swait.ge [sflag:s17], $0x4000  }
.Ltmp0:
0x32: {  	[sflag:s17] =	ssyncset.done $0x0;
	(pc) =	sbr.rel @p0 .LBB2_2-.Ltmp0, $4  }
0x33: {  	s25 =	sadd.s32 s25, s10;
	[sflag:s17] =	ssyncadd.s32 $0xFFFFC000  }
0x34: {  	[hbm4b:s25+s3] =	stream.linear.scatter [tilespmem:s14], [sflag:$0x4], $0x4000, $0x38;
	[tilespmem:$0xA800] =	vst v63  }
0x35: {  	_ =	swait.ge [sflag:s18], $0x4000  }
0x36: {  	[sflag:s18] =	ssyncset.done $0x0  }
0x37: {  	[sflag:s18] =	ssyncadd.s32 $0xFFFFC000  }
0x38: {  	[tilespmem:s14], [sflag:$0x2] =	stream.indirect.gather [hbm4b:s1+s13], $0x80, s19, s13, $0xb8;
	[tilespmem:$0xA800] =	vst v63  }
0x39: {  	_ =	swait.ge [sflag:s15], $0x4000  }
0x3a: {  	[sflag:s15] =	ssyncset.done $0x0  }
0x3b: {  	[sflag:s15] =	ssyncadd.s32 $0xFFFFC000  }
0x3c: {  	[hbm4b:s7+s3] =	stream.linear.scatter [tilespmem:s12], [sflag:$0x3], $0x4000, $0x38;
	[tilespmem:$0xA800] =	vst v63  }
0x3d: {  	_ =	swait.ge [sflag:s17], $0x4000  }
0x3e: {  	[sflag:s17] =	ssyncset.done $0x0  }
0x3f: {  	[sflag:s17] =	ssyncadd.s32 $0xFFFFC000  }
0x40: {  	[hbm4b:s8+s3] =	stream.linear.scatter [tilespmem:s14], [sflag:$0x4], $0x4000, $0x38;
	[tilespmem:$0xA800] =	vst v63  }
0x41: {  	_ =	swait.ge [sflag:s18], $0x4000  }
0x42: {  	[sflag:s18] =	ssyncset.done $0x0  }
0x43: {  	[sflag:s18] =	ssyncadd.s32 $0xFFFFC000  }
0x44: {  	_ =	swait.ge [sflag:s16], $0x4000  }
0x45: {  	[sflag:s16] =	ssyncset.done $0x0  }
0x46: {  	[sflag:s16] =	ssyncadd.s32 $0xFFFFC000  }
0x47: {  	[tilespmem:s12], [sflag:$0x1] =	stream.indirect.gather [hbm4b:s1+s20], $0x80, s21, s20, $0xb8;
	[tilespmem:$0xA800] =	vst v63  }
0x48: {  	s22 =	sadd.s32 $0x1, s22;
	_ =	swait.ge [sflag:s15], $0x800  }
0x49: {  	p0 =	sne.s32 s22, s6;
	[sflag:s15] =	ssyncset.done $0x0  }
.Ltmp1:
0x4a: {  	[sflag:s15] =	ssyncadd.s32 $0xFFFFF800;
	(pc) =	sbr.rel @p0 .LBB2_1-.Ltmp1, $4  }
0x4b: {  	[hbm4b:s5+s3] =	stream.linear.scatter [tilespmem:s12], [sflag:$0x5], $0x800, $0x38;
	[tilespmem:$0xA800] =	vst v63  }
0x4c: {  	_ =	swait.ge [sflag:s11], $0x800  }
0x4d: {  	[sflag:s11] =	ssyncset.done $0x0  }
0x4e: {  	[sflag:s11] =	ssyncadd.s32 $0xFFFFF800  }
0x4f: {  	_ =	sfence.sel $0x180000  }
0x50: {  	[bflag:$0x0] =	sbarrier.arrive $0xFFFF  }
0x51: {  	p0 =	sne.s32 s0, $0x0;
	_ =	strace $0x90000047  }
0x52: {  	s0 =	sadd.s32 @!p0 $0x100000, s2;
	[bflag:$0x2] =	sbarrier.arrive $0xFFFF  }
0x53: {  	[sflag:s0] =	ssyncadd.tile.s32 @!p0 $0x1;
	_ =	shalt  }
.Lfunc_end2:
_tile_overlayer_lowered:
.L_overlay_start_2:
0x54: {  	(tag) =	ssettag $0x2  }
0x55: {  	s0 =	rddreg [dreg:$0x0];
	s2 =	stileid.u32  }
0x56: {  	s1 =	rddreg [dreg:$0x1];
	p0 =	sne.s32 s2, $0x0  }
0x57: {  	s3 =	rddreg [dreg:$0x2];
	[bflag:$0x3] =	sbarrier.arrive $0xFFFF;
	s2 =	simm.s32 @!p0 $0x1C05  }
0x58: {  	[timem:s3], [sflag:s2] =	dma.local @!p0 [hbm:s0], s1  }
0x59: {  	s0 =	simm.s32 @!p0 $0x5  }
0x5a: {  	_ =	swait.ge @!p0 [sflag:s0], s1  }
0x5b: {  	s1 =	ssub.s32 @!p0 $0x0, s1;
	[sflag:s0] =	ssyncset.done @!p0 $0x0  }
0x5c: {  	[sflag:s0] =	ssyncadd.s32 @!p0 s1  }
0x5d: {  	[bflag:$0x3] =	sbarrier.arrive $0xFFFF  }
0x5e: {  	_ =	shalt  }

</sc_bundles>
